<compile_context>
chip_gen: v7x
topology: tpu7x:2x2x1
jax: 0.10.2.dev20260603
libtpu: 0.0.44.dev20260713+nightly
codegen_flags: <defaults>
</compile_context>

<pallas_src>
import functools

import jax
import jax.numpy as jnp
from jax import lax
from jax.experimental import pallas as pl
from jax.experimental.pallas import tpu as pltpu
from jax.experimental.pallas import tpu_sc as plsc

N = 10000
E = 320000
G = 64
D = 128
H = 128
U = 32
A = 16

NP = 10240
NC = 2
NS = 16
DH = D // 2
CH = 128
CPT = 158
EP = CPT * CH * NS
CPD = CPT // 2
RPT = NP // NS
R = 5120
NB = NP // R

_f32 = jnp.float32


def _mesh():
    return plsc.VectorSubcoreMesh(
        core_axis_name="c", subcore_axis_name="s", num_cores=NC, num_subcores=NS
    )



def _deg_body(sd_hbm, ones_hbm, zeros_hbm, out_hbm, idxall, onesv, acc, sem):
    c = lax.axis_index("c")
    s = lax.axis_index("s")
    pltpu.sync_copy(zeros_hbm, acc.at[pl.ds(s * RPT, RPT)])
    pltpu.sync_copy(ones_hbm, onesv)
    pltpu.sync_copy(sd_hbm.at[s, pl.ds(c * CPD, CPD)], idxall)
    plsc.subcore_barrier()

    def fire(g, carry):
        pltpu.make_async_copy(onesv, acc.at[idxall.at[g, 1]], sem).start(add=True)
        return carry

    def drain(g, carry):
        pltpu.make_async_copy(onesv, acc.at[idxall.at[g, 1]], sem).wait()
        return carry

    lax.fori_loop(0, CPD, fire, 0)
    lax.fori_loop(0, CPD, drain, 0)
    plsc.subcore_barrier()
    pltpu.sync_copy(acc.at[pl.ds(s * RPT, RPT)], out_hbm.at[c, pl.ds(s * RPT, RPT)])


_deg_call = pl.kernel(
    _deg_body,
    out_type=jax.ShapeDtypeStruct((NC, NP), _f32),
    mesh=_mesh(),
    scratch_types=[
        pltpu.VMEM((CPD, 2, CH), jnp.int32),
        pltpu.VMEM((CH,), _f32),
        pltpu.VMEM_SHARED((NP,), _f32),
        pltpu.SemaphoreType.DMA,
    ],
)



NBUF = 5
NIDX = 8
LEAD = 3


def _edge_body(hw_hbm, sd_hbm, zrow_hbm, out_hbm, idxb, stage, table, acc,
               isem, gsem, ssem):
    c = lax.axis_index("c")
    s = lax.axis_index("s")
    cols = pl.ds(c * DH, DH)

    def idx_load(g, slot):
        return pltpu.make_async_copy(sd_hbm.at[s, g], idxb.at[slot], isem.at[slot])

    def gath(slot, b):
        return pltpu.make_async_copy(table.at[idxb.at[slot, 0]], stage.at[b],
                                     gsem.at[b])

    def scat(slot, b):
        return pltpu.make_async_copy(stage.at[b], acc.at[idxb.at[slot, 1]],
                                     ssem.at[b])

    for j in range(NIDX - 1):
        idx_load(j, j).start()
    rows = pl.ds(s * RPT, RPT)
    pltpu.sync_copy(hw_hbm.at[rows, cols], table.at[rows])
    for r in range(RPT // 128):
        pltpu.sync_copy(zrow_hbm, acc.at[pl.ds(s * RPT + r * 128, 128)])
    plsc.subcore_barrier()
    for j in range(LEAD):
        idx_load(j, j).wait()
        gath(j, j).start()

    def body(i, carry):
        b = lax.rem(i, NBUF)
        sl = jnp.bitwise_and(i, NIDX - 1)
        f = i + LEAD
        slf = jnp.bitwise_and(f, NIDX - 1)
        bf = lax.rem(f, NBUF)

        @pl.when(f < CPT)
        def _():
            idx_load(f, slf).wait()
            fb = f - NBUF

            @pl.when(fb >= 0)
            def _():
                scat(jnp.bitwise_and(fb, NIDX - 1), bf).wait()

            gath(slf, bf).start()
            nxt = fb + NIDX

            @pl.when((nxt >= NIDX - 1) & (nxt < CPT))
            def _():
                idx_load(nxt, jnp.bitwise_and(nxt, NIDX - 1)).start()

        gath(sl, b).wait()
        scat(sl, b).start(add=True)
        return carry

    lax.fori_loop(0, CPT, body, 0)
    for g in range(CPT - NBUF, CPT):
        scat(g & (NIDX - 1), g % NBUF).wait()
    plsc.subcore_barrier()
    pltpu.sync_copy(acc.at[rows], out_hbm.at[rows, cols])


_edge_call = pl.kernel(
    _edge_body,
    out_type=jax.ShapeDtypeStruct((NP, D), _f32),
    mesh=_mesh(),
    compiler_params=pltpu.CompilerParams(use_tc_tiling_on_sc=False),
    scratch_types=[
        pltpu.VMEM((NIDX, 2, CH), jnp.int32),
        pltpu.VMEM((NBUF, CH, DH), _f32),
        pltpu.VMEM_SHARED((NP, DH), _f32),
        pltpu.VMEM_SHARED((NP, DH), _f32),
        pltpu.SemaphoreType.DMA((NIDX,)),
        pltpu.SemaphoreType.DMA((NBUF,)),
        pltpu.SemaphoreType.DMA((NBUF,)),
    ],
)



def _mm_raw_body(x_ref, w_ref, o_ref):
    o_ref[...] = jnp.dot(x_ref[...], w_ref[...], preferred_element_type=_f32)


def _mm_raw(xp, w1):
    return pl.pallas_call(
        _mm_raw_body,
        grid=(NB,),
        in_specs=[
            pl.BlockSpec((R, D), lambda i: (i, 0)),
            pl.BlockSpec((D, H), lambda i: (0, 0)),
        ],
        out_specs=pl.BlockSpec((R, H), lambda i: (i, 0)),
        out_shape=jax.ShapeDtypeStruct((NP, H), _f32),
    )(xp, w1)


def _scale_body(xw_ref, d_ref, o_ref, t_ref):
    dinv = lax.rsqrt(d_ref[0:1, :] + d_ref[1:2, :] + 1.0)
    t = jnp.transpose(dinv, (1, 0))
    t_ref[...] = jnp.broadcast_to(t, (R, D))
    o_ref[...] = xw_ref[...] * t


def _mm_scale(xw, degs):
    return pl.pallas_call(
        _scale_body,
        grid=(NB,),
        in_specs=[
            pl.BlockSpec((R, D), lambda i: (i, 0)),
            pl.BlockSpec((NC, R), lambda i: (0, i)),
        ],
        out_specs=[
            pl.BlockSpec((R, H), lambda i: (i, 0)),
            pl.BlockSpec((R, D), lambda i: (i, 0)),
        ],
        out_shape=[
            jax.ShapeDtypeStruct((NP, H), _f32),
            jax.ShapeDtypeStruct((NP, D), _f32),
        ],
    )(xw, degs)



def _layer_body(p_ref, hw_ref, t_ref, w_ref, b_ref, o_ref):
    t = t_ref[...]
    h = jnp.maximum((p_ref[...] + hw_ref[...]) * t + b_ref[...], 0.0)
    o_ref[...] = jnp.dot(h, w_ref[...], preferred_element_type=_f32) * t


def _layer_fuse(parts, hw, tinv, w2, b1):
    return pl.pallas_call(
        _layer_body,
        grid=(NB,),
        in_specs=[
            pl.BlockSpec((R, D), lambda i: (i, 0)),
            pl.BlockSpec((R, D), lambda i: (i, 0)),
            pl.BlockSpec((R, D), lambda i: (i, 0)),
            pl.BlockSpec((D, H), lambda i: (0, 0)),
            pl.BlockSpec((1, H), lambda i: (0, 0)),
        ],
        out_specs=pl.BlockSpec((R, H), lambda i: (i, 0)),
        out_shape=jax.ShapeDtypeStruct((NP, H), _f32),
    )(parts, hw, tinv, w2, b1)



def _pool_body(p_ref, hw_ref, t_ref, b2_ref, bt_ref, u_ref,
               aw1h_ref, aw1u_ref, ab1_ref, aw2_ref, ab2_ref,
               cw1h_ref, cw1u_ref, cb1_ref, cw2_ref, cb2_ref,
               oa_ref, ov_ref, pacc, cacc):
    i = pl.program_id(0)

    @pl.when(i == 0)
    def _init():
        pacc[...] = jnp.zeros_like(pacc)
        cacc[...] = jnp.zeros_like(cacc)

    h2 = jnp.maximum((p_ref[...] + hw_ref[...]) * t_ref[...] + b2_ref[...], 0.0)
    onehot = (bt_ref[...] == lax.broadcasted_iota(jnp.int32, (G, R), 0)).astype(_f32)
    pacc[...] += jnp.dot(onehot, h2, preferred_element_type=_f32)
    cacc[...] += jnp.dot(onehot, jnp.ones((R, D), _f32), preferred_element_type=_f32)

    @pl.when(i == NB - 1)
    def _heads():
        pooled = pacc[...] / jnp.maximum(cacc[...], 1.0)
        ah = jnp.maximum(
            jnp.dot(pooled, aw1h_ref[...], preferred_element_type=_f32)
            + jnp.dot(u_ref[...], aw1u_ref[...], preferred_element_type=_f32)
            + ab1_ref[...], 0.0)
        oa_ref[...] = jnp.dot(ah, aw2_ref[...], preferred_element_type=_f32) + ab2_ref[...]
        ch = jnp.maximum(
            jnp.dot(pooled, cw1h_ref[...], preferred_element_type=_f32)
            + jnp.dot(u_ref[...], cw1u_ref[...], preferred_element_type=_f32)
            + cb1_ref[...], 0.0)
        ov_ref[...] = jnp.dot(ch, cw2_ref[...], preferred_element_type=_f32) + cb2_ref[...]


def _pool_heads(parts, hw, tinv, b2, bt, u, aW1, ab1, aW2, ab2,
                cW1, cb1, cW2, cb2):
    full = lambda shape: pl.BlockSpec(shape, lambda i: tuple(0 for _ in shape))
    return pl.pallas_call(
        _pool_body,
        grid=(NB,),
        in_specs=[
            pl.BlockSpec((R, D), lambda i: (i, 0)),
            pl.BlockSpec((R, D), lambda i: (i, 0)),
            pl.BlockSpec((R, D), lambda i: (i, 0)),
            full((1, H)),
            pl.BlockSpec((1, R), lambda i: (0, i)),
            full((G, U)),
            full((H, H)), full((U, H)), full((1, H)),
            full((H, A)), full((1, A)),
            full((H, H)), full((U, H)), full((1, H)),
            full((H, 1)), full((1, 1)),
        ],
        out_specs=[
            pl.BlockSpec((G, A), lambda i: (0, 0)),
            pl.BlockSpec((G, 1), lambda i: (0, 0)),
        ],
        out_shape=[
            jax.ShapeDtypeStruct((G, A), _f32),
            jax.ShapeDtypeStruct((G, 1), _f32),
        ],
        scratch_shapes=[
            pltpu.VMEM((G, H), _f32),
            pltpu.VMEM((G, H), _f32),
        ],
    )(parts, hw, tinv, b2, bt, u,
      aW1[:H], aW1[H:], ab1, aW2, ab2,
      cW1[:H], cW1[H:], cb1, cW2, cb2)



def kernel(x, u, W1, b1, W2, b2, aW1, ab1, aW2, ab2, cW1, cb1, cW2, cb2,
           edge_index, batch):
    xp = jnp.zeros((NP, D), _f32).at[:N].set(x)
    pad = jnp.full((2, EP - E), N, jnp.int32)
    srcdst = (jnp.concatenate([edge_index, pad], axis=1)
              .reshape(2, NS, CPT, CH).transpose(1, 2, 0, 3))
    btp = jnp.concatenate([batch, jnp.full((NP - N,), G, jnp.int32)]).reshape(1, NP)

    ones_row = jnp.ones((CH,), _f32)
    zeros_seg = jnp.zeros((RPT,), _f32)
    zeros_row = jnp.zeros((128, DH), _f32)

    degs = _deg_call(srcdst, ones_row, zeros_seg)

    xw = _mm_raw(xp, W1)
    hw1, tinv = _mm_scale(xw, degs)
    parts1 = _edge_call(hw1, srcdst, zeros_row)
    hw2 = _layer_fuse(parts1, hw1, tinv, W2, b1.reshape(1, H))
    parts2 = _edge_call(hw2, srcdst, zeros_row)

    oa, ov = _pool_heads(
        parts2, hw2, tinv, b2.reshape(1, H), btp, u,
        aW1, ab1.reshape(1, H), aW2, ab2.reshape(1, A),
        cW1, cb1.reshape(1, H), cW2, cb2.reshape(1, 1))
    return (oa, ov)

# --- scband reference (transcript-rebuilt; emitter-appended) ---
"""Pipeline reference for scband-actor-critic-gnn-88845693485630 (READ-ONLY COPY).

The authoritative reference and input builder live on the scoring server;
editing this copy changes nothing except your own understanding.
"""

import jax, jax.numpy as jnp
import numpy as np

N = 10000
E = 320000
G = 64
D = 128
H = 128
U = 32
A = 16


def _gcn_conv(x, edge_index, W, b, num_nodes):
    # PyG-style GCNConv: add self-loops, symmetric normalization
    loop = jnp.arange(num_nodes, dtype=edge_index.dtype)
    src = jnp.concatenate([edge_index[0], loop])
    dst = jnp.concatenate([edge_index[1], loop])
    deg = jnp.zeros((num_nodes,), dtype=x.dtype).at[dst].add(1.0)
    dinv = jnp.where(deg > 0, 1.0 / jnp.sqrt(deg), 0.0)
    norm = dinv[src] * dinv[dst]
    h = x @ W
    msg = h[src] * norm[:, None]
    out = jnp.zeros((num_nodes, W.shape[1]), dtype=x.dtype).at[dst].add(msg)
    return out + b


def setup_inputs(seed: int = 0) -> dict:
    key = jax.random.key(seed)
    ks = jax.random.split(key, 16)
    x = jax.random.normal(ks[0], (N, D), dtype=jnp.float32)
    edge_index = jax.random.randint(ks[1], (2, E), 0, N, dtype=jnp.int32)
    batch = jnp.sort(jax.random.randint(ks[2], (N,), 0, G, dtype=jnp.int32))
    u = jax.random.normal(ks[3], (G, U), dtype=jnp.float32)
    def lin(k, fi, fo):
        return jax.random.normal(k, (fi, fo), dtype=jnp.float32) * (1.0 / np.sqrt(fi))
    W1 = lin(ks[4], D, H); b1 = jnp.zeros((H,), jnp.float32)
    W2 = lin(ks[5], H, H); b2 = jnp.zeros((H,), jnp.float32)
    aW1 = lin(ks[6], H + U, H); ab1 = jnp.zeros((H,), jnp.float32)
    aW2 = lin(ks[7], H, A); ab2 = jnp.zeros((A,), jnp.float32)
    cW1 = lin(ks[8], H + U, H); cb1 = jnp.zeros((H,), jnp.float32)
    cW2 = lin(ks[9], H, 1); cb2 = jnp.zeros((1,), jnp.float32)
    return {"x": x, "u": u, "W1": W1, "b1": b1, "W2": W2, "b2": b2,
            "aW1": aW1, "ab1": ab1, "aW2": aW2, "ab2": ab2,
            "cW1": cW1, "cb1": cb1, "cW2": cW2, "cb2": cb2,
            "edge_index": edge_index, "batch": batch}


def reference(x, u, W1, b1, W2, b2, aW1, ab1, aW2, ab2, cW1, cb1, cW2, cb2, edge_index, batch):
    h = jax.nn.relu(_gcn_conv(x, edge_index, W1, b1, N))
    h = jax.nn.relu(_gcn_conv(h, edge_index, W2, b2, N))
    counts = jnp.zeros((G,), dtype=h.dtype).at[batch].add(1.0)
    pooled = jnp.zeros((G, H), dtype=h.dtype).at[batch].add(h)
    pooled = pooled / jnp.maximum(counts, 1.0)[:, None]
    comb = jnp.concatenate([pooled, u], axis=1)
    action_logits = jax.nn.relu(comb @ aW1 + ab1) @ aW2 + ab2
    state_value = jax.nn.relu(comb @ cW1 + cb1) @ cW2 + cb2
    return (action_logits, state_value)

if __name__ == "__main__":
    import jax
    _d = setup_inputs()
    print(jax.jit(kernel)(*tuple(_d.values())))

</pallas_src>

<mosaic_0001>
#map = affine_map<(d0, d1) -> (0, 0)>
#map1 = affine_map<(d0, d1) -> (0, 0, 0, 0)>
module attributes {stable_mosaic.version = 14 : i64} {
  func.func @_edge_body(%arg0: i32, %arg1: i32, %arg2: memref<10240x128xf32, #tpu.memory_space<hbm>>, %arg3: memref<16x158x2x128xi32, #tpu.memory_space<hbm>>, %arg4: memref<128x64xf32, #tpu.memory_space<hbm>>, %arg5: memref<10240x128xf32, #tpu.memory_space<hbm>>, %arg6: memref<8x2x128xi32, #tpu.memory_space<vmem>>, %arg7: memref<5x128x64xf32, #tpu.memory_space<vmem>>, %arg8: memref<10240x64xf32, #tpu.memory_space<vmem_shared>>, %arg9: memref<10240x64xf32, #tpu.memory_space<vmem_shared>>, %arg10: memref<8x!tpu.dma_semaphore, #tpu.memory_space<semaphore_mem>>, %arg11: memref<5x!tpu.dma_semaphore, #tpu.memory_space<semaphore_mem>>, %arg12: memref<5x!tpu.dma_semaphore, #tpu.memory_space<semaphore_mem>>) attributes {dimension_semantics = [#tpu.dimension_semantics<core_parallel>, #tpu.dimension_semantics<subcore_parallel>], iteration_bounds = array<i64: 2, 16>, scalar_prefetch = 0 : i64, scratch_operands = 7 : i64, tpu.core_type = #tpu.core_type<sc_vector_subcore>, window_params = [{transform_indices = #map}, {transform_indices = #map1}, {transform_indices = #map}, {transform_indices = #map}]} {
    %mul3A = arith.constant 64 : i32
    %mul3A_0 = arith.muli %arg0, %mul3A : i32
    %dma_start3A = arith.constant 0 : i32
    %dma_start3A_1 = arith.constant 0 : i32
    %dma_start3A_2 = arith.constant 0 : i32
    %dma_start3A_3 = arith.constant 0 : i32
    %dma_start3A_4 = arith.constant 0 : i32
    %dma_start3A_5 = tpu.memref_slice %arg6[%dma_start3A_1, %dma_start3A_3, %dma_start3A_4] : memref<8x2x128xi32, #tpu.memory_space<vmem>> -> memref<1x2x128xi32, #tpu.memory_space<vmem>>
    %dma_start3A_6 = tpu.memref_squeeze %dma_start3A_5 : memref<1x2x128xi32, #tpu.memory_space<vmem>> -> memref<2x128xi32, #tpu.memory_space<vmem>>
    %dma_start3A_7 = arith.constant 0 : i32
    %dma_start3A_8 = arith.constant 0 : i32
    %dma_start3A_9 = tpu.memref_slice %arg3[%arg1, %dma_start3A, %dma_start3A_7, %dma_start3A_8] : memref<16x158x2x128xi32, #tpu.memory_space<hbm>> -> memref<1x1x2x128xi32, #tpu.memory_space<hbm>>
    %dma_start3A_10 = tpu.memref_squeeze %dma_start3A_9 : memref<1x1x2x128xi32, #tpu.memory_space<hbm>> -> memref<2x128xi32, #tpu.memory_space<hbm>>
    %dma_start3A_11 = tpu.memref_slice %arg10[%dma_start3A_2] : memref<8x!tpu.dma_semaphore, #tpu.memory_space<semaphore_mem>> -> memref<1x!tpu.dma_semaphore, #tpu.memory_space<semaphore_mem>>
    %dma_start3A_12 = tpu.memref_squeeze %dma_start3A_11 : memref<1x!tpu.dma_semaphore, #tpu.memory_space<semaphore_mem>> -> memref<!tpu.dma_semaphore, #tpu.memory_space<semaphore_mem>>
    %dma_start3A_13 = arith.constant 0 : i32
    %dma_start3A_14 = arith.constant 0 : i32
    %dma_start3A_15 = tpu.memref_slice %arg6[%dma_start3A_1, %dma_start3A_13, %dma_start3A_14] : memref<8x2x128xi32, #tpu.memory_space<vmem>> -> memref<1x2x128xi32, #tpu.memory_space<vmem>>
    %dma_start3A_16 = tpu.memref_squeeze %dma_start3A_15 : memref<1x2x128xi32, #tpu.memory_space<vmem>> -> memref<2x128xi32, #tpu.memory_space<vmem>>
    %dma_start3A_17 = arith.constant 0 : i32
    %dma_start3A_18 = arith.constant 0 : i32
    %dma_start3A_19 = tpu.memref_slice %arg3[%arg1, %dma_start3A, %dma_start3A_17, %dma_start3A_18] : memref<16x158x2x128xi32, #tpu.memory_space<hbm>> -> memref<1x1x2x128xi32, #tpu.memory_space<hbm>>
    %dma_start3A_20 = tpu.memref_squeeze %dma_start3A_19 : memref<1x1x2x128xi32, #tpu.memory_space<hbm>> -> memref<2x128xi32, #tpu.memory_space<hbm>>
    tpu.enqueue_dma source(%dma_start3A_20 : memref<2x128xi32, #tpu.memory_space<hbm>>) target(%dma_start3A_16 : memref<2x128xi32, #tpu.memory_space<vmem>>) target_semaphore(%dma_start3A_12 : memref<!tpu.dma_semaphore, #tpu.memory_space<semaphore_mem>>)
    %dma_start3A_21 = arith.constant 1 : i32
    %dma_start3A_22 = arith.constant 1 : i32
    %dma_start3A_23 = arith.constant 1 : i32
    %dma_start3A_24 = arith.constant 0 : i32
    %dma_start3A_25 = arith.constant 0 : i32
    %dma_start3A_26 = tpu.memref_slice %arg6[%dma_start3A_22, %dma_start3A_24, %dma_start3A_25] : memref<8x2x128xi32, #tpu.memory_space<vmem>> -> memref<1x2x128xi32, #tpu.memory_space<vmem>>
    %dma_start3A_27 = tpu.memref_squeeze %dma_start3A_26 : memref<1x2x128xi32, #tpu.memory_space<vmem>> -> memref<2x128xi32, #tpu.memory_space<vmem>>
    %dma_start3A_28 = arith.constant 0 : i32
    %dma_start3A_29 = arith.constant 0 : i32
    %dma_start3A_30 = tpu.memref_slice %arg3[%arg1, %dma_start3A_21, %dma_start3A_28, %dma_start3A_29] : memref<16x158x2x128xi32, #tpu.memory_space<hbm>> -> memref<1x1x2x128xi32, #tpu.memory_space<hbm>>
    %dma_start3A_31 = tpu.memref_squeeze %dma_start3A_30 : memref<1x1x2x128xi32, #tpu.memory_space<hbm>> -> memref<2x128xi32, #tpu.memory_space<hbm>>
    %dma_start3A_32 = tpu.memref_slice %arg10[%dma_start3A_23] : memref<8x!tpu.dma_semaphore, #tpu.memory_space<semaphore_mem>> -> memref<1x!tpu.dma_semaphore, #tpu.memory_space<semaphore_mem>>
    %dma_start3A_33 = tpu.memref_squeeze %dma_start3A_32 : memref<1x!tpu.dma_semaphore, #tpu.memory_space<semaphore_mem>> -> memref<!tpu.dma_semaphore, #tpu.memory_space<semaphore_mem>>
    %dma_start3A_34 = arith.constant 0 : i32
    %dma_start3A_35 = arith.constant 0 : i32
    %dma_start3A_36 = tpu.memref_slice %arg6[%dma_start3A_22, %dma_start3A_34, %dma_start3A_35] : memref<8x2x128xi32, #tpu.memory_space<vmem>> -> memref<1x2x128xi32, #tpu.memory_space<vmem>>
    %dma_start3A_37 = tpu.memref_squeeze %dma_start3A_36 : memref<1x2x128xi32, #tpu.memory_space<vmem>> -> memref<2x128xi32, #tpu.memory_space<vmem>>
    %dma_start3A_38 = arith.constant 0 : i32
    %dma_start3A_39 = arith.constant 0 : i32
    %dma_start3A_40 = tpu.memref_slice %arg3[%arg1, %dma_start3A_21, %dma_start3A_38, %dma_start3A_39] : memref<16x158x2x128xi32, #tpu.memory_space<hbm>> -> memref<1x1x2x128xi32, #tpu.memory_space<hbm>>
    %dma_start3A_41 = tpu.memref_squeeze %dma_start3A_40 : memref<1x1x2x128xi32, #tpu.memory_space<hbm>> -> memref<2x128xi32, #tpu.memory_space<hbm>>
    tpu.enqueue_dma source(%dma_start3A_41 : memref<2x128xi32, #tpu.memory_space<hbm>>) target(%dma_start3A_37 : memref<2x128xi32, #tpu.memory_space<vmem>>) target_semaphore(%dma_start3A_33 : memref<!tpu.dma_semaphore, #tpu.memory_space<semaphore_mem>>)
    %dma_start3A_42 = arith.constant 2 : i32
    %dma_start3A_43 = arith.constant 2 : i32
    %dma_start3A_44 = arith.constant 2 : i32
    %dma_start3A_45 = arith.constant 0 : i32
    %dma_start3A_46 = arith.constant 0 : i32
    %dma_start3A_47 = tpu.memref_slice %arg6[%dma_start3A_43, %dma_start3A_45, %dma_start3A_46] : memref<8x2x128xi32, #tpu.memory_space<vmem>> -> memref<1x2x128xi32, #tpu.memory_space<vmem>>
    %dma_start3A_48 = tpu.memref_squeeze %dma_start3A_47 : memref<1x2x128xi32, #tpu.memory_space<vmem>> -> memref<2x128xi32, #tpu.memory_space<vmem>>
    %dma_start3A_49 = arith.constant 0 : i32
    %dma_start3A_50 = arith.constant 0 : i32
    %dma_start3A_51 = tpu.memref_slice %arg3[%arg1, %dma_start3A_42, %dma_start3A_49, %dma_start3A_50] : memref<16x158x2x128xi32, #tpu.memory_space<hbm>> -> memref<1x1x2x128xi32, #tpu.memory_space<hbm>>
    %dma_start3A_52 = tpu.memref_squeeze %dma_start3A_51 : memref<1x1x2x128xi32, #tpu.memory_space<hbm>> -> memref<2x128xi32, #tpu.memory_space<hbm>>
    %dma_start3A_53 = tpu.memref_slice %arg10[%dma_start3A_44] : memref<8x!tpu.dma_semaphore, #tpu.memory_space<semaphore_mem>> -> memref<1x!tpu.dma_semaphore, #tpu.memory_space<semaphore_mem>>
    %dma_start3A_54 = tpu.memref_squeeze %dma_start3A_53 : memref<1x!tpu.dma_semaphore, #tpu.memory_space<semaphore_mem>> -> memref<!tpu.dma_semaphore, #tpu.memory_space<semaphore_mem>>
    %dma_start3A_55 = arith.constant 0 : i32
    %dma_start3A_56 = arith.constant 0 : i32
    %dma_start3A_57 = tpu.memref_slice %arg6[%dma_start3A_43, %dma_start3A_55, %dma_start3A_56] : memref<8x2x128xi32, #tpu.memory_space<vmem>> -> memref<1x2x128xi32, #tpu.memory_space<vmem>>
    %dma_start3A_58 = tpu.memref_squeeze %dma_start3A_57 : memref<1x2x128xi32, #tpu.memory_space<vmem>> -> memref<2x128xi32, #tpu.memory_space<vmem>>
    %dma_start3A_59 = arith.constant 0 : i32
    %dma_start3A_60 = arith.constant 0 : i32
    %dma_start3A_61 = tpu.memref_slice %arg3[%arg1, %dma_start3A_42, %dma_start3A_59, %dma_start3A_60] : memref<16x158x2x128xi32, #tpu.memory_space<hbm>> -> memref<1x1x2x128xi32, #tpu.memory_space<hbm>>
    %dma_start3A_62 = tpu.memref_squeeze %dma_start3A_61 : memref<1x1x2x128xi32, #tpu.memory_space<hbm>> -> memref<2x128xi32, #tpu.memory_space<hbm>>
    tpu.enqueue_dma source(%dma_start3A_62 : memref<2x128xi32, #tpu.memory_space<hbm>>) target(%dma_start3A_58 : memref<2x128xi32, #tpu.memory_space<vmem>>) target_semaphore(%dma_start3A_54 : memref<!tpu.dma_semaphore, #tpu.memory_space<semaphore_mem>>)
    %dma_start3A_63 = arith.constant 3 : i32
    %dma_start3A_64 = arith.constant 3 : i32
    %dma_start3A_65 = arith.constant 3 : i32
    %dma_start3A_66 = arith.constant 0 : i32
    %dma_start3A_67 = arith.constant 0 : i32
    %dma_start3A_68 = tpu.memref_slice %arg6[%dma_start3A_64, %dma_start3A_66, %dma_start3A_67] : memref<8x2x128xi32, #tpu.memory_space<vmem>> -> memref<1x2x128xi32, #tpu.memory_space<vmem>>
    %dma_start3A_69 = tpu.memref_squeeze %dma_start3A_68 : memref<1x2x128xi32, #tpu.memory_space<vmem>> -> memref<2x128xi32, #tpu.memory_space<vmem>>
    %dma_start3A_70 = arith.constant 0 : i32
    %dma_start3A_71 = arith.constant 0 : i32
    %dma_start3A_72 = tpu.memref_slice %arg3[%arg1, %dma_start3A_63, %dma_start3A_70, %dma_start3A_71] : memref<16x158x2x128xi32, #tpu.memory_space<hbm>> -> memref<1x1x2x128xi32, #tpu.memory_space<hbm>>
    %dma_start3A_73 = tpu.memref_squeeze %dma_start3A_72 : memref<1x1x2x128xi32, #tpu.memory_space<hbm>> -> memref<2x128xi32, #tpu.memory_space<hbm>>
    %dma_start3A_74 = tpu.memref_slice %arg10[%dma_start3A_65] : memref<8x!tpu.dma_semaphore, #tpu.memory_space<semaphore_mem>> -> memref<1x!tpu.dma_semaphore, #tpu.memory_space<semaphore_mem>>
    %dma_start3A_75 = tpu.memref_squeeze %dma_start3A_74 : memref<1x!tpu.dma_semaphore, #tpu.memory_space<semaphore_mem>> -> memref<!tpu.dma_semaphore, #tpu.memory_space<semaphore_mem>>
    %dma_start3A_76 = arith.constant 0 : i32
    %dma_start3A_77 = arith.constant 0 : i32
    %dma_start3A_78 = tpu.memref_slice %arg6[%dma_start3A_64, %dma_start3A_76, %dma_start3A_77] : memref<8x2x128xi32, #tpu.memory_space<vmem>> -> memref<1x2x128xi32, #tpu.memory_space<vmem>>
    %dma_start3A_79 = tpu.memref_squeeze %dma_start3A_78 : memref<1x2x128xi32, #tpu.memory_space<vmem>> -> memref<2x128xi32, #tpu.memory_space<vmem>>
    %dma_start3A_80 = arith.constant 0 : i32
    %dma_start3A_81 = arith.constant 0 : i32
    %dma_start3A_82 = tpu.memref_slice %arg3[%arg1, %dma_start3A_63, %dma_start3A_80, %dma_start3A_81] : memref<16x158x2x128xi32, #tpu.memory_space<hbm>> -> memref<1x1x2x128xi32, #tpu.memory_space<hbm>>
    %dma_start3A_83 = tpu.memref_squeeze %dma_start3A_82 : memref<1x1x2x128xi32, #tpu.memory_space<hbm>> -> memref<2x128xi32, #tpu.memory_space<hbm>>
    tpu.enqueue_dma source(%dma_start3A_83 : memref<2x128xi32, #tpu.memory_space<hbm>>) target(%dma_start3A_79 : memref<2x128xi32, #tpu.memory_space<vmem>>) target_semaphore(%dma_start3A_75 : memref<!tpu.dma_semaphore, #tpu.memory_space<semaphore_mem>>)
    %dma_start3A_84 = arith.constant 4 : i32
    %dma_start3A_85 = arith.constant 4 : i32
    %dma_start3A_86 = arith.constant 4 : i32
    %dma_start3A_87 = arith.constant 0 : i32
    %dma_start3A_88 = arith.constant 0 : i32
    %dma_start3A_89 = tpu.memref_slice %arg6[%dma_start3A_85, %dma_start3A_87, %dma_start3A_88] : memref<8x2x128xi32, #tpu.memory_space<vmem>> -> memref<1x2x128xi32, #tpu.memory_space<vmem>>
    %dma_start3A_90 = tpu.memref_squeeze %dma_start3A_89 : memref<1x2x128xi32, #tpu.memory_space<vmem>> -> memref<2x128xi32, #tpu.memory_space<vmem>>
    %dma_start3A_91 = arith.constant 0 : i32
    %dma_start3A_92 = arith.constant 0 : i32
    %dma_start3A_93 = tpu.memref_slice %arg3[%arg1, %dma_start3A_84, %dma_start3A_91, %dma_start3A_92] : memref<16x158x2x128xi32, #tpu.memory_space<hbm>> -> memref<1x1x2x128xi32, #tpu.memory_space<hbm>>
    %dma_start3A_94 = tpu.memref_squeeze %dma_start3A_93 : memref<1x1x2x128xi32, #tpu.memory_space<hbm>> -> memref<2x128xi32, #tpu.memory_space<hbm>>
    %dma_start3A_95 = tpu.memref_slice %arg10[%dma_start3A_86] : memref<8x!tpu.dma_semaphore, #tpu.memory_space<semaphore_mem>> -> memref<1x!tpu.dma_semaphore, #tpu.memory_space<semaphore_mem>>
    %dma_start3A_96 = tpu.memref_squeeze %dma_start3A_95 : memref<1x!tpu.dma_semaphore, #tpu.memory_space<semaphore_mem>> -> memref<!tpu.dma_semaphore, #tpu.memory_space<semaphore_mem>>
    %dma_start3A_97 = arith.constant 0 : i32
    %dma_start3A_98 = arith.constant 0 : i32
    %dma_start3A_99 = tpu.memref_slice %arg6[%dma_start3A_85, %dma_start3A_97, %dma_start3A_98] : memref<8x2x128xi32, #tpu.memory_space<vmem>> -> memref<1x2x128xi32, #tpu.memory_space<vmem>>
    %dma_start3A_100 = tpu.memref_squeeze %dma_start3A_99 : memref<1x2x128xi32, #tpu.memory_space<vmem>> -> memref<2x128xi32, #tpu.memory_space<vmem>>
    %dma_start3A_101 = arith.constant 0 : i32
    %dma_start3A_102 = arith.constant 0 : i32
    %dma_start3A_103 = tpu.memref_slice %arg3[%arg1, %dma_start3A_84, %dma_start3A_101, %dma_start3A_102] : memref<16x158x2x128xi32, #tpu.memory_space<hbm>> -> memref<1x1x2x128xi32, #tpu.memory_space<hbm>>
    %dma_start3A_104 = tpu.memref_squeeze %dma_start3A_103 : memref<1x1x2x128xi32, #tpu.memory_space<hbm>> -> memref<2x128xi32, #tpu.memory_space<hbm>>
    tpu.enqueue_dma source(%dma_start3A_104 : memref<2x128xi32, #tpu.memory_space<hbm>>) target(%dma_start3A_100 : memref<2x128xi32, #tpu.memory_space<vmem>>) target_semaphore(%dma_start3A_96 : memref<!tpu.dma_semaphore, #tpu.memory_space<semaphore_mem>>)
    %dma_start3A_105 = arith.constant 5 : i32
    %dma_start3A_106 = arith.constant 5 : i32
    %dma_start3A_107 = arith.constant 5 : i32
    %dma_start3A_108 = arith.constant 0 : i32
    %dma_start3A_109 = arith.constant 0 : i32
    %dma_start3A_110 = tpu.memref_slice %arg6[%dma_start3A_106, %dma_start3A_108, %dma_start3A_109] : memref<8x2x128xi32, #tpu.memory_space<vmem>> -> memref<1x2x128xi32, #tpu.memory_space<vmem>>
    %dma_start3A_111 = tpu.memref_squeeze %dma_start3A_110 : memref<1x2x128xi32, #tpu.memory_space<vmem>> -> memref<2x128xi32, #tpu.memory_space<vmem>>
    %dma_start3A_112 = arith.constant 0 : i32
    %dma_start3A_113 = arith.constant 0 : i32
    %dma_start3A_114 = tpu.memref_slice %arg3[%arg1, %dma_start3A_105, %dma_start3A_112, %dma_start3A_113] : memref<16x158x2x128xi32, #tpu.memory_space<hbm>> -> memref<1x1x2x128xi32, #tpu.memory_space<hbm>>
    %dma_start3A_115 = tpu.memref_squeeze %dma_start3A_114 : memref<1x1x2x128xi32, #tpu.memory_space<hbm>> -> memref<2x128xi32, #tpu.memory_space<hbm>>
    %dma_start3A_116 = tpu.memref_slice %arg10[%dma_start3A_107] : memref<8x!tpu.dma_semaphore, #tpu.memory_space<semaphore_mem>> -> memref<1x!tpu.dma_semaphore, #tpu.memory_space<semaphore_mem>>
    %dma_start3A_117 = tpu.memref_squeeze %dma_start3A_116 : memref<1x!tpu.dma_semaphore, #tpu.memory_space<semaphore_mem>> -> memref<!tpu.dma_semaphore, #tpu.memory_space<semaphore_mem>>
    %dma_start3A_118 = arith.constant 0 : i32
    %dma_start3A_119 = arith.constant 0 : i32
    %dma_start3A_120 = tpu.memref_slice %arg6[%dma_start3A_106, %dma_start3A_118, %dma_start3A_119] : memref<8x2x128xi32, #tpu.memory_space<vmem>> -> memref<1x2x128xi32, #tpu.memory_space<vmem>>
    %dma_start3A_121 = tpu.memref_squeeze %dma_start3A_120 : memref<1x2x128xi32, #tpu.memory_space<vmem>> -> memref<2x128xi32, #tpu.memory_space<vmem>>
    %dma_start3A_122 = arith.constant 0 : i32
    %dma_start3A_123 = arith.constant 0 : i32
    %dma_start3A_124 = tpu.memref_slice %arg3[%arg1, %dma_start3A_105, %dma_start3A_122, %dma_start3A_123] : memref<16x158x2x128xi32, #tpu.memory_space<hbm>> -> memref<1x1x2x128xi32, #tpu.memory_space<hbm>>
    %dma_start3A_125 = tpu.memref_squeeze %dma_start3A_124 : memref<1x1x2x128xi32, #tpu.memory_space<hbm>> -> memref<2x128xi32, #tpu.memory_space<hbm>>
    tpu.enqueue_dma source(%dma_start3A_125 : memref<2x128xi32, #tpu.memory_space<hbm>>) target(%dma_start3A_121 : memref<2x128xi32, #tpu.memory_space<vmem>>) target_semaphore(%dma_start3A_117 : memref<!tpu.dma_semaphore, #tpu.memory_space<semaphore_mem>>)
    %dma_start3A_126 = arith.constant 6 : i32
    %dma_start3A_127 = arith.constant 6 : i32
    %dma_start3A_128 = arith.constant 6 : i32
    %dma_start3A_129 = arith.constant 0 : i32
    %dma_start3A_130 = arith.constant 0 : i32
    %dma_start3A_131 = tpu.memref_slice %arg6[%dma_start3A_127, %dma_start3A_129, %dma_start3A_130] : memref<8x2x128xi32, #tpu.memory_space<vmem>> -> memref<1x2x128xi32, #tpu.memory_space<vmem>>
    %dma_start3A_132 = tpu.memref_squeeze %dma_start3A_131 : memref<1x2x128xi32, #tpu.memory_space<vmem>> -> memref<2x128xi32, #tpu.memory_space<vmem>>
    %dma_start3A_133 = arith.constant 0 : i32
    %dma_start3A_134 = arith.constant 0 : i32
    %dma_start3A_135 = tpu.memref_slice %arg3[%arg1, %dma_start3A_126, %dma_start3A_133, %dma_start3A_134] : memref<16x158x2x128xi32, #tpu.memory_space<hbm>> -> memref<1x1x2x128xi32, #tpu.memory_space<hbm>>
    %dma_start3A_136 = tpu.memref_squeeze %dma_start3A_135 : memref<1x1x2x128xi32, #tpu.memory_space<hbm>> -> memref<2x128xi32, #tpu.memory_space<hbm>>
    %dma_start3A_137 = tpu.memref_slice %arg10[%dma_start3A_128] : memref<8x!tpu.dma_semaphore, #tpu.memory_space<semaphore_mem>> -> memref<1x!tpu.dma_semaphore, #tpu.memory_space<semaphore_mem>>
    %dma_start3A_138 = tpu.memref_squeeze %dma_start3A_137 : memref<1x!tpu.dma_semaphore, #tpu.memory_space<semaphore_mem>> -> memref<!tpu.dma_semaphore, #tpu.memory_space<semaphore_mem>>
    %dma_start3A_139 = arith.constant 0 : i32
    %dma_start3A_140 = arith.constant 0 : i32
    %dma_start3A_141 = tpu.memref_slice %arg6[%dma_start3A_127, %dma_start3A_139, %dma_start3A_140] : memref<8x2x128xi32, #tpu.memory_space<vmem>> -> memref<1x2x128xi32, #tpu.memory_space<vmem>>
    %dma_start3A_142 = tpu.memref_squeeze %dma_start3A_141 : memref<1x2x128xi32, #tpu.memory_space<vmem>> -> memref<2x128xi32, #tpu.memory_space<vmem>>
    %dma_start3A_143 = arith.constant 0 : i32
    %dma_start3A_144 = arith.constant 0 : i32
    %dma_start3A_145 = tpu.memref_slice %arg3[%arg1, %dma_start3A_126, %dma_start3A_143, %dma_start3A_144] : memref<16x158x2x128xi32, #tpu.memory_space<hbm>> -> memref<1x1x2x128xi32, #tpu.memory_space<hbm>>
    %dma_start3A_146 = tpu.memref_squeeze %dma_start3A_145 : memref<1x1x2x128xi32, #tpu.memory_space<hbm>> -> memref<2x128xi32, #tpu.memory_space<hbm>>
    tpu.enqueue_dma source(%dma_start3A_146 : memref<2x128xi32, #tpu.memory_space<hbm>>) target(%dma_start3A_142 : memref<2x128xi32, #tpu.memory_space<vmem>>) target_semaphore(%dma_start3A_138 : memref<!tpu.dma_semaphore, #tpu.memory_space<semaphore_mem>>)
    %mul3A_147 = arith.constant 640 : i32
    %mul3A_148 = arith.muli %arg1, %mul3A_147 : i32
    "tpu.region"() ({
      %run_scoped3A = tpu.sem_alloc : memref<!tpu.dma_semaphore, #tpu.memory_space<semaphore_mem>>
      %dma_start3A_364 = arith.constant 0 : i32
      %dma_start3A_365 = tpu.memref_slice %arg8[%mul3A_148, %dma_start3A_364] : memref<10240x64xf32, #tpu.memory_space<vmem_shared>> -> memref<640x64xf32, #tpu.memory_space<vmem_shared>>
      %dma_start3A_366 = tpu.memref_slice %arg2[%mul3A_148, %mul3A_0] : memref<10240x128xf32, #tpu.memory_space<hbm>> -> memref<640x64xf32, #tpu.memory_space<hbm>>
      tpu.enqueue_dma source(%dma_start3A_366 : memref<640x64xf32, #tpu.memory_space<hbm>>) target(%dma_start3A_365 : memref<640x64xf32, #tpu.memory_space<vmem_shared>>) target_semaphore(%run_scoped3A : memref<!tpu.dma_semaphore, #tpu.memory_space<semaphore_mem>>)
      %dma_wait3A_367 = arith.constant 0 : i32
      %dma_wait3A_368 = tpu.memref_slice %arg8[%mul3A_148, %dma_wait3A_367] : memref<10240x64xf32, #tpu.memory_space<vmem_shared>> -> memref<640x64xf32, #tpu.memory_space<vmem_shared>>
      %dma_wait3A_369 = tpu.memref_slice %arg2[%mul3A_148, %mul3A_0] : memref<10240x128xf32, #tpu.memory_space<hbm>> -> memref<640x64xf32, #tpu.memory_space<hbm>>
      tpu.wait_dma2 semaphore(%run_scoped3A : memref<!tpu.dma_semaphore, #tpu.memory_space<semaphore_mem>>) src(%dma_wait3A_369 : memref<640x64xf32, #tpu.memory_space<hbm>>) dst(%dma_wait3A_368 : memref<640x64xf32, #tpu.memory_space<vmem_shared>>)
      tpu.yield
    }) : () -> ()
    %mul3A_149 = arith.constant 640 : i32
    %mul3A_150 = arith.muli %arg1, %mul3A_149 : i32
    %add3A = arith.constant 0 : i32
    %add3A_151 = arith.addi %mul3A_150, %add3A : i32
    "tpu.region"() ({
      %run_scoped3A = tpu.sem_alloc : memref<!tpu.dma_semaphore, #tpu.memory_space<semaphore_mem>>
      %dma_start3A_364 = arith.constant 0 : i32
      %dma_start3A_365 = tpu.memref_slice %arg9[%add3A_151, %dma_start3A_364] : memref<10240x64xf32, #tpu.memory_space<vmem_shared>> -> memref<128x64xf32, #tpu.memory_space<vmem_shared>>
      tpu.enqueue_dma source(%arg4 : memref<128x64xf32, #tpu.memory_space<hbm>>) target(%dma_start3A_365 : memref<128x64xf32, #tpu.memory_space<vmem_shared>>) target_semaphore(%run_scoped3A : memref<!tpu.dma_semaphore, #tpu.memory_space<semaphore_mem>>)
      %dma_wait3A_366 = arith.constant 0 : i32
      %dma_wait3A_367 = tpu.memref_slice %arg9[%add3A_151, %dma_wait3A_366] : memref<10240x64xf32, #tpu.memory_space<vmem_shared>> -> memref<128x64xf32, #tpu.memory_space<vmem_shared>>
      tpu.wait_dma2 semaphore(%run_scoped3A : memref<!tpu.dma_semaphore, #tpu.memory_space<semaphore_mem>>) src(%arg4 : memref<128x64xf32, #tpu.memory_space<hbm>>) dst(%dma_wait3A_367 : memref<128x64xf32, #tpu.memory_space<vmem_shared>>)
      tpu.yield
    }) : () -> ()
    %mul3A_152 = arith.constant 640 : i32
    %mul3A_153 = arith.muli %arg1, %mul3A_152 : i32
    %add3A_154 = arith.constant 128 : i32
    %add3A_155 = arith.addi %mul3A_153, %add3A_154 : i32
    "tpu.region"() ({
      %run_scoped3A = tpu.sem_alloc : memref<!tpu.dma_semaphore, #tpu.memory_space<semaphore_mem>>
      %dma_start3A_364 = arith.constant 0 : i32
      %dma_start3A_365 = tpu.memref_slice %arg9[%add3A_155, %dma_start3A_364] : memref<10240x64xf32, #tpu.memory_space<vmem_shared>> -> memref<128x64xf32, #tpu.memory_space<vmem_shared>>
      tpu.enqueue_dma source(%arg4 : memref<128x64xf32, #tpu.memory_space<hbm>>) target(%dma_start3A_365 : memref<128x64xf32, #tpu.memory_space<vmem_shared>>) target_semaphore(%run_scoped3A : memref<!tpu.dma_semaphore, #tpu.memory_space<semaphore_mem>>)
      %dma_wait3A_366 = arith.constant 0 : i32
      %dma_wait3A_367 = tpu.memref_slice %arg9[%add3A_155, %dma_wait3A_366] : memref<10240x64xf32, #tpu.memory_space<vmem_shared>> -> memref<128x64xf32, #tpu.memory_space<vmem_shared>>
      tpu.wait_dma2 semaphore(%run_scoped3A : memref<!tpu.dma_semaphore, #tpu.memory_space<semaphore_mem>>) src(%arg4 : memref<128x64xf32, #tpu.memory_space<hbm>>) dst(%dma_wait3A_367 : memref<128x64xf32, #tpu.memory_space<vmem_shared>>)
      tpu.yield
    }) : () -> ()
    %mul3A_156 = arith.constant 640 : i32
    %mul3A_157 = arith.muli %arg1, %mul3A_156 : i32
    %add3A_158 = arith.constant 256 : i32
    %add3A_159 = arith.addi %mul3A_157, %add3A_158 : i32
    "tpu.region"() ({
      %run_scoped3A = tpu.sem_alloc : memref<!tpu.dma_semaphore, #tpu.memory_space<semaphore_mem>>
      %dma_start3A_364 = arith.constant 0 : i32
      %dma_start3A_365 = tpu.memref_slice %arg9[%add3A_159, %dma_start3A_364] : memref<10240x64xf32, #tpu.memory_space<vmem_shared>> -> memref<128x64xf32, #tpu.memory_space<vmem_shared>>
      tpu.enqueue_dma source(%arg4 : memref<128x64xf32, #tpu.memory_space<hbm>>) target(%dma_start3A_365 : memref<128x64xf32, #tpu.memory_space<vmem_shared>>) target_semaphore(%run_scoped3A : memref<!tpu.dma_semaphore, #tpu.memory_space<semaphore_mem>>)
      %dma_wait3A_366 = arith.constant 0 : i32
      %dma_wait3A_367 = tpu.memref_slice %arg9[%add3A_159, %dma_wait3A_366] : memref<10240x64xf32, #tpu.memory_space<vmem_shared>> -> memref<128x64xf32, #tpu.memory_space<vmem_shared>>
      tpu.wait_dma2 semaphore(%run_scoped3A : memref<!tpu.dma_semaphore, #tpu.memory_space<semaphore_mem>>) src(%arg4 : memref<128x64xf32, #tpu.memory_space<hbm>>) dst(%dma_wait3A_367 : memref<128x64xf32, #tpu.memory_space<vmem_shared>>)
      tpu.yield
    }) : () -> ()
    %mul3A_160 = arith.constant 640 : i32
    %mul3A_161 = arith.muli %arg1, %mul3A_160 : i32
    %add3A_162 = arith.constant 384 : i32
    %add3A_163 = arith.addi %mul3A_161, %add3A_162 : i32
    "tpu.region"() ({
      %run_scoped3A = tpu.sem_alloc : memref<!tpu.dma_semaphore, #tpu.memory_space<semaphore_mem>>
      %dma_start3A_364 = arith.constant 0 : i32
      %dma_start3A_365 = tpu.memref_slice %arg9[%add3A_163, %dma_start3A_364] : memref<10240x64xf32, #tpu.memory_space<vmem_shared>> -> memref<128x64xf32, #tpu.memory_space<vmem_shared>>
      tpu.enqueue_dma source(%arg4 : memref<128x64xf32, #tpu.memory_space<hbm>>) target(%dma_start3A_365 : memref<128x64xf32, #tpu.memory_space<vmem_shared>>) target_semaphore(%run_scoped3A : memref<!tpu.dma_semaphore, #tpu.memory_space<semaphore_mem>>)
      %dma_wait3A_366 = arith.constant 0 : i32
      %dma_wait3A_367 = tpu.memref_slice %arg9[%add3A_163, %dma_wait3A_366] : memref<10240x64xf32, #tpu.memory_space<vmem_shared>> -> memref<128x64xf32, #tpu.memory_space<vmem_shared>>
      tpu.wait_dma2 semaphore(%run_scoped3A : memref<!tpu.dma_semaphore, #tpu.memory_space<semaphore_mem>>) src(%arg4 : memref<128x64xf32, #tpu.memory_space<hbm>>) dst(%dma_wait3A_367 : memref<128x64xf32, #tpu.memory_space<vmem_shared>>)
      tpu.yield
    }) : () -> ()
    %mul3A_164 = arith.constant 640 : i32
    %mul3A_165 = arith.muli %arg1, %mul3A_164 : i32
    %add3A_166 = arith.constant 512 : i32
    %add3A_167 = arith.addi %mul3A_165, %add3A_166 : i32
    "tpu.region"() ({
      %run_scoped3A = tpu.sem_alloc : memref<!tpu.dma_semaphore, #tpu.memory_space<semaphore_mem>>
      %dma_start3A_364 = arith.constant 0 : i32
      %dma_start3A_365 = tpu.memref_slice %arg9[%add3A_167, %dma_start3A_364] : memref<10240x64xf32, #tpu.memory_space<vmem_shared>> -> memref<128x64xf32, #tpu.memory_space<vmem_shared>>
      tpu.enqueue_dma source(%arg4 : memref<128x64xf32, #tpu.memory_space<hbm>>) target(%dma_start3A_365 : memref<128x64xf32, #tpu.memory_space<vmem_shared>>) target_semaphore(%run_scoped3A : memref<!tpu.dma_semaphore, #tpu.memory_space<semaphore_mem>>)
      %dma_wait3A_366 = arith.constant 0 : i32
      %dma_wait3A_367 = tpu.memref_slice %arg9[%add3A_167, %dma_wait3A_366] : memref<10240x64xf32, #tpu.memory_space<vmem_shared>> -> memref<128x64xf32, #tpu.memory_space<vmem_shared>>
      tpu.wait_dma2 semaphore(%run_scoped3A : memref<!tpu.dma_semaphore, #tpu.memory_space<semaphore_mem>>) src(%arg4 : memref<128x64xf32, #tpu.memory_space<hbm>>) dst(%dma_wait3A_367 : memref<128x64xf32, #tpu.memory_space<vmem_shared>>)
      tpu.yield
    }) : () -> ()
    %barrier3A = arith.constant 0 : index
    tpu.barrier barrier_id(%barrier3A)
    %dma_wait3A = arith.constant 0 : i32
    %dma_wait3A_168 = arith.constant 0 : i32
    %dma_wait3A_169 = arith.constant 0 : i32
    %dma_wait3A_170 = arith.constant 0 : i32
    %dma_wait3A_171 = arith.constant 0 : i32
    %dma_wait3A_172 = tpu.memref_slice %arg6[%dma_wait3A_168, %dma_wait3A_170, %dma_wait3A_171] : memref<8x2x128xi32, #tpu.memory_space<vmem>> -> memref<1x2x128xi32, #tpu.memory_space<vmem>>
    %dma_wait3A_173 = tpu.memref_squeeze %dma_wait3A_172 : memref<1x2x128xi32, #tpu.memory_space<vmem>> -> memref<2x128xi32, #tpu.memory_space<vmem>>
    %dma_wait3A_174 = arith.constant 0 : i32
    %dma_wait3A_175 = arith.constant 0 : i32
    %dma_wait3A_176 = tpu.memref_slice %arg3[%arg1, %dma_wait3A, %dma_wait3A_174, %dma_wait3A_175] : memref<16x158x2x128xi32, #tpu.memory_space<hbm>> -> memref<1x1x2x128xi32, #tpu.memory_space<hbm>>
    %dma_wait3A_177 = tpu.memref_squeeze %dma_wait3A_176 : memref<1x1x2x128xi32, #tpu.memory_space<hbm>> -> memref<2x128xi32, #tpu.memory_space<hbm>>
    %dma_wait3A_178 = tpu.memref_slice %arg10[%dma_wait3A_169] : memref<8x!tpu.dma_semaphore, #tpu.memory_space<semaphore_mem>> -> memref<1x!tpu.dma_semaphore, #tpu.memory_space<semaphore_mem>>
    %dma_wait3A_179 = tpu.memref_squeeze %dma_wait3A_178 : memref<1x!tpu.dma_semaphore, #tpu.memory_space<semaphore_mem>> -> memref<!tpu.dma_semaphore, #tpu.memory_space<semaphore_mem>>
    %dma_wait3A_180 = arith.constant 0 : i32
    %dma_wait3A_181 = arith.constant 0 : i32
    %dma_wait3A_182 = tpu.memref_slice %arg6[%dma_wait3A_168, %dma_wait3A_180, %dma_wait3A_181] : memref<8x2x128xi32, #tpu.memory_space<vmem>> -> memref<1x2x128xi32, #tpu.memory_space<vmem>>
    %dma_wait3A_183 = tpu.memref_squeeze %dma_wait3A_182 : memref<1x2x128xi32, #tpu.memory_space<vmem>> -> memref<2x128xi32, #tpu.memory_space<vmem>>
    %dma_wait3A_184 = arith.constant 0 : i32
    %dma_wait3A_185 = arith.constant 0 : i32
    %dma_wait3A_186 = tpu.memref_slice %arg3[%arg1, %dma_wait3A, %dma_wait3A_184, %dma_wait3A_185] : memref<16x158x2x128xi32, #tpu.memory_space<hbm>> -> memref<1x1x2x128xi32, #tpu.memory_space<hbm>>
    %dma_wait3A_187 = tpu.memref_squeeze %dma_wait3A_186 : memref<1x1x2x128xi32, #tpu.memory_space<hbm>> -> memref<2x128xi32, #tpu.memory_space<hbm>>
    tpu.wait_dma2 semaphore(%dma_wait3A_179 : memref<!tpu.dma_semaphore, #tpu.memory_space<semaphore_mem>>) src(%dma_wait3A_187 : memref<2x128xi32, #tpu.memory_space<hbm>>) dst(%dma_wait3A_183 : memref<2x128xi32, #tpu.memory_space<vmem>>)
    %dma_start3A_188 = arith.constant 0 : i32
    %dma_start3A_189 = arith.constant 0 : i32
    %dma_start3A_190 = arith.constant 0 : i32
    %dma_start3A_191 = arith.constant 0 : i32
    %dma_start3A_192 = arith.constant 0 : i32
    %dma_start3A_193 = arith.constant 0 : i32
    %dma_start3A_194 = tpu.memref_slice %arg7[%dma_start3A_190, %dma_start3A_192, %dma_start3A_193] : memref<5x128x64xf32, #tpu.memory_space<vmem>> -> memref<1x128x64xf32, #tpu.memory_space<vmem>>
    %dma_start3A_195 = tpu.memref_squeeze %dma_start3A_194 : memref<1x128x64xf32, #tpu.memory_space<vmem>> -> memref<128x64xf32, #tpu.memory_space<vmem>>
    %dma_start3A_196 = arith.constant 0 : i32
    %dma_start3A_197 = tpu.memref_slice %arg6[%dma_start3A_188, %dma_start3A_189, %dma_start3A_196] : memref<8x2x128xi32, #tpu.memory_space<vmem>> -> memref<1x1x128xi32, #tpu.memory_space<vmem>>
    %dma_start3A_198 = tpu.memref_squeeze %dma_start3A_197 : memref<1x1x128xi32, #tpu.memory_space<vmem>> -> memref<128xi32, #tpu.memory_space<vmem>>
    %dma_start3A_199 = arith.constant 0 : i32
    %dma_start3A_200 = arith.constant 0 : i32
    %dma_start3A_201 = tpu.memref_slice %arg8[%dma_start3A_199, %dma_start3A_200] : memref<10240x64xf32, #tpu.memory_space<vmem_shared>> -> memref<10240x64xf32, #tpu.memory_space<vmem_shared>>
    %dma_start3A_202 = tpu.memref_slice %arg11[%dma_start3A_191] : memref<5x!tpu.dma_semaphore, #tpu.memory_space<semaphore_mem>> -> memref<1x!tpu.dma_semaphore, #tpu.memory_space<semaphore_mem>>
    %dma_start3A_203 = tpu.memref_squeeze %dma_start3A_202 : memref<1x!tpu.dma_semaphore, #tpu.memory_space<semaphore_mem>> -> memref<!tpu.dma_semaphore, #tpu.memory_space<semaphore_mem>>
    tpu.enqueue_indirect_dma source(%dma_start3A_201 : memref<10240x64xf32, #tpu.memory_space<vmem_shared>>) target(%dma_start3A_195 : memref<128x64xf32, #tpu.memory_space<vmem>>) offsets(%dma_start3A_198 : memref<128xi32, #tpu.memory_space<vmem>>) semaphore(%dma_start3A_203 : memref<!tpu.dma_semaphore, #tpu.memory_space<semaphore_mem>>)
    %dma_wait3A_204 = arith.constant 1 : i32
    %dma_wait3A_205 = arith.constant 1 : i32
    %dma_wait3A_206 = arith.constant 1 : i32
    %dma_wait3A_207 = arith.constant 0 : i32
    %dma_wait3A_208 = arith.constant 0 : i32
    %dma_wait3A_209 = tpu.memref_slice %arg6[%dma_wait3A_205, %dma_wait3A_207, %dma_wait3A_208] : memref<8x2x128xi32, #tpu.memory_space<vmem>> -> memref<1x2x128xi32, #tpu.memory_space<vmem>>
    %dma_wait3A_210 = tpu.memref_squeeze %dma_wait3A_209 : memref<1x2x128xi32, #tpu.memory_space<vmem>> -> memref<2x128xi32, #tpu.memory_space<vmem>>
    %dma_wait3A_211 = arith.constant 0 : i32
    %dma_wait3A_212 = arith.constant 0 : i32
    %dma_wait3A_213 = tpu.memref_slice %arg3[%arg1, %dma_wait3A_204, %dma_wait3A_211, %dma_wait3A_212] : memref<16x158x2x128xi32, #tpu.memory_space<hbm>> -> memref<1x1x2x128xi32, #tpu.memory_space<hbm>>
    %dma_wait3A_214 = tpu.memref_squeeze %dma_wait3A_213 : memref<1x1x2x128xi32, #tpu.memory_space<hbm>> -> memref<2x128xi32, #tpu.memory_space<hbm>>
    %dma_wait3A_215 = tpu.memref_slice %arg10[%dma_wait3A_206] : memref<8x!tpu.dma_semaphore, #tpu.memory_space<semaphore_mem>> -> memref<1x!tpu.dma_semaphore, #tpu.memory_space<semaphore_mem>>
    %dma_wait3A_216 = tpu.memref_squeeze %dma_wait3A_215 : memref<1x!tpu.dma_semaphore, #tpu.memory_space<semaphore_mem>> -> memref<!tpu.dma_semaphore, #tpu.memory_space<semaphore_mem>>
    %dma_wait3A_217 = arith.constant 0 : i32
    %dma_wait3A_218 = arith.constant 0 : i32
    %dma_wait3A_219 = tpu.memref_slice %arg6[%dma_wait3A_205, %dma_wait3A_217, %dma_wait3A_218] : memref<8x2x128xi32, #tpu.memory_space<vmem>> -> memref<1x2x128xi32, #tpu.memory_space<vmem>>
    %dma_wait3A_220 = tpu.memref_squeeze %dma_wait3A_219 : memref<1x2x128xi32, #tpu.memory_space<vmem>> -> memref<2x128xi32, #tpu.memory_space<vmem>>
    %dma_wait3A_221 = arith.constant 0 : i32
    %dma_wait3A_222 = arith.constant 0 : i32
    %dma_wait3A_223 = tpu.memref_slice %arg3[%arg1, %dma_wait3A_204, %dma_wait3A_221, %dma_wait3A_222] : memref<16x158x2x128xi32, #tpu.memory_space<hbm>> -> memref<1x1x2x128xi32, #tpu.memory_space<hbm>>
    %dma_wait3A_224 = tpu.memref_squeeze %dma_wait3A_223 : memref<1x1x2x128xi32, #tpu.memory_space<hbm>> -> memref<2x128xi32, #tpu.memory_space<hbm>>
    tpu.wait_dma2 semaphore(%dma_wait3A_216 : memref<!tpu.dma_semaphore, #tpu.memory_space<semaphore_mem>>) src(%dma_wait3A_224 : memref<2x128xi32, #tpu.memory_space<hbm>>) dst(%dma_wait3A_220 : memref<2x128xi32, #tpu.memory_space<vmem>>)
    %dma_start3A_225 = arith.constant 1 : i32
    %dma_start3A_226 = arith.constant 0 : i32
    %dma_start3A_227 = arith.constant 1 : i32
    %dma_start3A_228 = arith.constant 1 : i32
    %dma_start3A_229 = arith.constant 0 : i32
    %dma_start3A_230 = arith.constant 0 : i32
    %dma_start3A_231 = tpu.memref_slice %arg7[%dma_start3A_227, %dma_start3A_229, %dma_start3A_230] : memref<5x128x64xf32, #tpu.memory_space<vmem>> -> memref<1x128x64xf32, #tpu.memory_space<vmem>>
    %dma_start3A_232 = tpu.memref_squeeze %dma_start3A_231 : memref<1x128x64xf32, #tpu.memory_space<vmem>> -> memref<128x64xf32, #tpu.memory_space<vmem>>
    %dma_start3A_233 = arith.constant 0 : i32
    %dma_start3A_234 = tpu.memref_slice %arg6[%dma_start3A_225, %dma_start3A_226, %dma_start3A_233] : memref<8x2x128xi32, #tpu.memory_space<vmem>> -> memref<1x1x128xi32, #tpu.memory_space<vmem>>
    %dma_start3A_235 = tpu.memref_squeeze %dma_start3A_234 : memref<1x1x128xi32, #tpu.memory_space<vmem>> -> memref<128xi32, #tpu.memory_space<vmem>>
    %dma_start3A_236 = arith.constant 0 : i32
    %dma_start3A_237 = arith.constant 0 : i32
    %dma_start3A_238 = tpu.memref_slice %arg8[%dma_start3A_236, %dma_start3A_237] : memref<10240x64xf32, #tpu.memory_space<vmem_shared>> -> memref<10240x64xf32, #tpu.memory_space<vmem_shared>>
    %dma_start3A_239 = tpu.memref_slice %arg11[%dma_start3A_228] : memref<5x!tpu.dma_semaphore, #tpu.memory_space<semaphore_mem>> -> memref<1x!tpu.dma_semaphore, #tpu.memory_space<semaphore_mem>>
    %dma_start3A_240 = tpu.memref_squeeze %dma_start3A_239 : memref<1x!tpu.dma_semaphore, #tpu.memory_space<semaphore_mem>> -> memref<!tpu.dma_semaphore, #tpu.memory_space<semaphore_mem>>
    tpu.enqueue_indirect_dma source(%dma_start3A_238 : memref<10240x64xf32, #tpu.memory_space<vmem_shared>>) target(%dma_start3A_232 : memref<128x64xf32, #tpu.memory_space<vmem>>) offsets(%dma_start3A_235 : memref<128xi32, #tpu.memory_space<vmem>>) semaphore(%dma_start3A_240 : memref<!tpu.dma_semaphore, #tpu.memory_space<semaphore_mem>>)
    %dma_wait3A_241 = arith.constant 2 : i32
    %dma_wait3A_242 = arith.constant 2 : i32
    %dma_wait3A_243 = arith.constant 2 : i32
    %dma_wait3A_244 = arith.constant 0 : i32
    %dma_wait3A_245 = arith.constant 0 : i32
    %dma_wait3A_246 = tpu.memref_slice %arg6[%dma_wait3A_242, %dma_wait3A_244, %dma_wait3A_245] : memref<8x2x128xi32, #tpu.memory_space<vmem>> -> memref<1x2x128xi32, #tpu.memory_space<vmem>>
    %dma_wait3A_247 = tpu.memref_squeeze %dma_wait3A_246 : memref<1x2x128xi32, #tpu.memory_space<vmem>> -> memref<2x128xi32, #tpu.memory_space<vmem>>
    %dma_wait3A_248 = arith.constant 0 : i32
    %dma_wait3A_249 = arith.constant 0 : i32
    %dma_wait3A_250 = tpu.memref_slice %arg3[%arg1, %dma_wait3A_241, %dma_wait3A_248, %dma_wait3A_249] : memref<16x158x2x128xi32, #tpu.memory_space<hbm>> -> memref<1x1x2x128xi32, #tpu.memory_space<hbm>>
    %dma_wait3A_251 = tpu.memref_squeeze %dma_wait3A_250 : memref<1x1x2x128xi32, #tpu.memory_space<hbm>> -> memref<2x128xi32, #tpu.memory_space<hbm>>
    %dma_wait3A_252 = tpu.memref_slice %arg10[%dma_wait3A_243] : memref<8x!tpu.dma_semaphore, #tpu.memory_space<semaphore_mem>> -> memref<1x!tpu.dma_semaphore, #tpu.memory_space<semaphore_mem>>
    %dma_wait3A_253 = tpu.memref_squeeze %dma_wait3A_252 : memref<1x!tpu.dma_semaphore, #tpu.memory_space<semaphore_mem>> -> memref<!tpu.dma_semaphore, #tpu.memory_space<semaphore_mem>>
    %dma_wait3A_254 = arith.constant 0 : i32
    %dma_wait3A_255 = arith.constant 0 : i32
    %dma_wait3A_256 = tpu.memref_slice %arg6[%dma_wait3A_242, %dma_wait3A_254, %dma_wait3A_255] : memref<8x2x128xi32, #tpu.memory_space<vmem>> -> memref<1x2x128xi32, #tpu.memory_space<vmem>>
    %dma_wait3A_257 = tpu.memref_squeeze %dma_wait3A_256 : memref<1x2x128xi32, #tpu.memory_space<vmem>> -> memref<2x128xi32, #tpu.memory_space<vmem>>
    %dma_wait3A_258 = arith.constant 0 : i32
    %dma_wait3A_259 = arith.constant 0 : i32
    %dma_wait3A_260 = tpu.memref_slice %arg3[%arg1, %dma_wait3A_241, %dma_wait3A_258, %dma_wait3A_259] : memref<16x158x2x128xi32, #tpu.memory_space<hbm>> -> memref<1x1x2x128xi32, #tpu.memory_space<hbm>>
    %dma_wait3A_261 = tpu.memref_squeeze %dma_wait3A_260 : memref<1x1x2x128xi32, #tpu.memory_space<hbm>> -> memref<2x128xi32, #tpu.memory_space<hbm>>
    tpu.wait_dma2 semaphore(%dma_wait3A_253 : memref<!tpu.dma_semaphore, #tpu.memory_space<semaphore_mem>>) src(%dma_wait3A_261 : memref<2x128xi32, #tpu.memory_space<hbm>>) dst(%dma_wait3A_257 : memref<2x128xi32, #tpu.memory_space<vmem>>)
    %dma_start3A_262 = arith.constant 2 : i32
    %dma_start3A_263 = arith.constant 0 : i32
    %dma_start3A_264 = arith.constant 2 : i32
    %dma_start3A_265 = arith.constant 2 : i32
    %dma_start3A_266 = arith.constant 0 : i32
    %dma_start3A_267 = arith.constant 0 : i32
    %dma_start3A_268 = tpu.memref_slice %arg7[%dma_start3A_264, %dma_start3A_266, %dma_start3A_267] : memref<5x128x64xf32, #tpu.memory_space<vmem>> -> memref<1x128x64xf32, #tpu.memory_space<vmem>>
    %dma_start3A_269 = tpu.memref_squeeze %dma_start3A_268 : memref<1x128x64xf32, #tpu.memory_space<vmem>> -> memref<128x64xf32, #tpu.memory_space<vmem>>
    %dma_start3A_270 = arith.constant 0 : i32
    %dma_start3A_271 = tpu.memref_slice %arg6[%dma_start3A_262, %dma_start3A_263, %dma_start3A_270] : memref<8x2x128xi32, #tpu.memory_space<vmem>> -> memref<1x1x128xi32, #tpu.memory_space<vmem>>
    %dma_start3A_272 = tpu.memref_squeeze %dma_start3A_271 : memref<1x1x128xi32, #tpu.memory_space<vmem>> -> memref<128xi32, #tpu.memory_space<vmem>>
    %dma_start3A_273 = arith.constant 0 : i32
    %dma_start3A_274 = arith.constant 0 : i32
    %dma_start3A_275 = tpu.memref_slice %arg8[%dma_start3A_273, %dma_start3A_274] : memref<10240x64xf32, #tpu.memory_space<vmem_shared>> -> memref<10240x64xf32, #tpu.memory_space<vmem_shared>>
    %dma_start3A_276 = tpu.memref_slice %arg11[%dma_start3A_265] : memref<5x!tpu.dma_semaphore, #tpu.memory_space<semaphore_mem>> -> memref<1x!tpu.dma_semaphore, #tpu.memory_space<semaphore_mem>>
    %dma_start3A_277 = tpu.memref_squeeze %dma_start3A_276 : memref<1x!tpu.dma_semaphore, #tpu.memory_space<semaphore_mem>> -> memref<!tpu.dma_semaphore, #tpu.memory_space<semaphore_mem>>
    tpu.enqueue_indirect_dma source(%dma_start3A_275 : memref<10240x64xf32, #tpu.memory_space<vmem_shared>>) target(%dma_start3A_269 : memref<128x64xf32, #tpu.memory_space<vmem>>) offsets(%dma_start3A_272 : memref<128xi32, #tpu.memory_space<vmem>>) semaphore(%dma_start3A_277 : memref<!tpu.dma_semaphore, #tpu.memory_space<semaphore_mem>>)
    %scan3A = arith.constant 0 : i32
    %scan3A_278 = arith.constant 0 : i32
    %scan3A_279 = arith.constant 158 : i32
    %scan3A_280 = arith.addi %scan3A_278, %scan3A_279 : i32
    %scan3A_281 = arith.constant 1 : i32
    scf.for %scan3A_364 = %scan3A_278 to %scan3A_280 step %scan3A_281  : i32 {
      %rem3A = arith.constant 5 : i32
      %rem3A_365 = arith.remsi %scan3A_364, %rem3A : i32
      %and3A = arith.constant 7 : i32
      %and3A_366 = arith.andi %scan3A_364, %and3A : i32
      %add3A_367 = arith.constant 3 : i32
      %add3A_368 = arith.addi %scan3A_364, %add3A_367 : i32
      %and3A_369 = arith.constant 7 : i32
      %and3A_370 = arith.andi %add3A_368, %and3A_369 : i32
      %rem3A_371 = arith.constant 5 : i32
      %rem3A_372 = arith.remsi %add3A_368, %rem3A_371 : i32
      %lt3A = arith.constant 158 : i32
      %lt3A_373 = arith.cmpi slt, %add3A_368, %lt3A : i32
      %convert_element_type3A = arith.extui %lt3A_373 : i1 to i32
      %cond3A = arith.constant 0 : i32
      %cond3A_374 = arith.cmpi ne, %convert_element_type3A, %cond3A : i32
      scf.if %cond3A_374 {
        %dma_wait3A_401 = arith.constant 0 : i32
        %dma_wait3A_402 = arith.constant 0 : i32
        %dma_wait3A_403 = tpu.memref_slice %arg6[%and3A_370, %dma_wait3A_401, %dma_wait3A_402] : memref<8x2x128xi32, #tpu.memory_space<vmem>> -> memref<1x2x128xi32, #tpu.memory_space<vmem>>
        %dma_wait3A_404 = tpu.memref_squeeze %dma_wait3A_403 : memref<1x2x128xi32, #tpu.memory_space<vmem>> -> memref<2x128xi32, #tpu.memory_space<vmem>>
        %dma_wait3A_405 = arith.constant 0 : i32
        %dma_wait3A_406 = arith.constant 0 : i32
        %dma_wait3A_407 = tpu.memref_slice %arg3[%arg1, %add3A_368, %dma_wait3A_405, %dma_wait3A_406] : memref<16x158x2x128xi32, #tpu.memory_space<hbm>> -> memref<1x1x2x128xi32, #tpu.memory_space<hbm>>
        %dma_wait3A_408 = tpu.memref_squeeze %dma_wait3A_407 : memref<1x1x2x128xi32, #tpu.memory_space<hbm>> -> memref<2x128xi32, #tpu.memory_space<hbm>>
        %dma_wait3A_409 = tpu.memref_slice %arg10[%and3A_370] : memref<8x!tpu.dma_semaphore, #tpu.memory_space<semaphore_mem>> -> memref<1x!tpu.dma_semaphore, #tpu.memory_space<semaphore_mem>>
        %dma_wait3A_410 = tpu.memref_squeeze %dma_wait3A_409 : memref<1x!tpu.dma_semaphore, #tpu.memory_space<semaphore_mem>> -> memref<!tpu.dma_semaphore, #tpu.memory_space<semaphore_mem>>
        %dma_wait3A_411 = arith.constant 0 : i32
        %dma_wait3A_412 = arith.constant 0 : i32
        %dma_wait3A_413 = tpu.memref_slice %arg6[%and3A_370, %dma_wait3A_411, %dma_wait3A_412] : memref<8x2x128xi32, #tpu.memory_space<vmem>> -> memref<1x2x128xi32, #tpu.memory_space<vmem>>
        %dma_wait3A_414 = tpu.memref_squeeze %dma_wait3A_413 : memref<1x2x128xi32, #tpu.memory_space<vmem>> -> memref<2x128xi32, #tpu.memory_space<vmem>>
        %dma_wait3A_415 = arith.constant 0 : i32
        %dma_wait3A_416 = arith.constant 0 : i32
        %dma_wait3A_417 = tpu.memref_slice %arg3[%arg1, %add3A_368, %dma_wait3A_415, %dma_wait3A_416] : memref<16x158x2x128xi32, #tpu.memory_space<hbm>> -> memref<1x1x2x128xi32, #tpu.memory_space<hbm>>
        %dma_wait3A_418 = tpu.memref_squeeze %dma_wait3A_417 : memref<1x1x2x128xi32, #tpu.memory_space<hbm>> -> memref<2x128xi32, #tpu.memory_space<hbm>>
        tpu.wait_dma2 semaphore(%dma_wait3A_410 : memref<!tpu.dma_semaphore, #tpu.memory_space<semaphore_mem>>) src(%dma_wait3A_418 : memref<2x128xi32, #tpu.memory_space<hbm>>) dst(%dma_wait3A_414 : memref<2x128xi32, #tpu.memory_space<vmem>>)
        %sub3A = arith.constant 5 : i32
        %sub3A_419 = arith.subi %add3A_368, %sub3A : i32
        %ge3A = arith.constant 0 : i32
        %ge3A_420 = arith.cmpi sge, %sub3A_419, %ge3A : i32
        %convert_element_type3A_421 = arith.extui %ge3A_420 : i1 to i32
        %cond3A_422 = arith.constant 0 : i32
        %cond3A_423 = arith.cmpi ne, %convert_element_type3A_421, %cond3A_422 : i32
        scf.if %cond3A_423 {
          %and3A_447 = arith.constant 7 : i32
          %and3A_448 = arith.andi %sub3A_419, %and3A_447 : i32
          %dma_wait3A_449 = arith.constant 1 : i32
          %dma_wait3A_450 = arith.constant 0 : i32
          %dma_wait3A_451 = arith.constant 0 : i32
          %dma_wait3A_452 = tpu.memref_slice %arg7[%rem3A_372, %dma_wait3A_450, %dma_wait3A_451] : memref<5x128x64xf32, #tpu.memory_space<vmem>> -> memref<1x128x64xf32, #tpu.memory_space<vmem>>
          %dma_wait3A_453 = tpu.memref_squeeze %dma_wait3A_452 : memref<1x128x64xf32, #tpu.memory_space<vmem>> -> memref<128x64xf32, #tpu.memory_space<vmem>>
          %dma_wait3A_454 = arith.constant 0 : i32
          %dma_wait3A_455 = tpu.memref_slice %arg6[%and3A_448, %dma_wait3A_449, %dma_wait3A_454] : memref<8x2x128xi32, #tpu.memory_space<vmem>> -> memref<1x1x128xi32, #tpu.memory_space<vmem>>
          %dma_wait3A_456 = tpu.memref_squeeze %dma_wait3A_455 : memref<1x1x128xi32, #tpu.memory_space<vmem>> -> memref<128xi32, #tpu.memory_space<vmem>>
          %dma_wait3A_457 = arith.constant 0 : i32
          %dma_wait3A_458 = arith.constant 0 : i32
          %dma_wait3A_459 = tpu.memref_slice %arg9[%dma_wait3A_457, %dma_wait3A_458] : memref<10240x64xf32, #tpu.memory_space<vmem_shared>> -> memref<10240x64xf32, #tpu.memory_space<vmem_shared>>
          %dma_wait3A_460 = tpu.memref_slice %arg12[%rem3A_372] : memref<5x!tpu.dma_semaphore, #tpu.memory_space<semaphore_mem>> -> memref<1x!tpu.dma_semaphore, #tpu.memory_space<semaphore_mem>>
          %dma_wait3A_461 = tpu.memref_squeeze %dma_wait3A_460 : memref<1x!tpu.dma_semaphore, #tpu.memory_space<semaphore_mem>> -> memref<!tpu.dma_semaphore, #tpu.memory_space<semaphore_mem>>
          tpu.wait_indirect_dma semaphore(%dma_wait3A_461 : memref<!tpu.dma_semaphore, #tpu.memory_space<semaphore_mem>>) src(%dma_wait3A_453 : memref<128x64xf32, #tpu.memory_space<vmem>>) dst(%dma_wait3A_459 : memref<10240x64xf32, #tpu.memory_space<vmem_shared>>)
        } else {
        }
        %dma_start3A_424 = arith.constant 0 : i32
        %dma_start3A_425 = arith.constant 0 : i32
        %dma_start3A_426 = arith.constant 0 : i32
        %dma_start3A_427 = tpu.memref_slice %arg7[%rem3A_372, %dma_start3A_425, %dma_start3A_426] : memref<5x128x64xf32, #tpu.memory_space<vmem>> -> memref<1x128x64xf32, #tpu.memory_space<vmem>>
        %dma_start3A_428 = tpu.memref_squeeze %dma_start3A_427 : memref<1x128x64xf32, #tpu.memory_space<vmem>> -> memref<128x64xf32, #tpu.memory_space<vmem>>
        %dma_start3A_429 = arith.constant 0 : i32
        %dma_start3A_430 = tpu.memref_slice %arg6[%and3A_370, %dma_start3A_424, %dma_start3A_429] : memref<8x2x128xi32, #tpu.memory_space<vmem>> -> memref<1x1x128xi32, #tpu.memory_space<vmem>>
        %dma_start3A_431 = tpu.memref_squeeze %dma_start3A_430 : memref<1x1x128xi32, #tpu.memory_space<vmem>> -> memref<128xi32, #tpu.memory_space<vmem>>
        %dma_start3A_432 = arith.constant 0 : i32
        %dma_start3A_433 = arith.constant 0 : i32
        %dma_start3A_434 = tpu.memref_slice %arg8[%dma_start3A_432, %dma_start3A_433] : memref<10240x64xf32, #tpu.memory_space<vmem_shared>> -> memref<10240x64xf32, #tpu.memory_space<vmem_shared>>
        %dma_start3A_435 = tpu.memref_slice %arg11[%rem3A_372] : memref<5x!tpu.dma_semaphore, #tpu.memory_space<semaphore_mem>> -> memref<1x!tpu.dma_semaphore, #tpu.memory_space<semaphore_mem>>
        %dma_start3A_436 = tpu.memref_squeeze %dma_start3A_435 : memref<1x!tpu.dma_semaphore, #tpu.memory_space<semaphore_mem>> -> memref<!tpu.dma_semaphore, #tpu.memory_space<semaphore_mem>>
        tpu.enqueue_indirect_dma source(%dma_start3A_434 : memref<10240x64xf32, #tpu.memory_space<vmem_shared>>) target(%dma_start3A_428 : memref<128x64xf32, #tpu.memory_space<vmem>>) offsets(%dma_start3A_431 : memref<128xi32, #tpu.memory_space<vmem>>) semaphore(%dma_start3A_436 : memref<!tpu.dma_semaphore, #tpu.memory_space<semaphore_mem>>)
        %add3A_437 = arith.constant 8 : i32
        %add3A_438 = arith.addi %sub3A_419, %add3A_437 : i32
        %ge3A_439 = arith.constant 7 : i32
        %ge3A_440 = arith.cmpi sge, %add3A_438, %ge3A_439 : i32
        %lt3A_441 = arith.constant 158 : i32
        %lt3A_442 = arith.cmpi slt, %add3A_438, %lt3A_441 : i32
        %and3A_443 = arith.andi %ge3A_440, %lt3A_442 : i1
        %convert_element_type3A_444 = arith.extui %and3A_443 : i1 to i32
        %cond3A_445 = arith.constant 0 : i32
        %cond3A_446 = arith.cmpi ne, %convert_element_type3A_444, %cond3A_445 : i32
        scf.if %cond3A_446 {
          %and3A_447 = arith.constant 7 : i32
          %and3A_448 = arith.andi %add3A_438, %and3A_447 : i32
          %dma_start3A_449 = arith.constant 0 : i32
          %dma_start3A_450 = arith.constant 0 : i32
          %dma_start3A_451 = tpu.memref_slice %arg6[%and3A_448, %dma_start3A_449, %dma_start3A_450] : memref<8x2x128xi32, #tpu.memory_space<vmem>> -> memref<1x2x128xi32, #tpu.memory_space<vmem>>
          %dma_start3A_452 = tpu.memref_squeeze %dma_start3A_451 : memref<1x2x128xi32, #tpu.memory_space<vmem>> -> memref<2x128xi32, #tpu.memory_space<vmem>>
          %dma_start3A_453 = arith.constant 0 : i32
          %dma_start3A_454 = arith.constant 0 : i32
          %dma_start3A_455 = tpu.memref_slice %arg3[%arg1, %add3A_438, %dma_start3A_453, %dma_start3A_454] : memref<16x158x2x128xi32, #tpu.memory_space<hbm>> -> memref<1x1x2x128xi32, #tpu.memory_space<hbm>>
          %dma_start3A_456 = tpu.memref_squeeze %dma_start3A_455 : memref<1x1x2x128xi32, #tpu.memory_space<hbm>> -> memref<2x128xi32, #tpu.memory_space<hbm>>
          %dma_start3A_457 = tpu.memref_slice %arg10[%and3A_448] : memref<8x!tpu.dma_semaphore, #tpu.memory_space<semaphore_mem>> -> memref<1x!tpu.dma_semaphore, #tpu.memory_space<semaphore_mem>>
          %dma_start3A_458 = tpu.memref_squeeze %dma_start3A_457 : memref<1x!tpu.dma_semaphore, #tpu.memory_space<semaphore_mem>> -> memref<!tpu.dma_semaphore, #tpu.memory_space<semaphore_mem>>
          %dma_start3A_459 = arith.constant 0 : i32
          %dma_start3A_460 = arith.constant 0 : i32
          %dma_start3A_461 = tpu.memref_slice %arg6[%and3A_448, %dma_start3A_459, %dma_start3A_460] : memref<8x2x128xi32, #tpu.memory_space<vmem>> -> memref<1x2x128xi32, #tpu.memory_space<vmem>>
          %dma_start3A_462 = tpu.memref_squeeze %dma_start3A_461 : memref<1x2x128xi32, #tpu.memory_space<vmem>> -> memref<2x128xi32, #tpu.memory_space<vmem>>
          %dma_start3A_463 = arith.constant 0 : i32
          %dma_start3A_464 = arith.constant 0 : i32
          %dma_start3A_465 = tpu.memref_slice %arg3[%arg1, %add3A_438, %dma_start3A_463, %dma_start3A_464] : memref<16x158x2x128xi32, #tpu.memory_space<hbm>> -> memref<1x1x2x128xi32, #tpu.memory_space<hbm>>
          %dma_start3A_466 = tpu.memref_squeeze %dma_start3A_465 : memref<1x1x2x128xi32, #tpu.memory_space<hbm>> -> memref<2x128xi32, #tpu.memory_space<hbm>>
          tpu.enqueue_dma source(%dma_start3A_466 : memref<2x128xi32, #tpu.memory_space<hbm>>) target(%dma_start3A_462 : memref<2x128xi32, #tpu.memory_space<vmem>>) target_semaphore(%dma_start3A_458 : memref<!tpu.dma_semaphore, #tpu.memory_space<semaphore_mem>>)
        } else {
        }
      } else {
      }
      %dma_wait3A_375 = arith.constant 0 : i32
      %dma_wait3A_376 = arith.constant 0 : i32
      %dma_wait3A_377 = arith.constant 0 : i32
      %dma_wait3A_378 = tpu.memref_slice %arg7[%rem3A_365, %dma_wait3A_376, %dma_wait3A_377] : memref<5x128x64xf32, #tpu.memory_space<vmem>> -> memref<1x128x64xf32, #tpu.memory_space<vmem>>
      %dma_wait3A_379 = tpu.memref_squeeze %dma_wait3A_378 : memref<1x128x64xf32, #tpu.memory_space<vmem>> -> memref<128x64xf32, #tpu.memory_space<vmem>>
      %dma_wait3A_380 = arith.constant 0 : i32
      %dma_wait3A_381 = tpu.memref_slice %arg6[%and3A_366, %dma_wait3A_375, %dma_wait3A_380] : memref<8x2x128xi32, #tpu.memory_space<vmem>> -> memref<1x1x128xi32, #tpu.memory_space<vmem>>
      %dma_wait3A_382 = tpu.memref_squeeze %dma_wait3A_381 : memref<1x1x128xi32, #tpu.memory_space<vmem>> -> memref<128xi32, #tpu.memory_space<vmem>>
      %dma_wait3A_383 = arith.constant 0 : i32
      %dma_wait3A_384 = arith.constant 0 : i32
      %dma_wait3A_385 = tpu.memref_slice %arg8[%dma_wait3A_383, %dma_wait3A_384] : memref<10240x64xf32, #tpu.memory_space<vmem_shared>> -> memref<10240x64xf32, #tpu.memory_space<vmem_shared>>
      %dma_wait3A_386 = tpu.memref_slice %arg11[%rem3A_365] : memref<5x!tpu.dma_semaphore, #tpu.memory_space<semaphore_mem>> -> memref<1x!tpu.dma_semaphore, #tpu.memory_space<semaphore_mem>>
      %dma_wait3A_387 = tpu.memref_squeeze %dma_wait3A_386 : memref<1x!tpu.dma_semaphore, #tpu.memory_space<semaphore_mem>> -> memref<!tpu.dma_semaphore, #tpu.memory_space<semaphore_mem>>
      tpu.wait_indirect_dma semaphore(%dma_wait3A_387 : memref<!tpu.dma_semaphore, #tpu.memory_space<semaphore_mem>>) src(%dma_wait3A_385 : memref<10240x64xf32, #tpu.memory_space<vmem_shared>>) dst(%dma_wait3A_379 : memref<128x64xf32, #tpu.memory_space<vmem>>)
      %dma_start3A_388 = arith.constant 1 : i32
      %dma_start3A_389 = arith.constant 0 : i32
      %dma_start3A_390 = arith.constant 0 : i32
      %dma_start3A_391 = tpu.memref_slice %arg7[%rem3A_365, %dma_start3A_389, %dma_start3A_390] : memref<5x128x64xf32, #tpu.memory_space<vmem>> -> memref<1x128x64xf32, #tpu.memory_space<vmem>>
      %dma_start3A_392 = tpu.memref_squeeze %dma_start3A_391 : memref<1x128x64xf32, #tpu.memory_space<vmem>> -> memref<128x64xf32, #tpu.memory_space<vmem>>
      %dma_start3A_393 = arith.constant 0 : i32
      %dma_start3A_394 = tpu.memref_slice %arg6[%and3A_366, %dma_start3A_388, %dma_start3A_393] : memref<8x2x128xi32, #tpu.memory_space<vmem>> -> memref<1x1x128xi32, #tpu.memory_space<vmem>>
      %dma_start3A_395 = tpu.memref_squeeze %dma_start3A_394 : memref<1x1x128xi32, #tpu.memory_space<vmem>> -> memref<128xi32, #tpu.memory_space<vmem>>
      %dma_start3A_396 = arith.constant 0 : i32
      %dma_start3A_397 = arith.constant 0 : i32
      %dma_start3A_398 = tpu.memref_slice %arg9[%dma_start3A_396, %dma_start3A_397] : memref<10240x64xf32, #tpu.memory_space<vmem_shared>> -> memref<10240x64xf32, #tpu.memory_space<vmem_shared>>
      %dma_start3A_399 = tpu.memref_slice %arg12[%rem3A_365] : memref<5x!tpu.dma_semaphore, #tpu.memory_space<semaphore_mem>> -> memref<1x!tpu.dma_semaphore, #tpu.memory_space<semaphore_mem>>
      %dma_start3A_400 = tpu.memref_squeeze %dma_start3A_399 : memref<1x!tpu.dma_semaphore, #tpu.memory_space<semaphore_mem>> -> memref<!tpu.dma_semaphore, #tpu.memory_space<semaphore_mem>>
      tpu.enqueue_indirect_dma source(%dma_start3A_392 : memref<128x64xf32, #tpu.memory_space<vmem>>) target(%dma_start3A_398 : memref<10240x64xf32, #tpu.memory_space<vmem_shared>>) offsets(%dma_start3A_395 : memref<128xi32, #tpu.memory_space<vmem>>) semaphore(%dma_start3A_400 : memref<!tpu.dma_semaphore, #tpu.memory_space<semaphore_mem>>) {add = true}
    }
    %scan3A_282 = arith.constant 158 : i32
    %dma_wait3A_283 = arith.constant 3 : i32
    %dma_wait3A_284 = arith.constant 1 : i32
    %dma_wait3A_285 = arith.constant 1 : i32
    %dma_wait3A_286 = arith.constant 3 : i32
    %dma_wait3A_287 = arith.constant 0 : i32
    %dma_wait3A_288 = arith.constant 0 : i32
    %dma_wait3A_289 = tpu.memref_slice %arg7[%dma_wait3A_283, %dma_wait3A_287, %dma_wait3A_288] : memref<5x128x64xf32, #tpu.memory_space<vmem>> -> memref<1x128x64xf32, #tpu.memory_space<vmem>>
    %dma_wait3A_290 = tpu.memref_squeeze %dma_wait3A_289 : memref<1x128x64xf32, #tpu.memory_space<vmem>> -> memref<128x64xf32, #tpu.memory_space<vmem>>
    %dma_wait3A_291 = arith.constant 0 : i32
    %dma_wait3A_292 = tpu.memref_slice %arg6[%dma_wait3A_284, %dma_wait3A_285, %dma_wait3A_291] : memref<8x2x128xi32, #tpu.memory_space<vmem>> -> memref<1x1x128xi32, #tpu.memory_space<vmem>>
    %dma_wait3A_293 = tpu.memref_squeeze %dma_wait3A_292 : memref<1x1x128xi32, #tpu.memory_space<vmem>> -> memref<128xi32, #tpu.memory_space<vmem>>
    %dma_wait3A_294 = arith.constant 0 : i32
    %dma_wait3A_295 = arith.constant 0 : i32
    %dma_wait3A_296 = tpu.memref_slice %arg9[%dma_wait3A_294, %dma_wait3A_295] : memref<10240x64xf32, #tpu.memory_space<vmem_shared>> -> memref<10240x64xf32, #tpu.memory_space<vmem_shared>>
    %dma_wait3A_297 = tpu.memref_slice %arg12[%dma_wait3A_286] : memref<5x!tpu.dma_semaphore, #tpu.memory_space<semaphore_mem>> -> memref<1x!tpu.dma_semaphore, #tpu.memory_space<semaphore_mem>>
    %dma_wait3A_298 = tpu.memref_squeeze %dma_wait3A_297 : memref<1x!tpu.dma_semaphore, #tpu.memory_space<semaphore_mem>> -> memref<!tpu.dma_semaphore, #tpu.memory_space<semaphore_mem>>
    tpu.wait_indirect_dma semaphore(%dma_wait3A_298 : memref<!tpu.dma_semaphore, #tpu.memory_space<semaphore_mem>>) src(%dma_wait3A_290 : memref<128x64xf32, #tpu.memory_space<vmem>>) dst(%dma_wait3A_296 : memref<10240x64xf32, #tpu.memory_space<vmem_shared>>)
    %dma_wait3A_299 = arith.constant 4 : i32
    %dma_wait3A_300 = arith.constant 2 : i32
    %dma_wait3A_301 = arith.constant 1 : i32
    %dma_wait3A_302 = arith.constant 4 : i32
    %dma_wait3A_303 = arith.constant 0 : i32
    %dma_wait3A_304 = arith.constant 0 : i32
    %dma_wait3A_305 = tpu.memref_slice %arg7[%dma_wait3A_299, %dma_wait3A_303, %dma_wait3A_304] : memref<5x128x64xf32, #tpu.memory_space<vmem>> -> memref<1x128x64xf32, #tpu.memory_space<vmem>>
    %dma_wait3A_306 = tpu.memref_squeeze %dma_wait3A_305 : memref<1x128x64xf32, #tpu.memory_space<vmem>> -> memref<128x64xf32, #tpu.memory_space<vmem>>
    %dma_wait3A_307 = arith.constant 0 : i32
    %dma_wait3A_308 = tpu.memref_slice %arg6[%dma_wait3A_300, %dma_wait3A_301, %dma_wait3A_307] : memref<8x2x128xi32, #tpu.memory_space<vmem>> -> memref<1x1x128xi32, #tpu.memory_space<vmem>>
    %dma_wait3A_309 = tpu.memref_squeeze %dma_wait3A_308 : memref<1x1x128xi32, #tpu.memory_space<vmem>> -> memref<128xi32, #tpu.memory_space<vmem>>
    %dma_wait3A_310 = arith.constant 0 : i32
    %dma_wait3A_311 = arith.constant 0 : i32
    %dma_wait3A_312 = tpu.memref_slice %arg9[%dma_wait3A_310, %dma_wait3A_311] : memref<10240x64xf32, #tpu.memory_space<vmem_shared>> -> memref<10240x64xf32, #tpu.memory_space<vmem_shared>>
    %dma_wait3A_313 = tpu.memref_slice %arg12[%dma_wait3A_302] : memref<5x!tpu.dma_semaphore, #tpu.memory_space<semaphore_mem>> -> memref<1x!tpu.dma_semaphore, #tpu.memory_space<semaphore_mem>>
    %dma_wait3A_314 = tpu.memref_squeeze %dma_wait3A_313 : memref<1x!tpu.dma_semaphore, #tpu.memory_space<semaphore_mem>> -> memref<!tpu.dma_semaphore, #tpu.memory_space<semaphore_mem>>
    tpu.wait_indirect_dma semaphore(%dma_wait3A_314 : memref<!tpu.dma_semaphore, #tpu.memory_space<semaphore_mem>>) src(%dma_wait3A_306 : memref<128x64xf32, #tpu.memory_space<vmem>>) dst(%dma_wait3A_312 : memref<10240x64xf32, #tpu.memory_space<vmem_shared>>)
    %dma_wait3A_315 = arith.constant 0 : i32
    %dma_wait3A_316 = arith.constant 3 : i32
    %dma_wait3A_317 = arith.constant 1 : i32
    %dma_wait3A_318 = arith.constant 0 : i32
    %dma_wait3A_319 = arith.constant 0 : i32
    %dma_wait3A_320 = arith.constant 0 : i32
    %dma_wait3A_321 = tpu.memref_slice %arg7[%dma_wait3A_315, %dma_wait3A_319, %dma_wait3A_320] : memref<5x128x64xf32, #tpu.memory_space<vmem>> -> memref<1x128x64xf32, #tpu.memory_space<vmem>>
    %dma_wait3A_322 = tpu.memref_squeeze %dma_wait3A_321 : memref<1x128x64xf32, #tpu.memory_space<vmem>> -> memref<128x64xf32, #tpu.memory_space<vmem>>
    %dma_wait3A_323 = arith.constant 0 : i32
    %dma_wait3A_324 = tpu.memref_slice %arg6[%dma_wait3A_316, %dma_wait3A_317, %dma_wait3A_323] : memref<8x2x128xi32, #tpu.memory_space<vmem>> -> memref<1x1x128xi32, #tpu.memory_space<vmem>>
    %dma_wait3A_325 = tpu.memref_squeeze %dma_wait3A_324 : memref<1x1x128xi32, #tpu.memory_space<vmem>> -> memref<128xi32, #tpu.memory_space<vmem>>
    %dma_wait3A_326 = arith.constant 0 : i32
    %dma_wait3A_327 = arith.constant 0 : i32
    %dma_wait3A_328 = tpu.memref_slice %arg9[%dma_wait3A_326, %dma_wait3A_327] : memref<10240x64xf32, #tpu.memory_space<vmem_shared>> -> memref<10240x64xf32, #tpu.memory_space<vmem_shared>>
    %dma_wait3A_329 = tpu.memref_slice %arg12[%dma_wait3A_318] : memref<5x!tpu.dma_semaphore, #tpu.memory_space<semaphore_mem>> -> memref<1x!tpu.dma_semaphore, #tpu.memory_space<semaphore_mem>>
    %dma_wait3A_330 = tpu.memref_squeeze %dma_wait3A_329 : memref<1x!tpu.dma_semaphore, #tpu.memory_space<semaphore_mem>> -> memref<!tpu.dma_semaphore, #tpu.memory_space<semaphore_mem>>
    tpu.wait_indirect_dma semaphore(%dma_wait3A_330 : memref<!tpu.dma_semaphore, #tpu.memory_space<semaphore_mem>>) src(%dma_wait3A_322 : memref<128x64xf32, #tpu.memory_space<vmem>>) dst(%dma_wait3A_328 : memref<10240x64xf32, #tpu.memory_space<vmem_shared>>)
    %dma_wait3A_331 = arith.constant 1 : i32
    %dma_wait3A_332 = arith.constant 4 : i32
    %dma_wait3A_333 = arith.constant 1 : i32
    %dma_wait3A_334 = arith.constant 1 : i32
    %dma_wait3A_335 = arith.constant 0 : i32
    %dma_wait3A_336 = arith.constant 0 : i32
    %dma_wait3A_337 = tpu.memref_slice %arg7[%dma_wait3A_331, %dma_wait3A_335, %dma_wait3A_336] : memref<5x128x64xf32, #tpu.memory_space<vmem>> -> memref<1x128x64xf32, #tpu.memory_space<vmem>>
    %dma_wait3A_338 = tpu.memref_squeeze %dma_wait3A_337 : memref<1x128x64xf32, #tpu.memory_space<vmem>> -> memref<128x64xf32, #tpu.memory_space<vmem>>
    %dma_wait3A_339 = arith.constant 0 : i32
    %dma_wait3A_340 = tpu.memref_slice %arg6[%dma_wait3A_332, %dma_wait3A_333, %dma_wait3A_339] : memref<8x2x128xi32, #tpu.memory_space<vmem>> -> memref<1x1x128xi32, #tpu.memory_space<vmem>>
    %dma_wait3A_341 = tpu.memref_squeeze %dma_wait3A_340 : memref<1x1x128xi32, #tpu.memory_space<vmem>> -> memref<128xi32, #tpu.memory_space<vmem>>
    %dma_wait3A_342 = arith.constant 0 : i32
    %dma_wait3A_343 = arith.constant 0 : i32
    %dma_wait3A_344 = tpu.memref_slice %arg9[%dma_wait3A_342, %dma_wait3A_343] : memref<10240x64xf32, #tpu.memory_space<vmem_shared>> -> memref<10240x64xf32, #tpu.memory_space<vmem_shared>>
    %dma_wait3A_345 = tpu.memref_slice %arg12[%dma_wait3A_334] : memref<5x!tpu.dma_semaphore, #tpu.memory_space<semaphore_mem>> -> memref<1x!tpu.dma_semaphore, #tpu.memory_space<semaphore_mem>>
    %dma_wait3A_346 = tpu.memref_squeeze %dma_wait3A_345 : memref<1x!tpu.dma_semaphore, #tpu.memory_space<semaphore_mem>> -> memref<!tpu.dma_semaphore, #tpu.memory_space<semaphore_mem>>
    tpu.wait_indirect_dma semaphore(%dma_wait3A_346 : memref<!tpu.dma_semaphore, #tpu.memory_space<semaphore_mem>>) src(%dma_wait3A_338 : memref<128x64xf32, #tpu.memory_space<vmem>>) dst(%dma_wait3A_344 : memref<10240x64xf32, #tpu.memory_space<vmem_shared>>)
    %dma_wait3A_347 = arith.constant 2 : i32
    %dma_wait3A_348 = arith.constant 5 : i32
    %dma_wait3A_349 = arith.constant 1 : i32
    %dma_wait3A_350 = arith.constant 2 : i32
    %dma_wait3A_351 = arith.constant 0 : i32
    %dma_wait3A_352 = arith.constant 0 : i32
    %dma_wait3A_353 = tpu.memref_slice %arg7[%dma_wait3A_347, %dma_wait3A_351, %dma_wait3A_352] : memref<5x128x64xf32, #tpu.memory_space<vmem>> -> memref<1x128x64xf32, #tpu.memory_space<vmem>>
    %dma_wait3A_354 = tpu.memref_squeeze %dma_wait3A_353 : memref<1x128x64xf32, #tpu.memory_space<vmem>> -> memref<128x64xf32, #tpu.memory_space<vmem>>
    %dma_wait3A_355 = arith.constant 0 : i32
    %dma_wait3A_356 = tpu.memref_slice %arg6[%dma_wait3A_348, %dma_wait3A_349, %dma_wait3A_355] : memref<8x2x128xi32, #tpu.memory_space<vmem>> -> memref<1x1x128xi32, #tpu.memory_space<vmem>>
    %dma_wait3A_357 = tpu.memref_squeeze %dma_wait3A_356 : memref<1x1x128xi32, #tpu.memory_space<vmem>> -> memref<128xi32, #tpu.memory_space<vmem>>
    %dma_wait3A_358 = arith.constant 0 : i32
    %dma_wait3A_359 = arith.constant 0 : i32
    %dma_wait3A_360 = tpu.memref_slice %arg9[%dma_wait3A_358, %dma_wait3A_359] : memref<10240x64xf32, #tpu.memory_space<vmem_shared>> -> memref<10240x64xf32, #tpu.memory_space<vmem_shared>>
    %dma_wait3A_361 = tpu.memref_slice %arg12[%dma_wait3A_350] : memref<5x!tpu.dma_semaphore, #tpu.memory_space<semaphore_mem>> -> memref<1x!tpu.dma_semaphore, #tpu.memory_space<semaphore_mem>>
    %dma_wait3A_362 = tpu.memref_squeeze %dma_wait3A_361 : memref<1x!tpu.dma_semaphore, #tpu.memory_space<semaphore_mem>> -> memref<!tpu.dma_semaphore, #tpu.memory_space<semaphore_mem>>
    tpu.wait_indirect_dma semaphore(%dma_wait3A_362 : memref<!tpu.dma_semaphore, #tpu.memory_space<semaphore_mem>>) src(%dma_wait3A_354 : memref<128x64xf32, #tpu.memory_space<vmem>>) dst(%dma_wait3A_360 : memref<10240x64xf32, #tpu.memory_space<vmem_shared>>)
    %barrier3A_363 = arith.constant 0 : index
    tpu.barrier barrier_id(%barrier3A_363)
    "tpu.region"() ({
      %run_scoped3A = tpu.sem_alloc : memref<!tpu.dma_semaphore, #tpu.memory_space<semaphore_mem>>
      %dma_start3A_364 = tpu.memref_slice %arg5[%mul3A_148, %mul3A_0] : memref<10240x128xf32, #tpu.memory_space<hbm>> -> memref<640x64xf32, #tpu.memory_space<hbm>>
      %dma_start3A_365 = arith.constant 0 : i32
      %dma_start3A_366 = tpu.memref_slice %arg9[%mul3A_148, %dma_start3A_365] : memref<10240x64xf32, #tpu.memory_space<vmem_shared>> -> memref<640x64xf32, #tpu.memory_space<vmem_shared>>
      tpu.enqueue_dma source(%dma_start3A_366 : memref<640x64xf32, #tpu.memory_space<vmem_shared>>) target(%dma_start3A_364 : memref<640x64xf32, #tpu.memory_space<hbm>>) target_semaphore(%run_scoped3A : memref<!tpu.dma_semaphore, #tpu.memory_space<semaphore_mem>>)
      %dma_wait3A_367 = tpu.memref_slice %arg5[%mul3A_148, %mul3A_0] : memref<10240x128xf32, #tpu.memory_space<hbm>> -> memref<640x64xf32, #tpu.memory_space<hbm>>
      %dma_wait3A_368 = arith.constant 0 : i32
      %dma_wait3A_369 = tpu.memref_slice %arg9[%mul3A_148, %dma_wait3A_368] : memref<10240x64xf32, #tpu.memory_space<vmem_shared>> -> memref<640x64xf32, #tpu.memory_space<vmem_shared>>
      tpu.wait_dma2 semaphore(%run_scoped3A : memref<!tpu.dma_semaphore, #tpu.memory_space<semaphore_mem>>) src(%dma_wait3A_369 : memref<640x64xf32, #tpu.memory_space<vmem_shared>>) dst(%dma_wait3A_367 : memref<640x64xf32, #tpu.memory_space<hbm>>)
      tpu.yield
    }) : () -> ()
    return
  }
}

#map = affine_map<(d0, d1) -> (0, 0, 0, 0)>
#map1 = affine_map<(d0, d1) -> (0)>
#map2 = affine_map<(d0, d1) -> (0, 0)>
module attributes {stable_mosaic.version = 14 : i64} {
  func.func @_deg_body(%arg0: i32, %arg1: i32, %arg2: memref<16x158x2x128xi32, #tpu.memory_space<hbm>>, %arg3: memref<128xf32, #tpu.memory_space<hbm>>, %arg4: memref<640xf32, #tpu.memory_space<hbm>>, %arg5: memref<2x10240xf32, #tpu.memory_space<hbm>>, %arg6: memref<79x2x128xi32, #tpu.memory_space<vmem>>, %arg7: memref<128xf32, #tpu.memory_space<vmem>>, %arg8: memref<10240xf32, #tpu.memory_space<vmem_shared>>, %arg9: memref<!tpu.dma_semaphore, #tpu.memory_space<semaphore_mem>>) attributes {dimension_semantics = [#tpu.dimension_semantics<core_parallel>, #tpu.dimension_semantics<subcore_parallel>], iteration_bounds = array<i64: 2, 16>, scalar_prefetch = 0 : i64, scratch_operands = 4 : i64, tpu.core_type = #tpu.core_type<sc_vector_subcore>, window_params = [{transform_indices = #map}, {transform_indices = #map1}, {transform_indices = #map1}, {transform_indices = #map2}]} {
    %mul3A = arith.constant 640 : i32
    %mul3A_0 = arith.muli %arg1, %mul3A : i32
    "tpu.region"() ({
      %run_scoped3A = tpu.sem_alloc : memref<!tpu.dma_semaphore, #tpu.memory_space<semaphore_mem>>
      %dma_start3A = tpu.memref_slice %arg8[%mul3A_0] : memref<10240xf32, #tpu.memory_space<vmem_shared>> -> memref<640xf32, #tpu.memory_space<vmem_shared>>
      tpu.enqueue_dma source(%arg4 : memref<640xf32, #tpu.memory_space<hbm>>) target(%dma_start3A : memref<640xf32, #tpu.memory_space<vmem_shared>>) target_semaphore(%run_scoped3A : memref<!tpu.dma_semaphore, #tpu.memory_space<semaphore_mem>>)
      %dma_wait3A = tpu.memref_slice %arg8[%mul3A_0] : memref<10240xf32, #tpu.memory_space<vmem_shared>> -> memref<640xf32, #tpu.memory_space<vmem_shared>>
      tpu.wait_dma2 semaphore(%run_scoped3A : memref<!tpu.dma_semaphore, #tpu.memory_space<semaphore_mem>>) src(%arg4 : memref<640xf32, #tpu.memory_space<hbm>>) dst(%dma_wait3A : memref<640xf32, #tpu.memory_space<vmem_shared>>)
      tpu.yield
    }) : () -> ()
    "tpu.region"() ({
      %run_scoped3A = tpu.sem_alloc : memref<!tpu.dma_semaphore, #tpu.memory_space<semaphore_mem>>
      tpu.enqueue_dma source(%arg3 : memref<128xf32, #tpu.memory_space<hbm>>) target(%arg7 : memref<128xf32, #tpu.memory_space<vmem>>) target_semaphore(%run_scoped3A : memref<!tpu.dma_semaphore, #tpu.memory_space<semaphore_mem>>)
      tpu.wait_dma2 semaphore(%run_scoped3A : memref<!tpu.dma_semaphore, #tpu.memory_space<semaphore_mem>>) src(%arg3 : memref<128xf32, #tpu.memory_space<hbm>>) dst(%arg7 : memref<128xf32, #tpu.memory_space<vmem>>)
      tpu.yield
    }) : () -> ()
    %mul3A_1 = arith.constant 79 : i32
    %mul3A_2 = arith.muli %arg0, %mul3A_1 : i32
    "tpu.region"() ({
      %run_scoped3A = tpu.sem_alloc : memref<!tpu.dma_semaphore, #tpu.memory_space<semaphore_mem>>
      %dma_start3A = arith.constant 0 : i32
      %dma_start3A_19 = arith.constant 0 : i32
      %dma_start3A_20 = tpu.memref_slice %arg2[%arg1, %mul3A_2, %dma_start3A, %dma_start3A_19] : memref<16x158x2x128xi32, #tpu.memory_space<hbm>> -> memref<1x79x2x128xi32, #tpu.memory_space<hbm>>
      %dma_start3A_21 = tpu.memref_squeeze %dma_start3A_20 : memref<1x79x2x128xi32, #tpu.memory_space<hbm>> -> memref<79x2x128xi32, #tpu.memory_space<hbm>>
      %dma_start3A_22 = arith.constant 0 : i32
      %dma_start3A_23 = arith.constant 0 : i32
      %dma_start3A_24 = tpu.memref_slice %arg2[%arg1, %mul3A_2, %dma_start3A_22, %dma_start3A_23] : memref<16x158x2x128xi32, #tpu.memory_space<hbm>> -> memref<1x79x2x128xi32, #tpu.memory_space<hbm>>
      %dma_start3A_25 = tpu.memref_squeeze %dma_start3A_24 : memref<1x79x2x128xi32, #tpu.memory_space<hbm>> -> memref<79x2x128xi32, #tpu.memory_space<hbm>>
      tpu.enqueue_dma source(%dma_start3A_25 : memref<79x2x128xi32, #tpu.memory_space<hbm>>) target(%arg6 : memref<79x2x128xi32, #tpu.memory_space<vmem>>) target_semaphore(%run_scoped3A : memref<!tpu.dma_semaphore, #tpu.memory_space<semaphore_mem>>)
      %dma_wait3A = arith.constant 0 : i32
      %dma_wait3A_26 = arith.constant 0 : i32
      %dma_wait3A_27 = tpu.memref_slice %arg2[%arg1, %mul3A_2, %dma_wait3A, %dma_wait3A_26] : memref<16x158x2x128xi32, #tpu.memory_space<hbm>> -> memref<1x79x2x128xi32, #tpu.memory_space<hbm>>
      %dma_wait3A_28 = tpu.memref_squeeze %dma_wait3A_27 : memref<1x79x2x128xi32, #tpu.memory_space<hbm>> -> memref<79x2x128xi32, #tpu.memory_space<hbm>>
      %dma_wait3A_29 = arith.constant 0 : i32
      %dma_wait3A_30 = arith.constant 0 : i32
      %dma_wait3A_31 = tpu.memref_slice %arg2[%arg1, %mul3A_2, %dma_wait3A_29, %dma_wait3A_30] : memref<16x158x2x128xi32, #tpu.memory_space<hbm>> -> memref<1x79x2x128xi32, #tpu.memory_space<hbm>>
      %dma_wait3A_32 = tpu.memref_squeeze %dma_wait3A_31 : memref<1x79x2x128xi32, #tpu.memory_space<hbm>> -> memref<79x2x128xi32, #tpu.memory_space<hbm>>
      tpu.wait_dma2 semaphore(%run_scoped3A : memref<!tpu.dma_semaphore, #tpu.memory_space<semaphore_mem>>) src(%dma_wait3A_32 : memref<79x2x128xi32, #tpu.memory_space<hbm>>) dst(%arg6 : memref<79x2x128xi32, #tpu.memory_space<vmem>>)
      tpu.yield
    }) : () -> ()
    %barrier3A = arith.constant 0 : index
    tpu.barrier barrier_id(%barrier3A)
    %scan3A = arith.constant 0 : i32
    %scan3A_3 = arith.constant 0 : i32
    %scan3A_4 = arith.constant 79 : i32
    %scan3A_5 = arith.addi %scan3A_3, %scan3A_4 : i32
    %scan3A_6 = arith.constant 1 : i32
    scf.for %scan3A_19 = %scan3A_3 to %scan3A_5 step %scan3A_6  : i32 {
      %dma_start3A = arith.constant 1 : i32
      %dma_start3A_20 = arith.constant 0 : i32
      %dma_start3A_21 = tpu.memref_slice %arg6[%scan3A_19, %dma_start3A, %dma_start3A_20] : memref<79x2x128xi32, #tpu.memory_space<vmem>> -> memref<1x1x128xi32, #tpu.memory_space<vmem>>
      %dma_start3A_22 = tpu.memref_squeeze %dma_start3A_21 : memref<1x1x128xi32, #tpu.memory_space<vmem>> -> memref<128xi32, #tpu.memory_space<vmem>>
      %dma_start3A_23 = arith.constant 0 : i32
      %dma_start3A_24 = tpu.memref_slice %arg8[%dma_start3A_23] : memref<10240xf32, #tpu.memory_space<vmem_shared>> -> memref<10240xf32, #tpu.memory_space<vmem_shared>>
      tpu.enqueue_indirect_dma source(%arg7 : memref<128xf32, #tpu.memory_space<vmem>>) target(%dma_start3A_24 : memref<10240xf32, #tpu.memory_space<vmem_shared>>) offsets(%dma_start3A_22 : memref<128xi32, #tpu.memory_space<vmem>>) semaphore(%arg9 : memref<!tpu.dma_semaphore, #tpu.memory_space<semaphore_mem>>) {add = true}
    }
    %scan3A_7 = arith.constant 79 : i32
    %scan3A_8 = arith.constant 0 : i32
    %scan3A_9 = arith.constant 0 : i32
    %scan3A_10 = arith.constant 79 : i32
    %scan3A_11 = arith.addi %scan3A_9, %scan3A_10 : i32
    %scan3A_12 = arith.constant 1 : i32
    scf.for %scan3A_19 = %scan3A_9 to %scan3A_11 step %scan3A_12  : i32 {
      %dma_wait3A = arith.constant 1 : i32
      %dma_wait3A_20 = arith.constant 0 : i32
      %dma_wait3A_21 = tpu.memref_slice %arg6[%scan3A_19, %dma_wait3A, %dma_wait3A_20] : memref<79x2x128xi32, #tpu.memory_space<vmem>> -> memref<1x1x128xi32, #tpu.memory_space<vmem>>
      %dma_wait3A_22 = tpu.memref_squeeze %dma_wait3A_21 : memref<1x1x128xi32, #tpu.memory_space<vmem>> -> memref<128xi32, #tpu.memory_space<vmem>>
      %dma_wait3A_23 = arith.constant 0 : i32
      %dma_wait3A_24 = tpu.memref_slice %arg8[%dma_wait3A_23] : memref<10240xf32, #tpu.memory_space<vmem_shared>> -> memref<10240xf32, #tpu.memory_space<vmem_shared>>
      tpu.wait_indirect_dma semaphore(%arg9 : memref<!tpu.dma_semaphore, #tpu.memory_space<semaphore_mem>>) src(%arg7 : memref<128xf32, #tpu.memory_space<vmem>>) dst(%dma_wait3A_24 : memref<10240xf32, #tpu.memory_space<vmem_shared>>)
    }
    %scan3A_13 = arith.constant 79 : i32
    %barrier3A_14 = arith.constant 0 : index
    tpu.barrier barrier_id(%barrier3A_14)
    %mul3A_15 = arith.constant 640 : i32
    %mul3A_16 = arith.muli %arg1, %mul3A_15 : i32
    %mul3A_17 = arith.constant 640 : i32
    %mul3A_18 = arith.muli %arg1, %mul3A_17 : i32
    "tpu.region"() ({
      %run_scoped3A = tpu.sem_alloc : memref<!tpu.dma_semaphore, #tpu.memory_space<semaphore_mem>>
      %dma_start3A = tpu.memref_slice %arg5[%arg0, %mul3A_18] : memref<2x10240xf32, #tpu.memory_space<hbm>> -> memref<1x640xf32, #tpu.memory_space<hbm>>
      %dma_start3A_19 = tpu.memref_squeeze %dma_start3A : memref<1x640xf32, #tpu.memory_space<hbm>> -> memref<640xf32, #tpu.memory_space<hbm>>
      %dma_start3A_20 = tpu.memref_slice %arg8[%mul3A_16] : memref<10240xf32, #tpu.memory_space<vmem_shared>> -> memref<640xf32, #tpu.memory_space<vmem_shared>>
      tpu.enqueue_dma source(%dma_start3A_20 : memref<640xf32, #tpu.memory_space<vmem_shared>>) target(%dma_start3A_19 : memref<640xf32, #tpu.memory_space<hbm>>) target_semaphore(%run_scoped3A : memref<!tpu.dma_semaphore, #tpu.memory_space<semaphore_mem>>)
      %dma_wait3A = tpu.memref_slice %arg5[%arg0, %mul3A_18] : memref<2x10240xf32, #tpu.memory_space<hbm>> -> memref<1x640xf32, #tpu.memory_space<hbm>>
      %dma_wait3A_21 = tpu.memref_squeeze %dma_wait3A : memref<1x640xf32, #tpu.memory_space<hbm>> -> memref<640xf32, #tpu.memory_space<hbm>>
      %dma_wait3A_22 = tpu.memref_slice %arg8[%mul3A_16] : memref<10240xf32, #tpu.memory_space<vmem_shared>> -> memref<640xf32, #tpu.memory_space<vmem_shared>>
      tpu.wait_dma2 semaphore(%run_scoped3A : memref<!tpu.dma_semaphore, #tpu.memory_space<semaphore_mem>>) src(%dma_wait3A_22 : memref<640xf32, #tpu.memory_space<vmem_shared>>) dst(%dma_wait3A_21 : memref<640xf32, #tpu.memory_space<hbm>>)
      tpu.yield
    }) : () -> ()
    return
  }
}

#map = affine_map<(d0, d1) -> (0, 0)>
#map1 = affine_map<(d0, d1) -> (0, 0, 0, 0)>
module attributes {stable_mosaic.version = 14 : i64} {
  func.func @_edge_body(%arg0: i32, %arg1: i32, %arg2: memref<10240x128xf32, #tpu.memory_space<hbm>>, %arg3: memref<16x158x2x128xi32, #tpu.memory_space<hbm>>, %arg4: memref<128x64xf32, #tpu.memory_space<hbm>>, %arg5: memref<10240x128xf32, #tpu.memory_space<hbm>>, %arg6: memref<8x2x128xi32, #tpu.memory_space<vmem>>, %arg7: memref<5x128x64xf32, #tpu.memory_space<vmem>>, %arg8: memref<10240x64xf32, #tpu.memory_space<vmem_shared>>, %arg9: memref<10240x64xf32, #tpu.memory_space<vmem_shared>>, %arg10: memref<8x!tpu.dma_semaphore, #tpu.memory_space<semaphore_mem>>, %arg11: memref<5x!tpu.dma_semaphore, #tpu.memory_space<semaphore_mem>>, %arg12: memref<5x!tpu.dma_semaphore, #tpu.memory_space<semaphore_mem>>) attributes {dimension_semantics = [#tpu.dimension_semantics<core_parallel>, #tpu.dimension_semantics<subcore_parallel>], iteration_bounds = array<i64: 2, 16>, scalar_prefetch = 0 : i64, scratch_operands = 7 : i64, tpu.core_type = #tpu.core_type<sc_vector_subcore>, window_params = [{transform_indices = #map}, {transform_indices = #map1}, {transform_indices = #map}, {transform_indices = #map}]} {
    %mul3A = arith.constant 64 : i32
    %mul3A_0 = arith.muli %arg0, %mul3A : i32
    %dma_start3A = arith.constant 0 : i32
    %dma_start3A_1 = arith.constant 0 : i32
    %dma_start3A_2 = arith.constant 0 : i32
    %dma_start3A_3 = arith.constant 0 : i32
    %dma_start3A_4 = arith.constant 0 : i32
    %dma_start3A_5 = tpu.memref_slice %arg6[%dma_start3A_1, %dma_start3A_3, %dma_start3A_4] : memref<8x2x128xi32, #tpu.memory_space<vmem>> -> memref<1x2x128xi32, #tpu.memory_space<vmem>>
    %dma_start3A_6 = tpu.memref_squeeze %dma_start3A_5 : memref<1x2x128xi32, #tpu.memory_space<vmem>> -> memref<2x128xi32, #tpu.memory_space<vmem>>
    %dma_start3A_7 = arith.constant 0 : i32
    %dma_start3A_8 = arith.constant 0 : i32
    %dma_start3A_9 = tpu.memref_slice %arg3[%arg1, %dma_start3A, %dma_start3A_7, %dma_start3A_8] : memref<16x158x2x128xi32, #tpu.memory_space<hbm>> -> memref<1x1x2x128xi32, #tpu.memory_space<hbm>>
    %dma_start3A_10 = tpu.memref_squeeze %dma_start3A_9 : memref<1x1x2x128xi32, #tpu.memory_space<hbm>> -> memref<2x128xi32, #tpu.memory_space<hbm>>
    %dma_start3A_11 = tpu.memref_slice %arg10[%dma_start3A_2] : memref<8x!tpu.dma_semaphore, #tpu.memory_space<semaphore_mem>> -> memref<1x!tpu.dma_semaphore, #tpu.memory_space<semaphore_mem>>
    %dma_start3A_12 = tpu.memref_squeeze %dma_start3A_11 : memref<1x!tpu.dma_semaphore, #tpu.memory_space<semaphore_mem>> -> memref<!tpu.dma_semaphore, #tpu.memory_space<semaphore_mem>>
    %dma_start3A_13 = arith.constant 0 : i32
    %dma_start3A_14 = arith.constant 0 : i32
    %dma_start3A_15 = tpu.memref_slice %arg6[%dma_start3A_1, %dma_start3A_13, %dma_start3A_14] : memref<8x2x128xi32, #tpu.memory_space<vmem>> -> memref<1x2x128xi32, #tpu.memory_space<vmem>>
    %dma_start3A_16 = tpu.memref_squeeze %dma_start3A_15 : memref<1x2x128xi32, #tpu.memory_space<vmem>> -> memref<2x128xi32, #tpu.memory_space<vmem>>
    %dma_start3A_17 = arith.constant 0 : i32
    %dma_start3A_18 = arith.constant 0 : i32
    %dma_start3A_19 = tpu.memref_slice %arg3[%arg1, %dma_start3A, %dma_start3A_17, %dma_start3A_18] : memref<16x158x2x128xi32, #tpu.memory_space<hbm>> -> memref<1x1x2x128xi32, #tpu.memory_space<hbm>>
    %dma_start3A_20 = tpu.memref_squeeze %dma_start3A_19 : memref<1x1x2x128xi32, #tpu.memory_space<hbm>> -> memref<2x128xi32, #tpu.memory_space<hbm>>
    tpu.enqueue_dma source(%dma_start3A_20 : memref<2x128xi32, #tpu.memory_space<hbm>>) target(%dma_start3A_16 : memref<2x128xi32, #tpu.memory_space<vmem>>) target_semaphore(%dma_start3A_12 : memref<!tpu.dma_semaphore, #tpu.memory_space<semaphore_mem>>)
    %dma_start3A_21 = arith.constant 1 : i32
    %dma_start3A_22 = arith.constant 1 : i32
    %dma_start3A_23 = arith.constant 1 : i32
    %dma_start3A_24 = arith.constant 0 : i32
    %dma_start3A_25 = arith.constant 0 : i32
    %dma_start3A_26 = tpu.memref_slice %arg6[%dma_start3A_22, %dma_start3A_24, %dma_start3A_25] : memref<8x2x128xi32, #tpu.memory_space<vmem>> -> memref<1x2x128xi32, #tpu.memory_space<vmem>>
    %dma_start3A_27 = tpu.memref_squeeze %dma_start3A_26 : memref<1x2x128xi32, #tpu.memory_space<vmem>> -> memref<2x128xi32, #tpu.memory_space<vmem>>
    %dma_start3A_28 = arith.constant 0 : i32
    %dma_start3A_29 = arith.constant 0 : i32
    %dma_start3A_30 = tpu.memref_slice %arg3[%arg1, %dma_start3A_21, %dma_start3A_28, %dma_start3A_29] : memref<16x158x2x128xi32, #tpu.memory_space<hbm>> -> memref<1x1x2x128xi32, #tpu.memory_space<hbm>>
    %dma_start3A_31 = tpu.memref_squeeze %dma_start3A_30 : memref<1x1x2x128xi32, #tpu.memory_space<hbm>> -> memref<2x128xi32, #tpu.memory_space<hbm>>
    %dma_start3A_32 = tpu.memref_slice %arg10[%dma_start3A_23] : memref<8x!tpu.dma_semaphore, #tpu.memory_space<semaphore_mem>> -> memref<1x!tpu.dma_semaphore, #tpu.memory_space<semaphore_mem>>
    %dma_start3A_33 = tpu.memref_squeeze %dma_start3A_32 : memref<1x!tpu.dma_semaphore, #tpu.memory_space<semaphore_mem>> -> memref<!tpu.dma_semaphore, #tpu.memory_space<semaphore_mem>>
    %dma_start3A_34 = arith.constant 0 : i32
    %dma_start3A_35 = arith.constant 0 : i32
    %dma_start3A_36 = tpu.memref_slice %arg6[%dma_start3A_22, %dma_start3A_34, %dma_start3A_35] : memref<8x2x128xi32, #tpu.memory_space<vmem>> -> memref<1x2x128xi32, #tpu.memory_space<vmem>>
    %dma_start3A_37 = tpu.memref_squeeze %dma_start3A_36 : memref<1x2x128xi32, #tpu.memory_space<vmem>> -> memref<2x128xi32, #tpu.memory_space<vmem>>
    %dma_start3A_38 = arith.constant 0 : i32
    %dma_start3A_39 = arith.constant 0 : i32
    %dma_start3A_40 = tpu.memref_slice %arg3[%arg1, %dma_start3A_21, %dma_start3A_38, %dma_start3A_39] : memref<16x158x2x128xi32, #tpu.memory_space<hbm>> -> memref<1x1x2x128xi32, #tpu.memory_space<hbm>>
    %dma_start3A_41 = tpu.memref_squeeze %dma_start3A_40 : memref<1x1x2x128xi32, #tpu.memory_space<hbm>> -> memref<2x128xi32, #tpu.memory_space<hbm>>
    tpu.enqueue_dma source(%dma_start3A_41 : memref<2x128xi32, #tpu.memory_space<hbm>>) target(%dma_start3A_37 : memref<2x128xi32, #tpu.memory_space<vmem>>) target_semaphore(%dma_start3A_33 : memref<!tpu.dma_semaphore, #tpu.memory_space<semaphore_mem>>)
    %dma_start3A_42 = arith.constant 2 : i32
    %dma_start3A_43 = arith.constant 2 : i32
    %dma_start3A_44 = arith.constant 2 : i32
    %dma_start3A_45 = arith.constant 0 : i32
    %dma_start3A_46 = arith.constant 0 : i32
    %dma_start3A_47 = tpu.memref_slice %arg6[%dma_start3A_43, %dma_start3A_45, %dma_start3A_46] : memref<8x2x128xi32, #tpu.memory_space<vmem>> -> memref<1x2x128xi32, #tpu.memory_space<vmem>>
    %dma_start3A_48 = tpu.memref_squeeze %dma_start3A_47 : memref<1x2x128xi32, #tpu.memory_space<vmem>> -> memref<2x128xi32, #tpu.memory_space<vmem>>
    %dma_start3A_49 = arith.constant 0 : i32
    %dma_start3A_50 = arith.constant 0 : i32
    %dma_start3A_51 = tpu.memref_slice %arg3[%arg1, %dma_start3A_42, %dma_start3A_49, %dma_start3A_50] : memref<16x158x2x128xi32, #tpu.memory_space<hbm>> -> memref<1x1x2x128xi32, #tpu.memory_space<hbm>>
    %dma_start3A_52 = tpu.memref_squeeze %dma_start3A_51 : memref<1x1x2x128xi32, #tpu.memory_space<hbm>> -> memref<2x128xi32, #tpu.memory_space<hbm>>
    %dma_start3A_53 = tpu.memref_slice %arg10[%dma_start3A_44] : memref<8x!tpu.dma_semaphore, #tpu.memory_space<semaphore_mem>> -> memref<1x!tpu.dma_semaphore, #tpu.memory_space<semaphore_mem>>
    %dma_start3A_54 = tpu.memref_squeeze %dma_start3A_53 : memref<1x!tpu.dma_semaphore, #tpu.memory_space<semaphore_mem>> -> memref<!tpu.dma_semaphore, #tpu.memory_space<semaphore_mem>>
    %dma_start3A_55 = arith.constant 0 : i32
    %dma_start3A_56 = arith.constant 0 : i32
    %dma_start3A_57 = tpu.memref_slice %arg6[%dma_start3A_43, %dma_start3A_55, %dma_start3A_56] : memref<8x2x128xi32, #tpu.memory_space<vmem>> -> memref<1x2x128xi32, #tpu.memory_space<vmem>>
    %dma_start3A_58 = tpu.memref_squeeze %dma_start3A_57 : memref<1x2x128xi32, #tpu.memory_space<vmem>> -> memref<2x128xi32, #tpu.memory_space<vmem>>
    %dma_start3A_59 = arith.constant 0 : i32
    %dma_start3A_60 = arith.constant 0 : i32
    %dma_start3A_61 = tpu.memref_slice %arg3[%arg1, %dma_start3A_42, %dma_start3A_59, %dma_start3A_60] : memref<16x158x2x128xi32, #tpu.memory_space<hbm>> -> memref<1x1x2x128xi32, #tpu.memory_space<hbm>>
    %dma_start3A_62 = tpu.memref_squeeze %dma_start3A_61 : memref<1x1x2x128xi32, #tpu.memory_space<hbm>> -> memref<2x128xi32, #tpu.memory_space<hbm>>
    tpu.enqueue_dma source(%dma_start3A_62 : memref<2x128xi32, #tpu.memory_space<hbm>>) target(%dma_start3A_58 : memref<2x128xi32, #tpu.memory_space<vmem>>) target_semaphore(%dma_start3A_54 : memref<!tpu.dma_semaphore, #tpu.memory_space<semaphore_mem>>)
    %dma_start3A_63 = arith.constant 3 : i32
    %dma_start3A_64 = arith.constant 3 : i32
    %dma_start3A_65 = arith.constant 3 : i32
    %dma_start3A_66 = arith.constant 0 : i32
    %dma_start3A_67 = arith.constant 0 : i32
    %dma_start3A_68 = tpu.memref_slice %arg6[%dma_start3A_64, %dma_start3A_66, %dma_start3A_67] : memref<8x2x128xi32, #tpu.memory_space<vmem>> -> memref<1x2x128xi32, #tpu.memory_space<vmem>>
    %dma_start3A_69 = tpu.memref_squeeze %dma_start3A_68 : memref<1x2x128xi32, #tpu.memory_space<vmem>> -> memref<2x128xi32, #tpu.memory_space<vmem>>
    %dma_start3A_70 = arith.constant 0 : i32
    %dma_start3A_71 = arith.constant 0 : i32
    %dma_start3A_72 = tpu.memref_slice %arg3[%arg1, %dma_start3A_63, %dma_start3A_70, %dma_start3A_71] : memref<16x158x2x128xi32, #tpu.memory_space<hbm>> -> memref<1x1x2x128xi32, #tpu.memory_space<hbm>>
    %dma_start3A_73 = tpu.memref_squeeze %dma_start3A_72 : memref<1x1x2x128xi32, #tpu.memory_space<hbm>> -> memref<2x128xi32, #tpu.memory_space<hbm>>
    %dma_start3A_74 = tpu.memref_slice %arg10[%dma_start3A_65] : memref<8x!tpu.dma_semaphore, #tpu.memory_space<semaphore_mem>> -> memref<1x!tpu.dma_semaphore, #tpu.memory_space<semaphore_mem>>
    %dma_start3A_75 = tpu.memref_squeeze %dma_start3A_74 : memref<1x!tpu.dma_semaphore, #tpu.memory_space<semaphore_mem>> -> memref<!tpu.dma_semaphore, #tpu.memory_space<semaphore_mem>>
    %dma_start3A_76 = arith.constant 0 : i32
    %dma_start3A_77 = arith.constant 0 : i32
    %dma_start3A_78 = tpu.memref_slice %arg6[%dma_start3A_64, %dma_start3A_76, %dma_start3A_77] : memref<8x2x128xi32, #tpu.memory_space<vmem>> -> memref<1x2x128xi32, #tpu.memory_space<vmem>>
    %dma_start3A_79 = tpu.memref_squeeze %dma_start3A_78 : memref<1x2x128xi32, #tpu.memory_space<vmem>> -> memref<2x128xi32, #tpu.memory_space<vmem>>
    %dma_start3A_80 = arith.constant 0 : i32
    %dma_start3A_81 = arith.constant 0 : i32
    %dma_start3A_82 = tpu.memref_slice %arg3[%arg1, %dma_start3A_63, %dma_start3A_80, %dma_start3A_81] : memref<16x158x2x128xi32, #tpu.memory_space<hbm>> -> memref<1x1x2x128xi32, #tpu.memory_space<hbm>>
    %dma_start3A_83 = tpu.memref_squeeze %dma_start3A_82 : memref<1x1x2x128xi32, #tpu.memory_space<hbm>> -> memref<2x128xi32, #tpu.memory_space<hbm>>
    tpu.enqueue_dma source(%dma_start3A_83 : memref<2x128xi32, #tpu.memory_space<hbm>>) target(%dma_start3A_79 : memref<2x128xi32, #tpu.memory_space<vmem>>) target_semaphore(%dma_start3A_75 : memref<!tpu.dma_semaphore, #tpu.memory_space<semaphore_mem>>)
    %dma_start3A_84 = arith.constant 4 : i32
    %dma_start3A_85 = arith.constant 4 : i32
    %dma_start3A_86 = arith.constant 4 : i32
    %dma_start3A_87 = arith.constant 0 : i32
    %dma_start3A_88 = arith.constant 0 : i32
    %dma_start3A_89 = tpu.memref_slice %arg6[%dma_start3A_85, %dma_start3A_87, %dma_start3A_88] : memref<8x2x128xi32, #tpu.memory_space<vmem>> -> memref<1x2x128xi32, #tpu.memory_space<vmem>>
    %dma_start3A_90 = tpu.memref_squeeze %dma_start3A_89 : memref<1x2x128xi32, #tpu.memory_space<vmem>> -> memref<2x128xi32, #tpu.memory_space<vmem>>
    %dma_start3A_91 = arith.constant 0 : i32
    %dma_start3A_92 = arith.constant 0 : i32
    %dma_start3A_93 = tpu.memref_slice %arg3[%arg1, %dma_start3A_84, %dma_start3A_91, %dma_start3A_92] : memref<16x158x2x128xi32, #tpu.memory_space<hbm>> -> memref<1x1x2x128xi32, #tpu.memory_space<hbm>>
    %dma_start3A_94 = tpu.memref_squeeze %dma_start3A_93 : memref<1x1x2x128xi32, #tpu.memory_space<hbm>> -> memref<2x128xi32, #tpu.memory_space<hbm>>
    %dma_start3A_95 = tpu.memref_slice %arg10[%dma_start3A_86] : memref<8x!tpu.dma_semaphore, #tpu.memory_space<semaphore_mem>> -> memref<1x!tpu.dma_semaphore, #tpu.memory_space<semaphore_mem>>
    %dma_start3A_96 = tpu.memref_squeeze %dma_start3A_95 : memref<1x!tpu.dma_semaphore, #tpu.memory_space<semaphore_mem>> -> memref<!tpu.dma_semaphore, #tpu.memory_space<semaphore_mem>>
    %dma_start3A_97 = arith.constant 0 : i32
    %dma_start3A_98 = arith.constant 0 : i32
    %dma_start3A_99 = tpu.memref_slice %arg6[%dma_start3A_85, %dma_start3A_97, %dma_start3A_98] : memref<8x2x128xi32, #tpu.memory_space<vmem>> -> memref<1x2x128xi32, #tpu.memory_space<vmem>>
    %dma_start3A_100 = tpu.memref_squeeze %dma_start3A_99 : memref<1x2x128xi32, #tpu.memory_space<vmem>> -> memref<2x128xi32, #tpu.memory_space<vmem>>
    %dma_start3A_101 = arith.constant 0 : i32
    %dma_start3A_102 = arith.constant 0 : i32
    %dma_start3A_103 = tpu.memref_slice %arg3[%arg1, %dma_start3A_84, %dma_start3A_101, %dma_start3A_102] : memref<16x158x2x128xi32, #tpu.memory_space<hbm>> -> memref<1x1x2x128xi32, #tpu.memory_space<hbm>>
    %dma_start3A_104 = tpu.memref_squeeze %dma_start3A_103 : memref<1x1x2x128xi32, #tpu.memory_space<hbm>> -> memref<2x128xi32, #tpu.memory_space<hbm>>
    tpu.enqueue_dma source(%dma_start3A_104 : memref<2x128xi32, #tpu.memory_space<hbm>>) target(%dma_start3A_100 : memref<2x128xi32, #tpu.memory_space<vmem>>) target_semaphore(%dma_start3A_96 : memref<!tpu.dma_semaphore, #tpu.memory_space<semaphore_mem>>)
    %dma_start3A_105 = arith.constant 5 : i32
    %dma_start3A_106 = arith.constant 5 : i32
    %dma_start3A_107 = arith.constant 5 : i32
    %dma_start3A_108 = arith.constant 0 : i32
    %dma_start3A_109 = arith.constant 0 : i32
    %dma_start3A_110 = tpu.memref_slice %arg6[%dma_start3A_106, %dma_start3A_108, %dma_start3A_109] : memref<8x2x128xi32, #tpu.memory_space<vmem>> -> memref<1x2x128xi32, #tpu.memory_space<vmem>>
    %dma_start3A_111 = tpu.memref_squeeze %dma_start3A_110 : memref<1x2x128xi32, #tpu.memory_space<vmem>> -> memref<2x128xi32, #tpu.memory_space<vmem>>
    %dma_start3A_112 = arith.constant 0 : i32
    %dma_start3A_113 = arith.constant 0 : i32
    %dma_start3A_114 = tpu.memref_slice %arg3[%arg1, %dma_start3A_105, %dma_start3A_112, %dma_start3A_113] : memref<16x158x2x128xi32, #tpu.memory_space<hbm>> -> memref<1x1x2x128xi32, #tpu.memory_space<hbm>>
    %dma_start3A_115 = tpu.memref_squeeze %dma_start3A_114 : memref<1x1x2x128xi32, #tpu.memory_space<hbm>> -> memref<2x128xi32, #tpu.memory_space<hbm>>
    %dma_start3A_116 = tpu.memref_slice %arg10[%dma_start3A_107] : memref<8x!tpu.dma_semaphore, #tpu.memory_space<semaphore_mem>> -> memref<1x!tpu.dma_semaphore, #tpu.memory_space<semaphore_mem>>
    %dma_start3A_117 = tpu.memref_squeeze %dma_start3A_116 : memref<1x!tpu.dma_semaphore, #tpu.memory_space<semaphore_mem>> -> memref<!tpu.dma_semaphore, #tpu.memory_space<semaphore_mem>>
    %dma_start3A_118 = arith.constant 0 : i32
    %dma_start3A_119 = arith.constant 0 : i32
    %dma_start3A_120 = tpu.memref_slice %arg6[%dma_start3A_106, %dma_start3A_118, %dma_start3A_119] : memref<8x2x128xi32, #tpu.memory_space<vmem>> -> memref<1x2x128xi32, #tpu.memory_space<vmem>>
    %dma_start3A_121 = tpu.memref_squeeze %dma_start3A_120 : memref<1x2x128xi32, #tpu.memory_space<vmem>> -> memref<2x128xi32, #tpu.memory_space<vmem>>
    %dma_start3A_122 = arith.constant 0 : i32
    %dma_start3A_123 = arith.constant 0 : i32
    %dma_start3A_124 = tpu.memref_slice %arg3[%arg1, %dma_start3A_105, %dma_start3A_122, %dma_start3A_123] : memref<16x158x2x128xi32, #tpu.memory_space<hbm>> -> memref<1x1x2x128xi32, #tpu.memory_space<hbm>>
    %dma_start3A_125 = tpu.memref_squeeze %dma_start3A_124 : memref<1x1x2x128xi32, #tpu.memory_space<hbm>> -> memref<2x128xi32, #tpu.memory_space<hbm>>
    tpu.enqueue_dma source(%dma_start3A_125 : memref<2x128xi32, #tpu.memory_space<hbm>>) target(%dma_start3A_121 : memref<2x128xi32, #tpu.memory_space<vmem>>) target_semaphore(%dma_start3A_117 : memref<!tpu.dma_semaphore, #tpu.memory_space<semaphore_mem>>)
    %dma_start3A_126 = arith.constant 6 : i32
    %dma_start3A_127 = arith.constant 6 : i32
    %dma_start3A_128 = arith.constant 6 : i32
    %dma_start3A_129 = arith.constant 0 : i32
    %dma_start3A_130 = arith.constant 0 : i32
    %dma_start3A_131 = tpu.memref_slice %arg6[%dma_start3A_127, %dma_start3A_129, %dma_start3A_130] : memref<8x2x128xi32, #tpu.memory_space<vmem>> -> memref<1x2x128xi32, #tpu.memory_space<vmem>>
    %dma_start3A_132 = tpu.memref_squeeze %dma_start3A_131 : memref<1x2x128xi32, #tpu.memory_space<vmem>> -> memref<2x128xi32, #tpu.memory_space<vmem>>
    %dma_start3A_133 = arith.constant 0 : i32
    %dma_start3A_134 = arith.constant 0 : i32
    %dma_start3A_135 = tpu.memref_slice %arg3[%arg1, %dma_start3A_126, %dma_start3A_133, %dma_start3A_134] : memref<16x158x2x128xi32, #tpu.memory_space<hbm>> -> memref<1x1x2x128xi32, #tpu.memory_space<hbm>>
    %dma_start3A_136 = tpu.memref_squeeze %dma_start3A_135 : memref<1x1x2x128xi32, #tpu.memory_space<hbm>> -> memref<2x128xi32, #tpu.memory_space<hbm>>
    %dma_start3A_137 = tpu.memref_slice %arg10[%dma_start3A_128] : memref<8x!tpu.dma_semaphore, #tpu.memory_space<semaphore_mem>> -> memref<1x!tpu.dma_semaphore, #tpu.memory_space<semaphore_mem>>
    %dma_start3A_138 = tpu.memref_squeeze %dma_start3A_137 : memref<1x!tpu.dma_semaphore, #tpu.memory_space<semaphore_mem>> -> memref<!tpu.dma_semaphore, #tpu.memory_space<semaphore_mem>>
    %dma_start3A_139 = arith.constant 0 : i32
    %dma_start3A_140 = arith.constant 0 : i32
    %dma_start3A_141 = tpu.memref_slice %arg6[%dma_start3A_127, %dma_start3A_139, %dma_start3A_140] : memref<8x2x128xi32, #tpu.memory_space<vmem>> -> memref<1x2x128xi32, #tpu.memory_space<vmem>>
    %dma_start3A_142 = tpu.memref_squeeze %dma_start3A_141 : memref<1x2x128xi32, #tpu.memory_space<vmem>> -> memref<2x128xi32, #tpu.memory_space<vmem>>
    %dma_start3A_143 = arith.constant 0 : i32
    %dma_start3A_144 = arith.constant 0 : i32
    %dma_start3A_145 = tpu.memref_slice %arg3[%arg1, %dma_start3A_126, %dma_start3A_143, %dma_start3A_144] : memref<16x158x2x128xi32, #tpu.memory_space<hbm>> -> memref<1x1x2x128xi32, #tpu.memory_space<hbm>>
    %dma_start3A_146 = tpu.memref_squeeze %dma_start3A_145 : memref<1x1x2x128xi32, #tpu.memory_space<hbm>> -> memref<2x128xi32, #tpu.memory_space<hbm>>
    tpu.enqueue_dma source(%dma_start3A_146 : memref<2x128xi32, #tpu.memory_space<hbm>>) target(%dma_start3A_142 : memref<2x128xi32, #tpu.memory_space<vmem>>) target_semaphore(%dma_start3A_138 : memref<!tpu.dma_semaphore, #tpu.memory_space<semaphore_mem>>)
    %mul3A_147 = arith.constant 640 : i32
    %mul3A_148 = arith.muli %arg1, %mul3A_147 : i32
    "tpu.region"() ({
      %run_scoped3A = tpu.sem_alloc : memref<!tpu.dma_semaphore, #tpu.memory_space<semaphore_mem>>
      %dma_start3A_364 = arith.constant 0 : i32
      %dma_start3A_365 = tpu.memref_slice %arg8[%mul3A_148, %dma_start3A_364] : memref<10240x64xf32, #tpu.memory_space<vmem_shared>> -> memref<640x64xf32, #tpu.memory_space<vmem_shared>>
      %dma_start3A_366 = tpu.memref_slice %arg2[%mul3A_148, %mul3A_0] : memref<10240x128xf32, #tpu.memory_space<hbm>> -> memref<640x64xf32, #tpu.memory_space<hbm>>
      tpu.enqueue_dma source(%dma_start3A_366 : memref<640x64xf32, #tpu.memory_space<hbm>>) target(%dma_start3A_365 : memref<640x64xf32, #tpu.memory_space<vmem_shared>>) target_semaphore(%run_scoped3A : memref<!tpu.dma_semaphore, #tpu.memory_space<semaphore_mem>>)
      %dma_wait3A_367 = arith.constant 0 : i32
      %dma_wait3A_368 = tpu.memref_slice %arg8[%mul3A_148, %dma_wait3A_367] : memref<10240x64xf32, #tpu.memory_space<vmem_shared>> -> memref<640x64xf32, #tpu.memory_space<vmem_shared>>
      %dma_wait3A_369 = tpu.memref_slice %arg2[%mul3A_148, %mul3A_0] : memref<10240x128xf32, #tpu.memory_space<hbm>> -> memref<640x64xf32, #tpu.memory_space<hbm>>
      tpu.wait_dma2 semaphore(%run_scoped3A : memref<!tpu.dma_semaphore, #tpu.memory_space<semaphore_mem>>) src(%dma_wait3A_369 : memref<640x64xf32, #tpu.memory_space<hbm>>) dst(%dma_wait3A_368 : memref<640x64xf32, #tpu.memory_space<vmem_shared>>)
      tpu.yield
    }) : () -> ()
    %mul3A_149 = arith.constant 640 : i32
    %mul3A_150 = arith.muli %arg1, %mul3A_149 : i32
    %add3A = arith.constant 0 : i32
    %add3A_151 = arith.addi %mul3A_150, %add3A : i32
    "tpu.region"() ({
      %run_scoped3A = tpu.sem_alloc : memref<!tpu.dma_semaphore, #tpu.memory_space<semaphore_mem>>
      %dma_start3A_364 = arith.constant 0 : i32
      %dma_start3A_365 = tpu.memref_slice %arg9[%add3A_151, %dma_start3A_364] : memref<10240x64xf32, #tpu.memory_space<vmem_shared>> -> memref<128x64xf32, #tpu.memory_space<vmem_shared>>
      tpu.enqueue_dma source(%arg4 : memref<128x64xf32, #tpu.memory_space<hbm>>) target(%dma_start3A_365 : memref<128x64xf32, #tpu.memory_space<vmem_shared>>) target_semaphore(%run_scoped3A : memref<!tpu.dma_semaphore, #tpu.memory_space<semaphore_mem>>)
      %dma_wait3A_366 = arith.constant 0 : i32
      %dma_wait3A_367 = tpu.memref_slice %arg9[%add3A_151, %dma_wait3A_366] : memref<10240x64xf32, #tpu.memory_space<vmem_shared>> -> memref<128x64xf32, #tpu.memory_space<vmem_shared>>
      tpu.wait_dma2 semaphore(%run_scoped3A : memref<!tpu.dma_semaphore, #tpu.memory_space<semaphore_mem>>) src(%arg4 : memref<128x64xf32, #tpu.memory_space<hbm>>) dst(%dma_wait3A_367 : memref<128x64xf32, #tpu.memory_space<vmem_shared>>)
      tpu.yield
    }) : () -> ()
    %mul3A_152 = arith.constant 640 : i32
    %mul3A_153 = arith.muli %arg1, %mul3A_152 : i32
    %add3A_154 = arith.constant 128 : i32
    %add3A_155 = arith.addi %mul3A_153, %add3A_154 : i32
    "tpu.region"() ({
      %run_scoped3A = tpu.sem_alloc : memref<!tpu.dma_semaphore, #tpu.memory_space<semaphore_mem>>
      %dma_start3A_364 = arith.constant 0 : i32
      %dma_start3A_365 = tpu.memref_slice %arg9[%add3A_155, %dma_start3A_364] : memref<10240x64xf32, #tpu.memory_space<vmem_shared>> -> memref<128x64xf32, #tpu.memory_space<vmem_shared>>
      tpu.enqueue_dma source(%arg4 : memref<128x64xf32, #tpu.memory_space<hbm>>) target(%dma_start3A_365 : memref<128x64xf32, #tpu.memory_space<vmem_shared>>) target_semaphore(%run_scoped3A : memref<!tpu.dma_semaphore, #tpu.memory_space<semaphore_mem>>)
      %dma_wait3A_366 = arith.constant 0 : i32
      %dma_wait3A_367 = tpu.memref_slice %arg9[%add3A_155, %dma_wait3A_366] : memref<10240x64xf32, #tpu.memory_space<vmem_shared>> -> memref<128x64xf32, #tpu.memory_space<vmem_shared>>
      tpu.wait_dma2 semaphore(%run_scoped3A : memref<!tpu.dma_semaphore, #tpu.memory_space<semaphore_mem>>) src(%arg4 : memref<128x64xf32, #tpu.memory_space<hbm>>) dst(%dma_wait3A_367 : memref<128x64xf32, #tpu.memory_space<vmem_shared>>)
      tpu.yield
    }) : () -> ()
    %mul3A_156 = arith.constant 640 : i32
    %mul3A_157 = arith.muli %arg1, %mul3A_156 : i32
    %add3A_158 = arith.constant 256 : i32
    %add3A_159 = arith.addi %mul3A_157, %add3A_158 : i32
    "tpu.region"() ({
      %run_scoped3A = tpu.sem_alloc : memref<!tpu.dma_semaphore, #tpu.memory_space<semaphore_mem>>
      %dma_start3A_364 = arith.constant 0 : i32
      %dma_start3A_365 = tpu.memref_slice %arg9[%add3A_159, %dma_start3A_364] : memref<10240x64xf32, #tpu.memory_space<vmem_shared>> -> memref<128x64xf32, #tpu.memory_space<vmem_shared>>
      tpu.enqueue_dma source(%arg4 : memref<128x64xf32, #tpu.memory_space<hbm>>) target(%dma_start3A_365 : memref<128x64xf32, #tpu.memory_space<vmem_shared>>) target_semaphore(%run_scoped3A : memref<!tpu.dma_semaphore, #tpu.memory_space<semaphore_mem>>)
      %dma_wait3A_366 = arith.constant 0 : i32
      %dma_wait3A_367 = tpu.memref_slice %arg9[%add3A_159, %dma_wait3A_366] : memref<10240x64xf32, #tpu.memory_space<vmem_shared>> -> memref<128x64xf32, #tpu.memory_space<vmem_shared>>
      tpu.wait_dma2 semaphore(%run_scoped3A : memref<!tpu.dma_semaphore, #tpu.memory_space<semaphore_mem>>) src(%arg4 : memref<128x64xf32, #tpu.memory_space<hbm>>) dst(%dma_wait3A_367 : memref<128x64xf32, #tpu.memory_space<vmem_shared>>)
      tpu.yield
    }) : () -> ()
    %mul3A_160 = arith.constant 640 : i32
    %mul3A_161 = arith.muli %arg1, %mul3A_160 : i32
    %add3A_162 = arith.constant 384 : i32
    %add3A_163 = arith.addi %mul3A_161, %add3A_162 : i32
    "tpu.region"() ({
      %run_scoped3A = tpu.sem_alloc : memref<!tpu.dma_semaphore, #tpu.memory_space<semaphore_mem>>
      %dma_start3A_364 = arith.constant 0 : i32
      %dma_start3A_365 = tpu.memref_slice %arg9[%add3A_163, %dma_start3A_364] : memref<10240x64xf32, #tpu.memory_space<vmem_shared>> -> memref<128x64xf32, #tpu.memory_space<vmem_shared>>
      tpu.enqueue_dma source(%arg4 : memref<128x64xf32, #tpu.memory_space<hbm>>) target(%dma_start3A_365 : memref<128x64xf32, #tpu.memory_space<vmem_shared>>) target_semaphore(%run_scoped3A : memref<!tpu.dma_semaphore, #tpu.memory_space<semaphore_mem>>)
      %dma_wait3A_366 = arith.constant 0 : i32
      %dma_wait3A_367 = tpu.memref_slice %arg9[%add3A_163, %dma_wait3A_366] : memref<10240x64xf32, #tpu.memory_space<vmem_shared>> -> memref<128x64xf32, #tpu.memory_space<vmem_shared>>
      tpu.wait_dma2 semaphore(%run_scoped3A : memref<!tpu.dma_semaphore, #tpu.memory_space<semaphore_mem>>) src(%arg4 : memref<128x64xf32, #tpu.memory_space<hbm>>) dst(%dma_wait3A_367 : memref<128x64xf32, #tpu.memory_space<vmem_shared>>)
      tpu.yield
    }) : () -> ()
    %mul3A_164 = arith.constant 640 : i32
    %mul3A_165 = arith.muli %arg1, %mul3A_164 : i32
    %add3A_166 = arith.constant 512 : i32
    %add3A_167 = arith.addi %mul3A_165, %add3A_166 : i32
    "tpu.region"() ({
      %run_scoped3A = tpu.sem_alloc : memref<!tpu.dma_semaphore, #tpu.memory_space<semaphore_mem>>
      %dma_start3A_364 = arith.constant 0 : i32
      %dma_start3A_365 = tpu.memref_slice %arg9[%add3A_167, %dma_start3A_364] : memref<10240x64xf32, #tpu.memory_space<vmem_shared>> -> memref<128x64xf32, #tpu.memory_space<vmem_shared>>
      tpu.enqueue_dma source(%arg4 : memref<128x64xf32, #tpu.memory_space<hbm>>) target(%dma_start3A_365 : memref<128x64xf32, #tpu.memory_space<vmem_shared>>) target_semaphore(%run_scoped3A : memref<!tpu.dma_semaphore, #tpu.memory_space<semaphore_mem>>)
      %dma_wait3A_366 = arith.constant 0 : i32
      %dma_wait3A_367 = tpu.memref_slice %arg9[%add3A_167, %dma_wait3A_366] : memref<10240x64xf32, #tpu.memory_space<vmem_shared>> -> memref<128x64xf32, #tpu.memory_space<vmem_shared>>
      tpu.wait_dma2 semaphore(%run_scoped3A : memref<!tpu.dma_semaphore, #tpu.memory_space<semaphore_mem>>) src(%arg4 : memref<128x64xf32, #tpu.memory_space<hbm>>) dst(%dma_wait3A_367 : memref<128x64xf32, #tpu.memory_space<vmem_shared>>)
      tpu.yield
    }) : () -> ()
    %barrier3A = arith.constant 0 : index
    tpu.barrier barrier_id(%barrier3A)
    %dma_wait3A = arith.constant 0 : i32
    %dma_wait3A_168 = arith.constant 0 : i32
    %dma_wait3A_169 = arith.constant 0 : i32
    %dma_wait3A_170 = arith.constant 0 : i32
    %dma_wait3A_171 = arith.constant 0 : i32
    %dma_wait3A_172 = tpu.memref_slice %arg6[%dma_wait3A_168, %dma_wait3A_170, %dma_wait3A_171] : memref<8x2x128xi32, #tpu.memory_space<vmem>> -> memref<1x2x128xi32, #tpu.memory_space<vmem>>
    %dma_wait3A_173 = tpu.memref_squeeze %dma_wait3A_172 : memref<1x2x128xi32, #tpu.memory_space<vmem>> -> memref<2x128xi32, #tpu.memory_space<vmem>>
    %dma_wait3A_174 = arith.constant 0 : i32
    %dma_wait3A_175 = arith.constant 0 : i32
    %dma_wait3A_176 = tpu.memref_slice %arg3[%arg1, %dma_wait3A, %dma_wait3A_174, %dma_wait3A_175] : memref<16x158x2x128xi32, #tpu.memory_space<hbm>> -> memref<1x1x2x128xi32, #tpu.memory_space<hbm>>
    %dma_wait3A_177 = tpu.memref_squeeze %dma_wait3A_176 : memref<1x1x2x128xi32, #tpu.memory_space<hbm>> -> memref<2x128xi32, #tpu.memory_space<hbm>>
    %dma_wait3A_178 = tpu.memref_slice %arg10[%dma_wait3A_169] : memref<8x!tpu.dma_semaphore, #tpu.memory_space<semaphore_mem>> -> memref<1x!tpu.dma_semaphore, #tpu.memory_space<semaphore_mem>>
    %dma_wait3A_179 = tpu.memref_squeeze %dma_wait3A_178 : memref<1x!tpu.dma_semaphore, #tpu.memory_space<semaphore_mem>> -> memref<!tpu.dma_semaphore, #tpu.memory_space<semaphore_mem>>
    %dma_wait3A_180 = arith.constant 0 : i32
    %dma_wait3A_181 = arith.constant 0 : i32
    %dma_wait3A_182 = tpu.memref_slice %arg6[%dma_wait3A_168, %dma_wait3A_180, %dma_wait3A_181] : memref<8x2x128xi32, #tpu.memory_space<vmem>> -> memref<1x2x128xi32, #tpu.memory_space<vmem>>
    %dma_wait3A_183 = tpu.memref_squeeze %dma_wait3A_182 : memref<1x2x128xi32, #tpu.memory_space<vmem>> -> memref<2x128xi32, #tpu.memory_space<vmem>>
    %dma_wait3A_184 = arith.constant 0 : i32
    %dma_wait3A_185 = arith.constant 0 : i32
    %dma_wait3A_186 = tpu.memref_slice %arg3[%arg1, %dma_wait3A, %dma_wait3A_184, %dma_wait3A_185] : memref<16x158x2x128xi32, #tpu.memory_space<hbm>> -> memref<1x1x2x128xi32, #tpu.memory_space<hbm>>
    %dma_wait3A_187 = tpu.memref_squeeze %dma_wait3A_186 : memref<1x1x2x128xi32, #tpu.memory_space<hbm>> -> memref<2x128xi32, #tpu.memory_space<hbm>>
    tpu.wait_dma2 semaphore(%dma_wait3A_179 : memref<!tpu.dma_semaphore, #tpu.memory_space<semaphore_mem>>) src(%dma_wait3A_187 : memref<2x128xi32, #tpu.memory_space<hbm>>) dst(%dma_wait3A_183 : memref<2x128xi32, #tpu.memory_space<vmem>>)
    %dma_start3A_188 = arith.constant 0 : i32
    %dma_start3A_189 = arith.constant 0 : i32
    %dma_start3A_190 = arith.constant 0 : i32
    %dma_start3A_191 = arith.constant 0 : i32
    %dma_start3A_192 = arith.constant 0 : i32
    %dma_start3A_193 = arith.constant 0 : i32
    %dma_start3A_194 = tpu.memref_slice %arg7[%dma_start3A_190, %dma_start3A_192, %dma_start3A_193] : memref<5x128x64xf32, #tpu.memory_space<vmem>> -> memref<1x128x64xf32, #tpu.memory_space<vmem>>
    %dma_start3A_195 = tpu.memref_squeeze %dma_start3A_194 : memref<1x128x64xf32, #tpu.memory_space<vmem>> -> memref<128x64xf32, #tpu.memory_space<vmem>>
    %dma_start3A_196 = arith.constant 0 : i32
    %dma_start3A_197 = tpu.memref_slice %arg6[%dma_start3A_188, %dma_start3A_189, %dma_start3A_196] : memref<8x2x128xi32, #tpu.memory_space<vmem>> -> memref<1x1x128xi32, #tpu.memory_space<vmem>>
    %dma_start3A_198 = tpu.memref_squeeze %dma_start3A_197 : memref<1x1x128xi32, #tpu.memory_space<vmem>> -> memref<128xi32, #tpu.memory_space<vmem>>
    %dma_start3A_199 = arith.constant 0 : i32
    %dma_start3A_200 = arith.constant 0 : i32
    %dma_start3A_201 = tpu.memref_slice %arg8[%dma_start3A_199, %dma_start3A_200] : memref<10240x64xf32, #tpu.memory_space<vmem_shared>> -> memref<10240x64xf32, #tpu.memory_space<vmem_shared>>
    %dma_start3A_202 = tpu.memref_slice %arg11[%dma_start3A_191] : memref<5x!tpu.dma_semaphore, #tpu.memory_space<semaphore_mem>> -> memref<1x!tpu.dma_semaphore, #tpu.memory_space<semaphore_mem>>
    %dma_start3A_203 = tpu.memref_squeeze %dma_start3A_202 : memref<1x!tpu.dma_semaphore, #tpu.memory_space<semaphore_mem>> -> memref<!tpu.dma_semaphore, #tpu.memory_space<semaphore_mem>>
    tpu.enqueue_indirect_dma source(%dma_start3A_201 : memref<10240x64xf32, #tpu.memory_space<vmem_shared>>) target(%dma_start3A_195 : memref<128x64xf32, #tpu.memory_space<vmem>>) offsets(%dma_start3A_198 : memref<128xi32, #tpu.memory_space<vmem>>) semaphore(%dma_start3A_203 : memref<!tpu.dma_semaphore, #tpu.memory_space<semaphore_mem>>)
    %dma_wait3A_204 = arith.constant 1 : i32
    %dma_wait3A_205 = arith.constant 1 : i32
    %dma_wait3A_206 = arith.constant 1 : i32
    %dma_wait3A_207 = arith.constant 0 : i32
    %dma_wait3A_208 = arith.constant 0 : i32
    %dma_wait3A_209 = tpu.memref_slice %arg6[%dma_wait3A_205, %dma_wait3A_207, %dma_wait3A_208] : memref<8x2x128xi32, #tpu.memory_space<vmem>> -> memref<1x2x128xi32, #tpu.memory_space<vmem>>
    %dma_wait3A_210 = tpu.memref_squeeze %dma_wait3A_209 : memref<1x2x128xi32, #tpu.memory_space<vmem>> -> memref<2x128xi32, #tpu.memory_space<vmem>>
    %dma_wait3A_211 = arith.constant 0 : i32
    %dma_wait3A_212 = arith.constant 0 : i32
    %dma_wait3A_213 = tpu.memref_slice %arg3[%arg1, %dma_wait3A_204, %dma_wait3A_211, %dma_wait3A_212] : memref<16x158x2x128xi32, #tpu.memory_space<hbm>> -> memref<1x1x2x128xi32, #tpu.memory_space<hbm>>
    %dma_wait3A_214 = tpu.memref_squeeze %dma_wait3A_213 : memref<1x1x2x128xi32, #tpu.memory_space<hbm>> -> memref<2x128xi32, #tpu.memory_space<hbm>>
    %dma_wait3A_215 = tpu.memref_slice %arg10[%dma_wait3A_206] : memref<8x!tpu.dma_semaphore, #tpu.memory_space<semaphore_mem>> -> memref<1x!tpu.dma_semaphore, #tpu.memory_space<semaphore_mem>>
    %dma_wait3A_216 = tpu.memref_squeeze %dma_wait3A_215 : memref<1x!tpu.dma_semaphore, #tpu.memory_space<semaphore_mem>> -> memref<!tpu.dma_semaphore, #tpu.memory_space<semaphore_mem>>
    %dma_wait3A_217 = arith.constant 0 : i32
    %dma_wait3A_218 = arith.constant 0 : i32
    %dma_wait3A_219 = tpu.memref_slice %arg6[%dma_wait3A_205, %dma_wait3A_217, %dma_wait3A_218] : memref<8x2x128xi32, #tpu.memory_space<vmem>> -> memref<1x2x128xi32, #tpu.memory_space<vmem>>
    %dma_wait3A_220 = tpu.memref_squeeze %dma_wait3A_219 : memref<1x2x128xi32, #tpu.memory_space<vmem>> -> memref<2x128xi32, #tpu.memory_space<vmem>>
    %dma_wait3A_221 = arith.constant 0 : i32
    %dma_wait3A_222 = arith.constant 0 : i32
    %dma_wait3A_223 = tpu.memref_slice %arg3[%arg1, %dma_wait3A_204, %dma_wait3A_221, %dma_wait3A_222] : memref<16x158x2x128xi32, #tpu.memory_space<hbm>> -> memref<1x1x2x128xi32, #tpu.memory_space<hbm>>
    %dma_wait3A_224 = tpu.memref_squeeze %dma_wait3A_223 : memref<1x1x2x128xi32, #tpu.memory_space<hbm>> -> memref<2x128xi32, #tpu.memory_space<hbm>>
    tpu.wait_dma2 semaphore(%dma_wait3A_216 : memref<!tpu.dma_semaphore, #tpu.memory_space<semaphore_mem>>) src(%dma_wait3A_224 : memref<2x128xi32, #tpu.memory_space<hbm>>) dst(%dma_wait3A_220 : memref<2x128xi32, #tpu.memory_space<vmem>>)
    %dma_start3A_225 = arith.constant 1 : i32
    %dma_start3A_226 = arith.constant 0 : i32
    %dma_start3A_227 = arith.constant 1 : i32
    %dma_start3A_228 = arith.constant 1 : i32
    %dma_start3A_229 = arith.constant 0 : i32
    %dma_start3A_230 = arith.constant 0 : i32
    %dma_start3A_231 = tpu.memref_slice %arg7[%dma_start3A_227, %dma_start3A_229, %dma_start3A_230] : memref<5x128x64xf32, #tpu.memory_space<vmem>> -> memref<1x128x64xf32, #tpu.memory_space<vmem>>
    %dma_start3A_232 = tpu.memref_squeeze %dma_start3A_231 : memref<1x128x64xf32, #tpu.memory_space<vmem>> -> memref<128x64xf32, #tpu.memory_space<vmem>>
    %dma_start3A_233 = arith.constant 0 : i32
    %dma_start3A_234 = tpu.memref_slice %arg6[%dma_start3A_225, %dma_start3A_226, %dma_start3A_233] : memref<8x2x128xi32, #tpu.memory_space<vmem>> -> memref<1x1x128xi32, #tpu.memory_space<vmem>>
    %dma_start3A_235 = tpu.memref_squeeze %dma_start3A_234 : memref<1x1x128xi32, #tpu.memory_space<vmem>> -> memref<128xi32, #tpu.memory_space<vmem>>
    %dma_start3A_236 = arith.constant 0 : i32
    %dma_start3A_237 = arith.constant 0 : i32
    %dma_start3A_238 = tpu.memref_slice %arg8[%dma_start3A_236, %dma_start3A_237] : memref<10240x64xf32, #tpu.memory_space<vmem_shared>> -> memref<10240x64xf32, #tpu.memory_space<vmem_shared>>
    %dma_start3A_239 = tpu.memref_slice %arg11[%dma_start3A_228] : memref<5x!tpu.dma_semaphore, #tpu.memory_space<semaphore_mem>> -> memref<1x!tpu.dma_semaphore, #tpu.memory_space<semaphore_mem>>
    %dma_start3A_240 = tpu.memref_squeeze %dma_start3A_239 : memref<1x!tpu.dma_semaphore, #tpu.memory_space<semaphore_mem>> -> memref<!tpu.dma_semaphore, #tpu.memory_space<semaphore_mem>>
    tpu.enqueue_indirect_dma source(%dma_start3A_238 : memref<10240x64xf32, #tpu.memory_space<vmem_shared>>) target(%dma_start3A_232 : memref<128x64xf32, #tpu.memory_space<vmem>>) offsets(%dma_start3A_235 : memref<128xi32, #tpu.memory_space<vmem>>) semaphore(%dma_start3A_240 : memref<!tpu.dma_semaphore, #tpu.memory_space<semaphore_mem>>)
    %dma_wait3A_241 = arith.constant 2 : i32
    %dma_wait3A_242 = arith.constant 2 : i32
    %dma_wait3A_243 = arith.constant 2 : i32
    %dma_wait3A_244 = arith.constant 0 : i32
    %dma_wait3A_245 = arith.constant 0 : i32
    %dma_wait3A_246 = tpu.memref_slice %arg6[%dma_wait3A_242, %dma_wait3A_244, %dma_wait3A_245] : memref<8x2x128xi32, #tpu.memory_space<vmem>> -> memref<1x2x128xi32, #tpu.memory_space<vmem>>
    %dma_wait3A_247 = tpu.memref_squeeze %dma_wait3A_246 : memref<1x2x128xi32, #tpu.memory_space<vmem>> -> memref<2x128xi32, #tpu.memory_space<vmem>>
    %dma_wait3A_248 = arith.constant 0 : i32
    %dma_wait3A_249 = arith.constant 0 : i32
    %dma_wait3A_250 = tpu.memref_slice %arg3[%arg1, %dma_wait3A_241, %dma_wait3A_248, %dma_wait3A_249] : memref<16x158x2x128xi32, #tpu.memory_space<hbm>> -> memref<1x1x2x128xi32, #tpu.memory_space<hbm>>
    %dma_wait3A_251 = tpu.memref_squeeze %dma_wait3A_250 : memref<1x1x2x128xi32, #tpu.memory_space<hbm>> -> memref<2x128xi32, #tpu.memory_space<hbm>>
    %dma_wait3A_252 = tpu.memref_slice %arg10[%dma_wait3A_243] : memref<8x!tpu.dma_semaphore, #tpu.memory_space<semaphore_mem>> -> memref<1x!tpu.dma_semaphore, #tpu.memory_space<semaphore_mem>>
    %dma_wait3A_253 = tpu.memref_squeeze %dma_wait3A_252 : memref<1x!tpu.dma_semaphore, #tpu.memory_space<semaphore_mem>> -> memref<!tpu.dma_semaphore, #tpu.memory_space<semaphore_mem>>
    %dma_wait3A_254 = arith.constant 0 : i32
    %dma_wait3A_255 = arith.constant 0 : i32
    %dma_wait3A_256 = tpu.memref_slice %arg6[%dma_wait3A_242, %dma_wait3A_254, %dma_wait3A_255] : memref<8x2x128xi32, #tpu.memory_space<vmem>> -> memref<1x2x128xi32, #tpu.memory_space<vmem>>
    %dma_wait3A_257 = tpu.memref_squeeze %dma_wait3A_256 : memref<1x2x128xi32, #tpu.memory_space<vmem>> -> memref<2x128xi32, #tpu.memory_space<vmem>>
    %dma_wait3A_258 = arith.constant 0 : i32
    %dma_wait3A_259 = arith.constant 0 : i32
    %dma_wait3A_260 = tpu.memref_slice %arg3[%arg1, %dma_wait3A_241, %dma_wait3A_258, %dma_wait3A_259] : memref<16x158x2x128xi32, #tpu.memory_space<hbm>> -> memref<1x1x2x128xi32, #tpu.memory_space<hbm>>
    %dma_wait3A_261 = tpu.memref_squeeze %dma_wait3A_260 : memref<1x1x2x128xi32, #tpu.memory_space<hbm>> -> memref<2x128xi32, #tpu.memory_space<hbm>>
    tpu.wait_dma2 semaphore(%dma_wait3A_253 : memref<!tpu.dma_semaphore, #tpu.memory_space<semaphore_mem>>) src(%dma_wait3A_261 : memref<2x128xi32, #tpu.memory_space<hbm>>) dst(%dma_wait3A_257 : memref<2x128xi32, #tpu.memory_space<vmem>>)
    %dma_start3A_262 = arith.constant 2 : i32
    %dma_start3A_263 = arith.constant 0 : i32
    %dma_start3A_264 = arith.constant 2 : i32
    %dma_start3A_265 = arith.constant 2 : i32
    %dma_start3A_266 = arith.constant 0 : i32
    %dma_start3A_267 = arith.constant 0 : i32
    %dma_start3A_268 = tpu.memref_slice %arg7[%dma_start3A_264, %dma_start3A_266, %dma_start3A_267] : memref<5x128x64xf32, #tpu.memory_space<vmem>> -> memref<1x128x64xf32, #tpu.memory_space<vmem>>
    %dma_start3A_269 = tpu.memref_squeeze %dma_start3A_268 : memref<1x128x64xf32, #tpu.memory_space<vmem>> -> memref<128x64xf32, #tpu.memory_space<vmem>>
    %dma_start3A_270 = arith.constant 0 : i32
    %dma_start3A_271 = tpu.memref_slice %arg6[%dma_start3A_262, %dma_start3A_263, %dma_start3A_270] : memref<8x2x128xi32, #tpu.memory_space<vmem>> -> memref<1x1x128xi32, #tpu.memory_space<vmem>>
    %dma_start3A_272 = tpu.memref_squeeze %dma_start3A_271 : memref<1x1x128xi32, #tpu.memory_space<vmem>> -> memref<128xi32, #tpu.memory_space<vmem>>
    %dma_start3A_273 = arith.constant 0 : i32
    %dma_start3A_274 = arith.constant 0 : i32
    %dma_start3A_275 = tpu.memref_slice %arg8[%dma_start3A_273, %dma_start3A_274] : memref<10240x64xf32, #tpu.memory_space<vmem_shared>> -> memref<10240x64xf32, #tpu.memory_space<vmem_shared>>
    %dma_start3A_276 = tpu.memref_slice %arg11[%dma_start3A_265] : memref<5x!tpu.dma_semaphore, #tpu.memory_space<semaphore_mem>> -> memref<1x!tpu.dma_semaphore, #tpu.memory_space<semaphore_mem>>
    %dma_start3A_277 = tpu.memref_squeeze %dma_start3A_276 : memref<1x!tpu.dma_semaphore, #tpu.memory_space<semaphore_mem>> -> memref<!tpu.dma_semaphore, #tpu.memory_space<semaphore_mem>>
    tpu.enqueue_indirect_dma source(%dma_start3A_275 : memref<10240x64xf32, #tpu.memory_space<vmem_shared>>) target(%dma_start3A_269 : memref<128x64xf32, #tpu.memory_space<vmem>>) offsets(%dma_start3A_272 : memref<128xi32, #tpu.memory_space<vmem>>) semaphore(%dma_start3A_277 : memref<!tpu.dma_semaphore, #tpu.memory_space<semaphore_mem>>)
    %scan3A = arith.constant 0 : i32
    %scan3A_278 = arith.constant 0 : i32
    %scan3A_279 = arith.constant 158 : i32
    %scan3A_280 = arith.addi %scan3A_278, %scan3A_279 : i32
    %scan3A_281 = arith.constant 1 : i32
    scf.for %scan3A_364 = %scan3A_278 to %scan3A_280 step %scan3A_281  : i32 {
      %rem3A = arith.constant 5 : i32
      %rem3A_365 = arith.remsi %scan3A_364, %rem3A : i32
      %and3A = arith.constant 7 : i32
      %and3A_366 = arith.andi %scan3A_364, %and3A : i32
      %add3A_367 = arith.constant 3 : i32
      %add3A_368 = arith.addi %scan3A_364, %add3A_367 : i32
      %and3A_369 = arith.constant 7 : i32
      %and3A_370 = arith.andi %add3A_368, %and3A_369 : i32
      %rem3A_371 = arith.constant 5 : i32
      %rem3A_372 = arith.remsi %add3A_368, %rem3A_371 : i32
      %lt3A = arith.constant 158 : i32
      %lt3A_373 = arith.cmpi slt, %add3A_368, %lt3A : i32
      %convert_element_type3A = arith.extui %lt3A_373 : i1 to i32
      %cond3A = arith.constant 0 : i32
      %cond3A_374 = arith.cmpi ne, %convert_element_type3A, %cond3A : i32
      scf.if %cond3A_374 {
        %dma_wait3A_401 = arith.constant 0 : i32
        %dma_wait3A_402 = arith.constant 0 : i32
        %dma_wait3A_403 = tpu.memref_slice %arg6[%and3A_370, %dma_wait3A_401, %dma_wait3A_402] : memref<8x2x128xi32, #tpu.memory_space<vmem>> -> memref<1x2x128xi32, #tpu.memory_space<vmem>>
        %dma_wait3A_404 = tpu.memref_squeeze %dma_wait3A_403 : memref<1x2x128xi32, #tpu.memory_space<vmem>> -> memref<2x128xi32, #tpu.memory_space<vmem>>
        %dma_wait3A_405 = arith.constant 0 : i32
        %dma_wait3A_406 = arith.constant 0 : i32
        %dma_wait3A_407 = tpu.memref_slice %arg3[%arg1, %add3A_368, %dma_wait3A_405, %dma_wait3A_406] : memref<16x158x2x128xi32, #tpu.memory_space<hbm>> -> memref<1x1x2x128xi32, #tpu.memory_space<hbm>>
        %dma_wait3A_408 = tpu.memref_squeeze %dma_wait3A_407 : memref<1x1x2x128xi32, #tpu.memory_space<hbm>> -> memref<2x128xi32, #tpu.memory_space<hbm>>
        %dma_wait3A_409 = tpu.memref_slice %arg10[%and3A_370] : memref<8x!tpu.dma_semaphore, #tpu.memory_space<semaphore_mem>> -> memref<1x!tpu.dma_semaphore, #tpu.memory_space<semaphore_mem>>
        %dma_wait3A_410 = tpu.memref_squeeze %dma_wait3A_409 : memref<1x!tpu.dma_semaphore, #tpu.memory_space<semaphore_mem>> -> memref<!tpu.dma_semaphore, #tpu.memory_space<semaphore_mem>>
        %dma_wait3A_411 = arith.constant 0 : i32
        %dma_wait3A_412 = arith.constant 0 : i32
        %dma_wait3A_413 = tpu.memref_slice %arg6[%and3A_370, %dma_wait3A_411, %dma_wait3A_412] : memref<8x2x128xi32, #tpu.memory_space<vmem>> -> memref<1x2x128xi32, #tpu.memory_space<vmem>>
        %dma_wait3A_414 = tpu.memref_squeeze %dma_wait3A_413 : memref<1x2x128xi32, #tpu.memory_space<vmem>> -> memref<2x128xi32, #tpu.memory_space<vmem>>
        %dma_wait3A_415 = arith.constant 0 : i32
        %dma_wait3A_416 = arith.constant 0 : i32
        %dma_wait3A_417 = tpu.memref_slice %arg3[%arg1, %add3A_368, %dma_wait3A_415, %dma_wait3A_416] : memref<16x158x2x128xi32, #tpu.memory_space<hbm>> -> memref<1x1x2x128xi32, #tpu.memory_space<hbm>>
        %dma_wait3A_418 = tpu.memref_squeeze %dma_wait3A_417 : memref<1x1x2x128xi32, #tpu.memory_space<hbm>> -> memref<2x128xi32, #tpu.memory_space<hbm>>
        tpu.wait_dma2 semaphore(%dma_wait3A_410 : memref<!tpu.dma_semaphore, #tpu.memory_space<semaphore_mem>>) src(%dma_wait3A_418 : memref<2x128xi32, #tpu.memory_space<hbm>>) dst(%dma_wait3A_414 : memref<2x128xi32, #tpu.memory_space<vmem>>)
        %sub3A = arith.constant 5 : i32
        %sub3A_419 = arith.subi %add3A_368, %sub3A : i32
        %ge3A = arith.constant 0 : i32
        %ge3A_420 = arith.cmpi sge, %sub3A_419, %ge3A : i32
        %convert_element_type3A_421 = arith.extui %ge3A_420 : i1 to i32
        %cond3A_422 = arith.constant 0 : i32
        %cond3A_423 = arith.cmpi ne, %convert_element_type3A_421, %cond3A_422 : i32
        scf.if %cond3A_423 {
          %and3A_447 = arith.constant 7 : i32
          %and3A_448 = arith.andi %sub3A_419, %and3A_447 : i32
          %dma_wait3A_449 = arith.constant 1 : i32
          %dma_wait3A_450 = arith.constant 0 : i32
          %dma_wait3A_451 = arith.constant 0 : i32
          %dma_wait3A_452 = tpu.memref_slice %arg7[%rem3A_372, %dma_wait3A_450, %dma_wait3A_451] : memref<5x128x64xf32, #tpu.memory_space<vmem>> -> memref<1x128x64xf32, #tpu.memory_space<vmem>>
          %dma_wait3A_453 = tpu.memref_squeeze %dma_wait3A_452 : memref<1x128x64xf32, #tpu.memory_space<vmem>> -> memref<128x64xf32, #tpu.memory_space<vmem>>
          %dma_wait3A_454 = arith.constant 0 : i32
          %dma_wait3A_455 = tpu.memref_slice %arg6[%and3A_448, %dma_wait3A_449, %dma_wait3A_454] : memref<8x2x128xi32, #tpu.memory_space<vmem>> -> memref<1x1x128xi32, #tpu.memory_space<vmem>>
          %dma_wait3A_456 = tpu.memref_squeeze %dma_wait3A_455 : memref<1x1x128xi32, #tpu.memory_space<vmem>> -> memref<128xi32, #tpu.memory_space<vmem>>
          %dma_wait3A_457 = arith.constant 0 : i32
          %dma_wait3A_458 = arith.constant 0 : i32
          %dma_wait3A_459 = tpu.memref_slice %arg9[%dma_wait3A_457, %dma_wait3A_458] : memref<10240x64xf32, #tpu.memory_space<vmem_shared>> -> memref<10240x64xf32, #tpu.memory_space<vmem_shared>>
          %dma_wait3A_460 = tpu.memref_slice %arg12[%rem3A_372] : memref<5x!tpu.dma_semaphore, #tpu.memory_space<semaphore_mem>> -> memref<1x!tpu.dma_semaphore, #tpu.memory_space<semaphore_mem>>
          %dma_wait3A_461 = tpu.memref_squeeze %dma_wait3A_460 : memref<1x!tpu.dma_semaphore, #tpu.memory_space<semaphore_mem>> -> memref<!tpu.dma_semaphore, #tpu.memory_space<semaphore_mem>>
          tpu.wait_indirect_dma semaphore(%dma_wait3A_461 : memref<!tpu.dma_semaphore, #tpu.memory_space<semaphore_mem>>) src(%dma_wait3A_453 : memref<128x64xf32, #tpu.memory_space<vmem>>) dst(%dma_wait3A_459 : memref<10240x64xf32, #tpu.memory_space<vmem_shared>>)
        } else {
        }
        %dma_start3A_424 = arith.constant 0 : i32
        %dma_start3A_425 = arith.constant 0 : i32
        %dma_start3A_426 = arith.constant 0 : i32
        %dma_start3A_427 = tpu.memref_slice %arg7[%rem3A_372, %dma_start3A_425, %dma_start3A_426] : memref<5x128x64xf32, #tpu.memory_space<vmem>> -> memref<1x128x64xf32, #tpu.memory_space<vmem>>
        %dma_start3A_428 = tpu.memref_squeeze %dma_start3A_427 : memref<1x128x64xf32, #tpu.memory_space<vmem>> -> memref<128x64xf32, #tpu.memory_space<vmem>>
        %dma_start3A_429 = arith.constant 0 : i32
        %dma_start3A_430 = tpu.memref_slice %arg6[%and3A_370, %dma_start3A_424, %dma_start3A_429] : memref<8x2x128xi32, #tpu.memory_space<vmem>> -> memref<1x1x128xi32, #tpu.memory_space<vmem>>
        %dma_start3A_431 = tpu.memref_squeeze %dma_start3A_430 : memref<1x1x128xi32, #tpu.memory_space<vmem>> -> memref<128xi32, #tpu.memory_space<vmem>>
        %dma_start3A_432 = arith.constant 0 : i32
        %dma_start3A_433 = arith.constant 0 : i32
        %dma_start3A_434 = tpu.memref_slice %arg8[%dma_start3A_432, %dma_start3A_433] : memref<10240x64xf32, #tpu.memory_space<vmem_shared>> -> memref<10240x64xf32, #tpu.memory_space<vmem_shared>>
        %dma_start3A_435 = tpu.memref_slice %arg11[%rem3A_372] : memref<5x!tpu.dma_semaphore, #tpu.memory_space<semaphore_mem>> -> memref<1x!tpu.dma_semaphore, #tpu.memory_space<semaphore_mem>>
        %dma_start3A_436 = tpu.memref_squeeze %dma_start3A_435 : memref<1x!tpu.dma_semaphore, #tpu.memory_space<semaphore_mem>> -> memref<!tpu.dma_semaphore, #tpu.memory_space<semaphore_mem>>
        tpu.enqueue_indirect_dma source(%dma_start3A_434 : memref<10240x64xf32, #tpu.memory_space<vmem_shared>>) target(%dma_start3A_428 : memref<128x64xf32, #tpu.memory_space<vmem>>) offsets(%dma_start3A_431 : memref<128xi32, #tpu.memory_space<vmem>>) semaphore(%dma_start3A_436 : memref<!tpu.dma_semaphore, #tpu.memory_space<semaphore_mem>>)
        %add3A_437 = arith.constant 8 : i32
        %add3A_438 = arith.addi %sub3A_419, %add3A_437 : i32
        %ge3A_439 = arith.constant 7 : i32
        %ge3A_440 = arith.cmpi sge, %add3A_438, %ge3A_439 : i32
        %lt3A_441 = arith.constant 158 : i32
        %lt3A_442 = arith.cmpi slt, %add3A_438, %lt3A_441 : i32
        %and3A_443 = arith.andi %ge3A_440, %lt3A_442 : i1
        %convert_element_type3A_444 = arith.extui %and3A_443 : i1 to i32
        %cond3A_445 = arith.constant 0 : i32
        %cond3A_446 = arith.cmpi ne, %convert_element_type3A_444, %cond3A_445 : i32
        scf.if %cond3A_446 {
          %and3A_447 = arith.constant 7 : i32
          %and3A_448 = arith.andi %add3A_438, %and3A_447 : i32
          %dma_start3A_449 = arith.constant 0 : i32
          %dma_start3A_450 = arith.constant 0 : i32
          %dma_start3A_451 = tpu.memref_slice %arg6[%and3A_448, %dma_start3A_449, %dma_start3A_450] : memref<8x2x128xi32, #tpu.memory_space<vmem>> -> memref<1x2x128xi32, #tpu.memory_space<vmem>>
          %dma_start3A_452 = tpu.memref_squeeze %dma_start3A_451 : memref<1x2x128xi32, #tpu.memory_space<vmem>> -> memref<2x128xi32, #tpu.memory_space<vmem>>
          %dma_start3A_453 = arith.constant 0 : i32
          %dma_start3A_454 = arith.constant 0 : i32
          %dma_start3A_455 = tpu.memref_slice %arg3[%arg1, %add3A_438, %dma_start3A_453, %dma_start3A_454] : memref<16x158x2x128xi32, #tpu.memory_space<hbm>> -> memref<1x1x2x128xi32, #tpu.memory_space<hbm>>
          %dma_start3A_456 = tpu.memref_squeeze %dma_start3A_455 : memref<1x1x2x128xi32, #tpu.memory_space<hbm>> -> memref<2x128xi32, #tpu.memory_space<hbm>>
          %dma_start3A_457 = tpu.memref_slice %arg10[%and3A_448] : memref<8x!tpu.dma_semaphore, #tpu.memory_space<semaphore_mem>> -> memref<1x!tpu.dma_semaphore, #tpu.memory_space<semaphore_mem>>
          %dma_start3A_458 = tpu.memref_squeeze %dma_start3A_457 : memref<1x!tpu.dma_semaphore, #tpu.memory_space<semaphore_mem>> -> memref<!tpu.dma_semaphore, #tpu.memory_space<semaphore_mem>>
          %dma_start3A_459 = arith.constant 0 : i32
          %dma_start3A_460 = arith.constant 0 : i32
          %dma_start3A_461 = tpu.memref_slice %arg6[%and3A_448, %dma_start3A_459, %dma_start3A_460] : memref<8x2x128xi32, #tpu.memory_space<vmem>> -> memref<1x2x128xi32, #tpu.memory_space<vmem>>
          %dma_start3A_462 = tpu.memref_squeeze %dma_start3A_461 : memref<1x2x128xi32, #tpu.memory_space<vmem>> -> memref<2x128xi32, #tpu.memory_space<vmem>>
          %dma_start3A_463 = arith.constant 0 : i32
          %dma_start3A_464 = arith.constant 0 : i32
          %dma_start3A_465 = tpu.memref_slice %arg3[%arg1, %add3A_438, %dma_start3A_463, %dma_start3A_464] : memref<16x158x2x128xi32, #tpu.memory_space<hbm>> -> memref<1x1x2x128xi32, #tpu.memory_space<hbm>>
          %dma_start3A_466 = tpu.memref_squeeze %dma_start3A_465 : memref<1x1x2x128xi32, #tpu.memory_space<hbm>> -> memref<2x128xi32, #tpu.memory_space<hbm>>
          tpu.enqueue_dma source(%dma_start3A_466 : memref<2x128xi32, #tpu.memory_space<hbm>>) target(%dma_start3A_462 : memref<2x128xi32, #tpu.memory_space<vmem>>) target_semaphore(%dma_start3A_458 : memref<!tpu.dma_semaphore, #tpu.memory_space<semaphore_mem>>)
        } else {
        }
      } else {
      }
      %dma_wait3A_375 = arith.constant 0 : i32
      %dma_wait3A_376 = arith.constant 0 : i32
      %dma_wait3A_377 = arith.constant 0 : i32
      %dma_wait3A_378 = tpu.memref_slice %arg7[%rem3A_365, %dma_wait3A_376, %dma_wait3A_377] : memref<5x128x64xf32, #tpu.memory_space<vmem>> -> memref<1x128x64xf32, #tpu.memory_space<vmem>>
      %dma_wait3A_379 = tpu.memref_squeeze %dma_wait3A_378 : memref<1x128x64xf32, #tpu.memory_space<vmem>> -> memref<128x64xf32, #tpu.memory_space<vmem>>
      %dma_wait3A_380 = arith.constant 0 : i32
      %dma_wait3A_381 = tpu.memref_slice %arg6[%and3A_366, %dma_wait3A_375, %dma_wait3A_380] : memref<8x2x128xi32, #tpu.memory_space<vmem>> -> memref<1x1x128xi32, #tpu.memory_space<vmem>>
      %dma_wait3A_382 = tpu.memref_squeeze %dma_wait3A_381 : memref<1x1x128xi32, #tpu.memory_space<vmem>> -> memref<128xi32, #tpu.memory_space<vmem>>
      %dma_wait3A_383 = arith.constant 0 : i32
      %dma_wait3A_384 = arith.constant 0 : i32
      %dma_wait3A_385 = tpu.memref_slice %arg8[%dma_wait3A_383, %dma_wait3A_384] : memref<10240x64xf32, #tpu.memory_space<vmem_shared>> -> memref<10240x64xf32, #tpu.memory_space<vmem_shared>>
      %dma_wait3A_386 = tpu.memref_slice %arg11[%rem3A_365] : memref<5x!tpu.dma_semaphore, #tpu.memory_space<semaphore_mem>> -> memref<1x!tpu.dma_semaphore, #tpu.memory_space<semaphore_mem>>
      %dma_wait3A_387 = tpu.memref_squeeze %dma_wait3A_386 : memref<1x!tpu.dma_semaphore, #tpu.memory_space<semaphore_mem>> -> memref<!tpu.dma_semaphore, #tpu.memory_space<semaphore_mem>>
      tpu.wait_indirect_dma semaphore(%dma_wait3A_387 : memref<!tpu.dma_semaphore, #tpu.memory_space<semaphore_mem>>) src(%dma_wait3A_385 : memref<10240x64xf32, #tpu.memory_space<vmem_shared>>) dst(%dma_wait3A_379 : memref<128x64xf32, #tpu.memory_space<vmem>>)
      %dma_start3A_388 = arith.constant 1 : i32
      %dma_start3A_389 = arith.constant 0 : i32
      %dma_start3A_390 = arith.constant 0 : i32
      %dma_start3A_391 = tpu.memref_slice %arg7[%rem3A_365, %dma_start3A_389, %dma_start3A_390] : memref<5x128x64xf32, #tpu.memory_space<vmem>> -> memref<1x128x64xf32, #tpu.memory_space<vmem>>
      %dma_start3A_392 = tpu.memref_squeeze %dma_start3A_391 : memref<1x128x64xf32, #tpu.memory_space<vmem>> -> memref<128x64xf32, #tpu.memory_space<vmem>>
      %dma_start3A_393 = arith.constant 0 : i32
      %dma_start3A_394 = tpu.memref_slice %arg6[%and3A_366, %dma_start3A_388, %dma_start3A_393] : memref<8x2x128xi32, #tpu.memory_space<vmem>> -> memref<1x1x128xi32, #tpu.memory_space<vmem>>
      %dma_start3A_395 = tpu.memref_squeeze %dma_start3A_394 : memref<1x1x128xi32, #tpu.memory_space<vmem>> -> memref<128xi32, #tpu.memory_space<vmem>>
      %dma_start3A_396 = arith.constant 0 : i32
      %dma_start3A_397 = arith.constant 0 : i32
      %dma_start3A_398 = tpu.memref_slice %arg9[%dma_start3A_396, %dma_start3A_397] : memref<10240x64xf32, #tpu.memory_space<vmem_shared>> -> memref<10240x64xf32, #tpu.memory_space<vmem_shared>>
      %dma_start3A_399 = tpu.memref_slice %arg12[%rem3A_365] : memref<5x!tpu.dma_semaphore, #tpu.memory_space<semaphore_mem>> -> memref<1x!tpu.dma_semaphore, #tpu.memory_space<semaphore_mem>>
      %dma_start3A_400 = tpu.memref_squeeze %dma_start3A_399 : memref<1x!tpu.dma_semaphore, #tpu.memory_space<semaphore_mem>> -> memref<!tpu.dma_semaphore, #tpu.memory_space<semaphore_mem>>
      tpu.enqueue_indirect_dma source(%dma_start3A_392 : memref<128x64xf32, #tpu.memory_space<vmem>>) target(%dma_start3A_398 : memref<10240x64xf32, #tpu.memory_space<vmem_shared>>) offsets(%dma_start3A_395 : memref<128xi32, #tpu.memory_space<vmem>>) semaphore(%dma_start3A_400 : memref<!tpu.dma_semaphore, #tpu.memory_space<semaphore_mem>>) {add = true}
    }
    %scan3A_282 = arith.constant 158 : i32
    %dma_wait3A_283 = arith.constant 3 : i32
    %dma_wait3A_284 = arith.constant 1 : i32
    %dma_wait3A_285 = arith.constant 1 : i32
    %dma_wait3A_286 = arith.constant 3 : i32
    %dma_wait3A_287 = arith.constant 0 : i32
    %dma_wait3A_288 = arith.constant 0 : i32
    %dma_wait3A_289 = tpu.memref_slice %arg7[%dma_wait3A_283, %dma_wait3A_287, %dma_wait3A_288] : memref<5x128x64xf32, #tpu.memory_space<vmem>> -> memref<1x128x64xf32, #tpu.memory_space<vmem>>
    %dma_wait3A_290 = tpu.memref_squeeze %dma_wait3A_289 : memref<1x128x64xf32, #tpu.memory_space<vmem>> -> memref<128x64xf32, #tpu.memory_space<vmem>>
    %dma_wait3A_291 = arith.constant 0 : i32
    %dma_wait3A_292 = tpu.memref_slice %arg6[%dma_wait3A_284, %dma_wait3A_285, %dma_wait3A_291] : memref<8x2x128xi32, #tpu.memory_space<vmem>> -> memref<1x1x128xi32, #tpu.memory_space<vmem>>
    %dma_wait3A_293 = tpu.memref_squeeze %dma_wait3A_292 : memref<1x1x128xi32, #tpu.memory_space<vmem>> -> memref<128xi32, #tpu.memory_space<vmem>>
    %dma_wait3A_294 = arith.constant 0 : i32
    %dma_wait3A_295 = arith.constant 0 : i32
    %dma_wait3A_296 = tpu.memref_slice %arg9[%dma_wait3A_294, %dma_wait3A_295] : memref<10240x64xf32, #tpu.memory_space<vmem_shared>> -> memref<10240x64xf32, #tpu.memory_space<vmem_shared>>
    %dma_wait3A_297 = tpu.memref_slice %arg12[%dma_wait3A_286] : memref<5x!tpu.dma_semaphore, #tpu.memory_space<semaphore_mem>> -> memref<1x!tpu.dma_semaphore, #tpu.memory_space<semaphore_mem>>
    %dma_wait3A_298 = tpu.memref_squeeze %dma_wait3A_297 : memref<1x!tpu.dma_semaphore, #tpu.memory_space<semaphore_mem>> -> memref<!tpu.dma_semaphore, #tpu.memory_space<semaphore_mem>>
    tpu.wait_indirect_dma semaphore(%dma_wait3A_298 : memref<!tpu.dma_semaphore, #tpu.memory_space<semaphore_mem>>) src(%dma_wait3A_290 : memref<128x64xf32, #tpu.memory_space<vmem>>) dst(%dma_wait3A_296 : memref<10240x64xf32, #tpu.memory_space<vmem_shared>>)
    %dma_wait3A_299 = arith.constant 4 : i32
    %dma_wait3A_300 = arith.constant 2 : i32
    %dma_wait3A_301 = arith.constant 1 : i32
    %dma_wait3A_302 = arith.constant 4 : i32
    %dma_wait3A_303 = arith.constant 0 : i32
    %dma_wait3A_304 = arith.constant 0 : i32
    %dma_wait3A_305 = tpu.memref_slice %arg7[%dma_wait3A_299, %dma_wait3A_303, %dma_wait3A_304] : memref<5x128x64xf32, #tpu.memory_space<vmem>> -> memref<1x128x64xf32, #tpu.memory_space<vmem>>
    %dma_wait3A_306 = tpu.memref_squeeze %dma_wait3A_305 : memref<1x128x64xf32, #tpu.memory_space<vmem>> -> memref<128x64xf32, #tpu.memory_space<vmem>>
    %dma_wait3A_307 = arith.constant 0 : i32
    %dma_wait3A_308 = tpu.memref_slice %arg6[%dma_wait3A_300, %dma_wait3A_301, %dma_wait3A_307] : memref<8x2x128xi32, #tpu.memory_space<vmem>> -> memref<1x1x128xi32, #tpu.memory_space<vmem>>
    %dma_wait3A_309 = tpu.memref_squeeze %dma_wait3A_308 : memref<1x1x128xi32, #tpu.memory_space<vmem>> -> memref<128xi32, #tpu.memory_space<vmem>>
    %dma_wait3A_310 = arith.constant 0 : i32
    %dma_wait3A_311 = arith.constant 0 : i32
    %dma_wait3A_312 = tpu.memref_slice %arg9[%dma_wait3A_310, %dma_wait3A_311] : memref<10240x64xf32, #tpu.memory_space<vmem_shared>> -> memref<10240x64xf32, #tpu.memory_space<vmem_shared>>
    %dma_wait3A_313 = tpu.memref_slice %arg12[%dma_wait3A_302] : memref<5x!tpu.dma_semaphore, #tpu.memory_space<semaphore_mem>> -> memref<1x!tpu.dma_semaphore, #tpu.memory_space<semaphore_mem>>
    %dma_wait3A_314 = tpu.memref_squeeze %dma_wait3A_313 : memref<1x!tpu.dma_semaphore, #tpu.memory_space<semaphore_mem>> -> memref<!tpu.dma_semaphore, #tpu.memory_space<semaphore_mem>>
    tpu.wait_indirect_dma semaphore(%dma_wait3A_314 : memref<!tpu.dma_semaphore, #tpu.memory_space<semaphore_mem>>) src(%dma_wait3A_306 : memref<128x64xf32, #tpu.memory_space<vmem>>) dst(%dma_wait3A_312 : memref<10240x64xf32, #tpu.memory_space<vmem_shared>>)
    %dma_wait3A_315 = arith.constant 0 : i32
    %dma_wait3A_316 = arith.constant 3 : i32
    %dma_wait3A_317 = arith.constant 1 : i32
    %dma_wait3A_318 = arith.constant 0 : i32
    %dma_wait3A_319 = arith.constant 0 : i32
    %dma_wait3A_320 = arith.constant 0 : i32
    %dma_wait3A_321 = tpu.memref_slice %arg7[%dma_wait3A_315, %dma_wait3A_319, %dma_wait3A_320] : memref<5x128x64xf32, #tpu.memory_space<vmem>> -> memref<1x128x64xf32, #tpu.memory_space<vmem>>
    %dma_wait3A_322 = tpu.memref_squeeze %dma_wait3A_321 : memref<1x128x64xf32, #tpu.memory_space<vmem>> -> memref<128x64xf32, #tpu.memory_space<vmem>>
    %dma_wait3A_323 = arith.constant 0 : i32
    %dma_wait3A_324 = tpu.memref_slice %arg6[%dma_wait3A_316, %dma_wait3A_317, %dma_wait3A_323] : memref<8x2x128xi32, #tpu.memory_space<vmem>> -> memref<1x1x128xi32, #tpu.memory_space<vmem>>
    %dma_wait3A_325 = tpu.memref_squeeze %dma_wait3A_324 : memref<1x1x128xi32, #tpu.memory_space<vmem>> -> memref<128xi32, #tpu.memory_space<vmem>>
    %dma_wait3A_326 = arith.constant 0 : i32
    %dma_wait3A_327 = arith.constant 0 : i32
    %dma_wait3A_328 = tpu.memref_slice %arg9[%dma_wait3A_326, %dma_wait3A_327] : memref<10240x64xf32, #tpu.memory_space<vmem_shared>> -> memref<10240x64xf32, #tpu.memory_space<vmem_shared>>
    %dma_wait3A_329 = tpu.memref_slice %arg12[%dma_wait3A_318] : memref<5x!tpu.dma_semaphore, #tpu.memory_space<semaphore_mem>> -> memref<1x!tpu.dma_semaphore, #tpu.memory_space<semaphore_mem>>
    %dma_wait3A_330 = tpu.memref_squeeze %dma_wait3A_329 : memref<1x!tpu.dma_semaphore, #tpu.memory_space<semaphore_mem>> -> memref<!tpu.dma_semaphore, #tpu.memory_space<semaphore_mem>>
    tpu.wait_indirect_dma semaphore(%dma_wait3A_330 : memref<!tpu.dma_semaphore, #tpu.memory_space<semaphore_mem>>) src(%dma_wait3A_322 : memref<128x64xf32, #tpu.memory_space<vmem>>) dst(%dma_wait3A_328 : memref<10240x64xf32, #tpu.memory_space<vmem_shared>>)
    %dma_wait3A_331 = arith.constant 1 : i32
    %dma_wait3A_332 = arith.constant 4 : i32
    %dma_wait3A_333 = arith.constant 1 : i32
    %dma_wait3A_334 = arith.constant 1 : i32
    %dma_wait3A_335 = arith.constant 0 : i32
    %dma_wait3A_336 = arith.constant 0 : i32
    %dma_wait3A_337 = tpu.memref_slice %arg7[%dma_wait3A_331, %dma_wait3A_335, %dma_wait3A_336] : memref<5x128x64xf32, #tpu.memory_space<vmem>> -> memref<1x128x64xf32, #tpu.memory_space<vmem>>
    %dma_wait3A_338 = tpu.memref_squeeze %dma_wait3A_337 : memref<1x128x64xf32, #tpu.memory_space<vmem>> -> memref<128x64xf32, #tpu.memory_space<vmem>>
    %dma_wait3A_339 = arith.constant 0 : i32
    %dma_wait3A_340 = tpu.memref_slice %arg6[%dma_wait3A_332, %dma_wait3A_333, %dma_wait3A_339] : memref<8x2x128xi32, #tpu.memory_space<vmem>> -> memref<1x1x128xi32, #tpu.memory_space<vmem>>
    %dma_wait3A_341 = tpu.memref_squeeze %dma_wait3A_340 : memref<1x1x128xi32, #tpu.memory_space<vmem>> -> memref<128xi32, #tpu.memory_space<vmem>>
    %dma_wait3A_342 = arith.constant 0 : i32
    %dma_wait3A_343 = arith.constant 0 : i32
    %dma_wait3A_344 = tpu.memref_slice %arg9[%dma_wait3A_342, %dma_wait3A_343] : memref<10240x64xf32, #tpu.memory_space<vmem_shared>> -> memref<10240x64xf32, #tpu.memory_space<vmem_shared>>
    %dma_wait3A_345 = tpu.memref_slice %arg12[%dma_wait3A_334] : memref<5x!tpu.dma_semaphore, #tpu.memory_space<semaphore_mem>> -> memref<1x!tpu.dma_semaphore, #tpu.memory_space<semaphore_mem>>
    %dma_wait3A_346 = tpu.memref_squeeze %dma_wait3A_345 : memref<1x!tpu.dma_semaphore, #tpu.memory_space<semaphore_mem>> -> memref<!tpu.dma_semaphore, #tpu.memory_space<semaphore_mem>>
    tpu.wait_indirect_dma semaphore(%dma_wait3A_346 : memref<!tpu.dma_semaphore, #tpu.memory_space<semaphore_mem>>) src(%dma_wait3A_338 : memref<128x64xf32, #tpu.memory_space<vmem>>) dst(%dma_wait3A_344 : memref<10240x64xf32, #tpu.memory_space<vmem_shared>>)
    %dma_wait3A_347 = arith.constant 2 : i32
    %dma_wait3A_348 = arith.constant 5 : i32
    %dma_wait3A_349 = arith.constant 1 : i32
    %dma_wait3A_350 = arith.constant 2 : i32
    %dma_wait3A_351 = arith.constant 0 : i32
    %dma_wait3A_352 = arith.constant 0 : i32
    %dma_wait3A_353 = tpu.memref_slice %arg7[%dma_wait3A_347, %dma_wait3A_351, %dma_wait3A_352] : memref<5x128x64xf32, #tpu.memory_space<vmem>> -> memref<1x128x64xf32, #tpu.memory_space<vmem>>
    %dma_wait3A_354 = tpu.memref_squeeze %dma_wait3A_353 : memref<1x128x64xf32, #tpu.memory_space<vmem>> -> memref<128x64xf32, #tpu.memory_space<vmem>>
    %dma_wait3A_355 = arith.constant 0 : i32
    %dma_wait3A_356 = tpu.memref_slice %arg6[%dma_wait3A_348, %dma_wait3A_349, %dma_wait3A_355] : memref<8x2x128xi32, #tpu.memory_space<vmem>> -> memref<1x1x128xi32, #tpu.memory_space<vmem>>
    %dma_wait3A_357 = tpu.memref_squeeze %dma_wait3A_356 : memref<1x1x128xi32, #tpu.memory_space<vmem>> -> memref<128xi32, #tpu.memory_space<vmem>>
    %dma_wait3A_358 = arith.constant 0 : i32
    %dma_wait3A_359 = arith.constant 0 : i32
    %dma_wait3A_360 = tpu.memref_slice %arg9[%dma_wait3A_358, %dma_wait3A_359] : memref<10240x64xf32, #tpu.memory_space<vmem_shared>> -> memref<10240x64xf32, #tpu.memory_space<vmem_shared>>
    %dma_wait3A_361 = tpu.memref_slice %arg12[%dma_wait3A_350] : memref<5x!tpu.dma_semaphore, #tpu.memory_space<semaphore_mem>> -> memref<1x!tpu.dma_semaphore, #tpu.memory_space<semaphore_mem>>
    %dma_wait3A_362 = tpu.memref_squeeze %dma_wait3A_361 : memref<1x!tpu.dma_semaphore, #tpu.memory_space<semaphore_mem>> -> memref<!tpu.dma_semaphore, #tpu.memory_space<semaphore_mem>>
    tpu.wait_indirect_dma semaphore(%dma_wait3A_362 : memref<!tpu.dma_semaphore, #tpu.memory_space<semaphore_mem>>) src(%dma_wait3A_354 : memref<128x64xf32, #tpu.memory_space<vmem>>) dst(%dma_wait3A_360 : memref<10240x64xf32, #tpu.memory_space<vmem_shared>>)
    %barrier3A_363 = arith.constant 0 : index
    tpu.barrier barrier_id(%barrier3A_363)
    "tpu.region"() ({
      %run_scoped3A = tpu.sem_alloc : memref<!tpu.dma_semaphore, #tpu.memory_space<semaphore_mem>>
      %dma_start3A_364 = tpu.memref_slice %arg5[%mul3A_148, %mul3A_0] : memref<10240x128xf32, #tpu.memory_space<hbm>> -> memref<640x64xf32, #tpu.memory_space<hbm>>
      %dma_start3A_365 = arith.constant 0 : i32
      %dma_start3A_366 = tpu.memref_slice %arg9[%mul3A_148, %dma_start3A_365] : memref<10240x64xf32, #tpu.memory_space<vmem_shared>> -> memref<640x64xf32, #tpu.memory_space<vmem_shared>>
      tpu.enqueue_dma source(%dma_start3A_366 : memref<640x64xf32, #tpu.memory_space<vmem_shared>>) target(%dma_start3A_364 : memref<640x64xf32, #tpu.memory_space<hbm>>) target_semaphore(%run_scoped3A : memref<!tpu.dma_semaphore, #tpu.memory_space<semaphore_mem>>)
      %dma_wait3A_367 = tpu.memref_slice %arg5[%mul3A_148, %mul3A_0] : memref<10240x128xf32, #tpu.memory_space<hbm>> -> memref<640x64xf32, #tpu.memory_space<hbm>>
      %dma_wait3A_368 = arith.constant 0 : i32
      %dma_wait3A_369 = tpu.memref_slice %arg9[%mul3A_148, %dma_wait3A_368] : memref<10240x64xf32, #tpu.memory_space<vmem_shared>> -> memref<640x64xf32, #tpu.memory_space<vmem_shared>>
      tpu.wait_dma2 semaphore(%run_scoped3A : memref<!tpu.dma_semaphore, #tpu.memory_space<semaphore_mem>>) src(%dma_wait3A_369 : memref<640x64xf32, #tpu.memory_space<vmem_shared>>) dst(%dma_wait3A_367 : memref<640x64xf32, #tpu.memory_space<hbm>>)
      tpu.yield
    }) : () -> ()
    return
  }
}

module attributes {stable_mosaic.version = 14 : i64} {
  func.func @_mm_raw_body(%arg0: i32, %arg1: memref<5120x128xf32, #tpu.memory_space<vmem>>, %arg2: memref<128x128xf32, #tpu.memory_space<vmem>>, %arg3: memref<5120x128xf32, #tpu.memory_space<vmem>>) attributes {dimension_semantics = [#tpu.dimension_semantics<arbitrary>], iteration_bounds = array<i64: 2>, scalar_prefetch = 0 : i64, scratch_operands = 0 : i64, tpu.core_type = #tpu.core_type<tc>, window_params = [{transform_indices = @transform_0, window_bounds = array<i64: 5120, 128>}, {pipeline_mode = #tpu.pipeline_mode<synchronous>, transform_indices = @transform_1, window_bounds = array<i64: 128, 128>}, {transform_indices = @transform_2, window_bounds = array<i64: 5120, 128>}]} {
    %get3A = arith.constant 0 : index
    %get3A_0 = arith.constant 0 : index
    %get3A_1 = vector.load %arg1[%get3A, %get3A_0] : memref<5120x128xf32, #tpu.memory_space<vmem>>, vector<5120x128xf32>
    %get3A_2 = arith.constant 0 : index
    %get3A_3 = arith.constant 0 : index
    %get3A_4 = vector.load %arg2[%get3A_2, %get3A_3] : memref<128x128xf32, #tpu.memory_space<vmem>>, vector<128x128xf32>
    %dot_general3A = arith.constant dense<0.000000e+00> : vector<5120x128xf32>
    %dot_general3A_5 = tpu.matmul %get3A_1, %get3A_4, %dot_general3A {dimension_numbers = #tpu.dot_dimension_numbers<[1], [0], [0], [1], [0, 0, 1, 1], [], []>, transpose_lhs_hint = false} : vector<5120x128xf32>, vector<128x128xf32>, vector<5120x128xf32> -> vector<5120x128xf32>
    %swap3A = arith.constant 0 : index
    %swap3A_6 = arith.constant 0 : index
    %swap3A_7 = vector.load %arg3[%swap3A, %swap3A_6] : memref<5120x128xf32, #tpu.memory_space<vmem>>, vector<5120x128xf32>
    tpu.vector_store %arg3[%swap3A, %swap3A_6], %dot_general3A_5 {strides = array<i32>} : memref<5120x128xf32, #tpu.memory_space<vmem>>, vector<5120x128xf32>,
    return
  }
  func.func @transform_0(%arg0: i32) -> (i32, i32) {
    %c0_i32 = arith.constant 0 : i32
    %c0_i32_0 = arith.constant 0 : i32
    return %arg0, %c0_i32 : i32, i32
  }
  func.func @transform_1(%arg0: i32) -> (i32, i32) {
    %c0_i32 = arith.constant 0 : i32
    %c0_i32_0 = arith.constant 0 : i32
    %c0_i32_1 = arith.constant 0 : i32
    return %c0_i32, %c0_i32_0 : i32, i32
  }
  func.func @transform_2(%arg0: i32) -> (i32, i32) {
    %c0_i32 = arith.constant 0 : i32
    %c0_i32_0 = arith.constant 0 : i32
    return %arg0, %c0_i32 : i32, i32
  }
}

module attributes {stable_mosaic.version = 14 : i64} {
  func.func @_scale_body(%arg0: i32, %arg1: memref<5120x128xf32, #tpu.memory_space<vmem>>, %arg2: memref<2x5120xf32, #tpu.memory_space<vmem>>, %arg3: memref<5120x128xf32, #tpu.memory_space<vmem>>, %arg4: memref<5120x128xf32, #tpu.memory_space<vmem>>) attributes {dimension_semantics = [#tpu.dimension_semantics<arbitrary>], iteration_bounds = array<i64: 2>, scalar_prefetch = 0 : i64, scratch_operands = 0 : i64, tpu.core_type = #tpu.core_type<tc>, window_params = [{transform_indices = @transform_0, window_bounds = array<i64: 5120, 128>}, {transform_indices = @transform_1, window_bounds = array<i64: 2, 5120>}, {transform_indices = @transform_2, window_bounds = array<i64: 5120, 128>}, {transform_indices = @transform_3, window_bounds = array<i64: 5120, 128>}]} {
    %get3A = arith.constant 0 : index
    %get3A_0 = arith.constant 0 : index
    %get3A_1 = vector.load %arg2[%get3A, %get3A_0] : memref<2x5120xf32, #tpu.memory_space<vmem>>, vector<1x5120xf32>
    %get3A_2 = arith.constant 1 : index
    %get3A_3 = arith.constant 0 : index
    %get3A_4 = vector.load %arg2[%get3A_2, %get3A_3] : memref<2x5120xf32, #tpu.memory_space<vmem>>, vector<1x5120xf32>
    %add3A = arith.addf %get3A_1, %get3A_4 : vector<1x5120xf32>
    %add3A_5 = arith.constant 1.000000e+00 : f32
    %add3A_6 = vector.broadcast %add3A_5 : f32 to vector<1x5120xf32>
    %add3A_7 = arith.addf %add3A, %add3A_6 : vector<1x5120xf32>
    %rsqrt3A = math.rsqrt %add3A_7 : vector<1x5120xf32>
    %transpose3A = tpu.transpose %rsqrt3A, [1, 0] : vector<1x5120xf32> -> vector<5120x1xf32>
    %broadcast_in_dim3A = vector.shape_cast %transpose3A : vector<5120x1xf32> to vector<5120x1xf32>
    %broadcast_in_dim3A_8 = vector.broadcast %broadcast_in_dim3A : vector<5120x1xf32> to vector<5120x128xf32>
    %swap3A = arith.constant 0 : index
    %swap3A_9 = arith.constant 0 : index
    %swap3A_10 = vector.load %arg4[%swap3A, %swap3A_9] : memref<5120x128xf32, #tpu.memory_space<vmem>>, vector<5120x128xf32>
    tpu.vector_store %arg4[%swap3A, %swap3A_9], %broadcast_in_dim3A_8 {strides = array<i32>} : memref<5120x128xf32, #tpu.memory_space<vmem>>, vector<5120x128xf32>,
    %get3A_11 = arith.constant 0 : index
    %get3A_12 = arith.constant 0 : index
    %get3A_13 = vector.load %arg1[%get3A_11, %get3A_12] : memref<5120x128xf32, #tpu.memory_space<vmem>>, vector<5120x128xf32>
    %mul3A = vector.broadcast %transpose3A : vector<5120x1xf32> to vector<5120x128xf32>
    %mul3A_14 = arith.mulf %get3A_13, %mul3A : vector<5120x128xf32>
    %swap3A_15 = arith.constant 0 : index
    %swap3A_16 = arith.constant 0 : index
    %swap3A_17 = vector.load %arg3[%swap3A_15, %swap3A_16] : memref<5120x128xf32, #tpu.memory_space<vmem>>, vector<5120x128xf32>
    tpu.vector_store %arg3[%swap3A_15, %swap3A_16], %mul3A_14 {strides = array<i32>} : memref<5120x128xf32, #tpu.memory_space<vmem>>, vector<5120x128xf32>,
    return
  }
  func.func @transform_0(%arg0: i32) -> (i32, i32) {
    %c0_i32 = arith.constant 0 : i32
    %c0_i32_0 = arith.constant 0 : i32
    return %arg0, %c0_i32 : i32, i32
  }
  func.func @transform_1(%arg0: i32) -> (i32, i32) {
    %c0_i32 = arith.constant 0 : i32
    %c0_i32_0 = arith.constant 0 : i32
    return %c0_i32, %arg0 : i32, i32
  }
  func.func @transform_2(%arg0: i32) -> (i32, i32) {
    %c0_i32 = arith.constant 0 : i32
    %c0_i32_0 = arith.constant 0 : i32
    return %arg0, %c0_i32 : i32, i32
  }
  func.func @transform_3(%arg0: i32) -> (i32, i32) {
    %c0_i32 = arith.constant 0 : i32
    %c0_i32_0 = arith.constant 0 : i32
    return %arg0, %c0_i32 : i32, i32
  }
}

module attributes {stable_mosaic.version = 14 : i64} {
  func.func @_layer_body(%arg0: i32, %arg1: memref<5120x128xf32, #tpu.memory_space<vmem>>, %arg2: memref<5120x128xf32, #tpu.memory_space<vmem>>, %arg3: memref<5120x128xf32, #tpu.memory_space<vmem>>, %arg4: memref<128x128xf32, #tpu.memory_space<vmem>>, %arg5: memref<1x128xf32, #tpu.memory_space<vmem>>, %arg6: memref<5120x128xf32, #tpu.memory_space<vmem>>) attributes {dimension_semantics = [#tpu.dimension_semantics<arbitrary>], iteration_bounds = array<i64: 2>, scalar_prefetch = 0 : i64, scratch_operands = 0 : i64, tpu.core_type = #tpu.core_type<tc>, window_params = [{transform_indices = @transform_0, window_bounds = array<i64: 5120, 128>}, {transform_indices = @transform_1, window_bounds = array<i64: 5120, 128>}, {transform_indices = @transform_2, window_bounds = array<i64: 5120, 128>}, {pipeline_mode = #tpu.pipeline_mode<synchronous>, transform_indices = @transform_3, window_bounds = array<i64: 128, 128>}, {pipeline_mode = #tpu.pipeline_mode<synchronous>, transform_indices = @transform_4, window_bounds = array<i64: 1, 128>}, {transform_indices = @transform_5, window_bounds = array<i64: 5120, 128>}]} {
    %get3A = arith.constant 0 : index
    %get3A_0 = arith.constant 0 : index
    %get3A_1 = vector.load %arg3[%get3A, %get3A_0] : memref<5120x128xf32, #tpu.memory_space<vmem>>, vector<5120x128xf32>
    %get3A_2 = arith.constant 0 : index
    %get3A_3 = arith.constant 0 : index
    %get3A_4 = vector.load %arg1[%get3A_2, %get3A_3] : memref<5120x128xf32, #tpu.memory_space<vmem>>, vector<5120x128xf32>
    %get3A_5 = arith.constant 0 : index
    %get3A_6 = arith.constant 0 : index
    %get3A_7 = vector.load %arg2[%get3A_5, %get3A_6] : memref<5120x128xf32, #tpu.memory_space<vmem>>, vector<5120x128xf32>
    %add3A = arith.addf %get3A_4, %get3A_7 : vector<5120x128xf32>
    %mul3A = arith.mulf %add3A, %get3A_1 : vector<5120x128xf32>
    %get3A_8 = arith.constant 0 : index
    %get3A_9 = arith.constant 0 : index
    %get3A_10 = vector.load %arg5[%get3A_8, %get3A_9] : memref<1x128xf32, #tpu.memory_space<vmem>>, vector<1x128xf32>
    %add3A_11 = vector.broadcast %get3A_10 : vector<1x128xf32> to vector<5120x128xf32>
    %add3A_12 = arith.addf %mul3A, %add3A_11 : vector<5120x128xf32>
    %max3A = arith.constant 0.000000e+00 : f32
    %max3A_13 = vector.broadcast %max3A : f32 to vector<5120x128xf32>
    %max3A_14 = arith.maximumf %add3A_12, %max3A_13 : vector<5120x128xf32>
    %get3A_15 = arith.constant 0 : index
    %get3A_16 = arith.constant 0 : index
    %get3A_17 = vector.load %arg4[%get3A_15, %get3A_16] : memref<128x128xf32, #tpu.memory_space<vmem>>, vector<128x128xf32>
    %dot_general3A = arith.constant dense<0.000000e+00> : vector<5120x128xf32>
    %dot_general3A_18 = tpu.matmul %max3A_14, %get3A_17, %dot_general3A {dimension_numbers = #tpu.dot_dimension_numbers<[1], [0], [0], [1], [0, 0, 1, 1], [], []>, transpose_lhs_hint = false} : vector<5120x128xf32>, vector<128x128xf32>, vector<5120x128xf32> -> vector<5120x128xf32>
    %mul3A_19 = arith.mulf %dot_general3A_18, %get3A_1 : vector<5120x128xf32>
    %swap3A = arith.constant 0 : index
    %swap3A_20 = arith.constant 0 : index
    %swap3A_21 = vector.load %arg6[%swap3A, %swap3A_20] : memref<5120x128xf32, #tpu.memory_space<vmem>>, vector<5120x128xf32>
    tpu.vector_store %arg6[%swap3A, %swap3A_20], %mul3A_19 {strides = array<i32>} : memref<5120x128xf32, #tpu.memory_space<vmem>>, vector<5120x128xf32>,
    return
  }
  func.func @transform_0(%arg0: i32) -> (i32, i32) {
    %c0_i32 = arith.constant 0 : i32
    %c0_i32_0 = arith.constant 0 : i32
    return %arg0, %c0_i32 : i32, i32
  }
  func.func @transform_1(%arg0: i32) -> (i32, i32) {
    %c0_i32 = arith.constant 0 : i32
    %c0_i32_0 = arith.constant 0 : i32
    return %arg0, %c0_i32 : i32, i32
  }
  func.func @transform_2(%arg0: i32) -> (i32, i32) {
    %c0_i32 = arith.constant 0 : i32
    %c0_i32_0 = arith.constant 0 : i32
    return %arg0, %c0_i32 : i32, i32
  }
  func.func @transform_3(%arg0: i32) -> (i32, i32) {
    %c0_i32 = arith.constant 0 : i32
    %c0_i32_0 = arith.constant 0 : i32
    %c0_i32_1 = arith.constant 0 : i32
    return %c0_i32, %c0_i32_0 : i32, i32
  }
  func.func @transform_4(%arg0: i32) -> (i32, i32) {
    %c0_i32 = arith.constant 0 : i32
    %c0_i32_0 = arith.constant 0 : i32
    %c0_i32_1 = arith.constant 0 : i32
    return %c0_i32, %c0_i32_0 : i32, i32
  }
  func.func @transform_5(%arg0: i32) -> (i32, i32) {
    %c0_i32 = arith.constant 0 : i32
    %c0_i32_0 = arith.constant 0 : i32
    return %arg0, %c0_i32 : i32, i32
  }
}

module attributes {stable_mosaic.version = 14 : i64} {
  func.func @_pool_body(%arg0: i32, %arg1: memref<5120x128xf32, #tpu.memory_space<vmem>>, %arg2: memref<5120x128xf32, #tpu.memory_space<vmem>>, %arg3: memref<5120x128xf32, #tpu.memory_space<vmem>>, %arg4: memref<1x128xf32, #tpu.memory_space<vmem>>, %arg5: memref<1x5120xi32, #tpu.memory_space<vmem>>, %arg6: memref<64x32xf32, #tpu.memory_space<vmem>>, %arg7: memref<128x128xf32, #tpu.memory_space<vmem>>, %arg8: memref<32x128xf32, #tpu.memory_space<vmem>>, %arg9: memref<1x128xf32, #tpu.memory_space<vmem>>, %arg10: memref<128x16xf32, #tpu.memory_space<vmem>>, %arg11: memref<1x16xf32, #tpu.memory_space<vmem>>, %arg12: memref<128x128xf32, #tpu.memory_space<vmem>>, %arg13: memref<32x128xf32, #tpu.memory_space<vmem>>, %arg14: memref<1x128xf32, #tpu.memory_space<vmem>>, %arg15: memref<128x1xf32, #tpu.memory_space<vmem>>, %arg16: memref<1x1xf32, #tpu.memory_space<vmem>>, %arg17: memref<64x16xf32, #tpu.memory_space<vmem>>, %arg18: memref<64x1xf32, #tpu.memory_space<vmem>>, %arg19: memref<64x128xf32, #tpu.memory_space<vmem>>, %arg20: memref<64x128xf32, #tpu.memory_space<vmem>>) attributes {dimension_semantics = [#tpu.dimension_semantics<arbitrary>], iteration_bounds = array<i64: 2>, scalar_prefetch = 0 : i64, scratch_operands = 2 : i64, tpu.core_type = #tpu.core_type<tc>, window_params = [{transform_indices = @transform_0, window_bounds = array<i64: 5120, 128>}, {transform_indices = @transform_1, window_bounds = array<i64: 5120, 128>}, {transform_indices = @transform_2, window_bounds = array<i64: 5120, 128>}, {pipeline_mode = #tpu.pipeline_mode<synchronous>, transform_indices = @transform_3, window_bounds = array<i64: 1, 128>}, {transform_indices = @transform_4, window_bounds = array<i64: 1, 5120>}, {pipeline_mode = #tpu.pipeline_mode<synchronous>, transform_indices = @transform_5, window_bounds = array<i64: 64, 32>}, {pipeline_mode = #tpu.pipeline_mode<synchronous>, transform_indices = @transform_6, window_bounds = array<i64: 128, 128>}, {pipeline_mode = #tpu.pipeline_mode<synchronous>, transform_indices = @transform_7, window_bounds = array<i64: 32, 128>}, {pipeline_mode = #tpu.pipeline_mode<synchronous>, transform_indices = @transform_8, window_bounds = array<i64: 1, 128>}, {pipeline_mode = #tpu.pipeline_mode<synchronous>, transform_indices = @transform_9, window_bounds = array<i64: 128, 16>}, {pipeline_mode = #tpu.pipeline_mode<synchronous>, transform_indices = @transform_10, window_bounds = array<i64: 1, 16>}, {pipeline_mode = #tpu.pipeline_mode<synchronous>, transform_indices = @transform_11, window_bounds = array<i64: 128, 128>}, {pipeline_mode = #tpu.pipeline_mode<synchronous>, transform_indices = @transform_12, window_bounds = array<i64: 32, 128>}, {pipeline_mode = #tpu.pipeline_mode<synchronous>, transform_indices = @transform_13, window_bounds = array<i64: 1, 128>}, {pipeline_mode = #tpu.pipeline_mode<synchronous>, transform_indices = @transform_14, window_bounds = array<i64: 128, 1>}, {pipeline_mode = #tpu.pipeline_mode<synchronous>, transform_indices = @transform_15, window_bounds = array<i64: 1, 1>}, {pipeline_mode = #tpu.pipeline_mode<synchronous>, transform_indices = @transform_16, window_bounds = array<i64: 64, 16>}, {pipeline_mode = #tpu.pipeline_mode<synchronous>, transform_indices = @transform_17, window_bounds = array<i64: 64, 1>}]} {
    %eq3A = arith.constant 0 : i32
    %eq3A_0 = arith.cmpi eq, %arg0, %eq3A : i32
    %convert_element_type3A = arith.extui %eq3A_0 : i1 to i32
    %cond3A = arith.constant 0 : i32
    %cond3A_1 = arith.cmpi ne, %convert_element_type3A, %cond3A : i32
    scf.if %cond3A_1 {
      %broadcast_in_dim3A_46 = arith.constant 0.000000e+00 : f32
      %broadcast_in_dim3A_47 = vector.broadcast %broadcast_in_dim3A_46 : f32 to vector<64x128xf32>
      %swap3A_48 = arith.constant 0 : index
      %swap3A_49 = arith.constant 0 : index
      %swap3A_50 = vector.load %arg19[%swap3A_48, %swap3A_49] : memref<64x128xf32, #tpu.memory_space<vmem>>, vector<64x128xf32>
      tpu.vector_store %arg19[%swap3A_48, %swap3A_49], %broadcast_in_dim3A_47 {strides = array<i32>} : memref<64x128xf32, #tpu.memory_space<vmem>>, vector<64x128xf32>,
      %broadcast_in_dim3A_51 = arith.constant 0.000000e+00 : f32
      %broadcast_in_dim3A_52 = vector.broadcast %broadcast_in_dim3A_51 : f32 to vector<64x128xf32>
      %swap3A_53 = arith.constant 0 : index
      %swap3A_54 = arith.constant 0 : index
      %swap3A_55 = vector.load %arg20[%swap3A_53, %swap3A_54] : memref<64x128xf32, #tpu.memory_space<vmem>>, vector<64x128xf32>
      tpu.vector_store %arg20[%swap3A_53, %swap3A_54], %broadcast_in_dim3A_52 {strides = array<i32>} : memref<64x128xf32, #tpu.memory_space<vmem>>, vector<64x128xf32>,
    } else {
    }
    %get3A = arith.constant 0 : index
    %get3A_2 = arith.constant 0 : index
    %get3A_3 = vector.load %arg1[%get3A, %get3A_2] : memref<5120x128xf32, #tpu.memory_space<vmem>>, vector<5120x128xf32>
    %get3A_4 = arith.constant 0 : index
    %get3A_5 = arith.constant 0 : index
    %get3A_6 = vector.load %arg2[%get3A_4, %get3A_5] : memref<5120x128xf32, #tpu.memory_space<vmem>>, vector<5120x128xf32>
    %add3A = arith.addf %get3A_3, %get3A_6 : vector<5120x128xf32>
    %get3A_7 = arith.constant 0 : index
    %get3A_8 = arith.constant 0 : index
    %get3A_9 = vector.load %arg3[%get3A_7, %get3A_8] : memref<5120x128xf32, #tpu.memory_space<vmem>>, vector<5120x128xf32>
    %mul3A = arith.mulf %add3A, %get3A_9 : vector<5120x128xf32>
    %get3A_10 = arith.constant 0 : index
    %get3A_11 = arith.constant 0 : index
    %get3A_12 = vector.load %arg4[%get3A_10, %get3A_11] : memref<1x128xf32, #tpu.memory_space<vmem>>, vector<1x128xf32>
    %add3A_13 = vector.broadcast %get3A_12 : vector<1x128xf32> to vector<5120x128xf32>
    %add3A_14 = arith.addf %mul3A, %add3A_13 : vector<5120x128xf32>
    %max3A = arith.constant 0.000000e+00 : f32
    %max3A_15 = vector.broadcast %max3A : f32 to vector<5120x128xf32>
    %max3A_16 = arith.maximumf %add3A_14, %max3A_15 : vector<5120x128xf32>
    %get3A_17 = arith.constant 0 : index
    %get3A_18 = arith.constant 0 : index
    %get3A_19 = vector.load %arg5[%get3A_17, %get3A_18] : memref<1x5120xi32, #tpu.memory_space<vmem>>, vector<1x5120xi32>
    %iota3A = tpu.iota {dimensions = array<i32: 0>} : vector<64x5120xi32>
    %eq3A_20 = vector.broadcast %get3A_19 : vector<1x5120xi32> to vector<64x5120xi32>
    %eq3A_21 = arith.cmpi eq, %eq3A_20, %iota3A : vector<64x5120xi32>
    %convert_element_type3A_22 = arith.extui %eq3A_21 : vector<64x5120xi1> to vector<64x5120xi32>
    %convert_element_type3A_23 = arith.sitofp %convert_element_type3A_22 : vector<64x5120xi32> to vector<64x5120xf32>
    %get3A_24 = arith.constant 0 : index
    %get3A_25 = arith.constant 0 : index
    %get3A_26 = vector.load %arg19[%get3A_24, %get3A_25] : memref<64x128xf32, #tpu.memory_space<vmem>>, vector<64x128xf32>
    %dot_general3A = arith.constant dense<0.000000e+00> : vector<64x128xf32>
    %dot_general3A_27 = tpu.matmul %convert_element_type3A_23, %max3A_16, %dot_general3A {dimension_numbers = #tpu.dot_dimension_numbers<[1], [0], [0], [1], [0, 0, 1, 1], [], []>, transpose_lhs_hint = false} : vector<64x5120xf32>, vector<5120x128xf32>, vector<64x128xf32> -> vector<64x128xf32>
    %add3A_28 = arith.addf %get3A_26, %dot_general3A_27 : vector<64x128xf32>
    %swap3A = arith.constant 0 : index
    %swap3A_29 = arith.constant 0 : index
    %swap3A_30 = vector.load %arg19[%swap3A, %swap3A_29] : memref<64x128xf32, #tpu.memory_space<vmem>>, vector<64x128xf32>
    tpu.vector_store %arg19[%swap3A, %swap3A_29], %add3A_28 {strides = array<i32>} : memref<64x128xf32, #tpu.memory_space<vmem>>, vector<64x128xf32>,
    %get3A_31 = arith.constant 0 : index
    %get3A_32 = arith.constant 0 : index
    %get3A_33 = vector.load %arg20[%get3A_31, %get3A_32] : memref<64x128xf32, #tpu.memory_space<vmem>>, vector<64x128xf32>
    %broadcast_in_dim3A = arith.constant 1.000000e+00 : f32
    %broadcast_in_dim3A_34 = vector.broadcast %broadcast_in_dim3A : f32 to vector<5120x128xf32>
    %dot_general3A_35 = arith.constant dense<0.000000e+00> : vector<64x128xf32>
    %dot_general3A_36 = tpu.matmul %convert_element_type3A_23, %broadcast_in_dim3A_34, %dot_general3A_35 {dimension_numbers = #tpu.dot_dimension_numbers<[1], [0], [0], [1], [0, 0, 1, 1], [], []>, transpose_lhs_hint = false} : vector<64x5120xf32>, vector<5120x128xf32>, vector<64x128xf32> -> vector<64x128xf32>
    %add3A_37 = arith.addf %get3A_33, %dot_general3A_36 : vector<64x128xf32>
    %swap3A_38 = arith.constant 0 : index
    %swap3A_39 = arith.constant 0 : index
    %swap3A_40 = vector.load %arg20[%swap3A_38, %swap3A_39] : memref<64x128xf32, #tpu.memory_space<vmem>>, vector<64x128xf32>
    tpu.vector_store %arg20[%swap3A_38, %swap3A_39], %add3A_37 {strides = array<i32>} : memref<64x128xf32, #tpu.memory_space<vmem>>, vector<64x128xf32>,
    %eq3A_41 = arith.constant 1 : i32
    %eq3A_42 = arith.cmpi eq, %arg0, %eq3A_41 : i32
    %convert_element_type3A_43 = arith.extui %eq3A_42 : i1 to i32
    %cond3A_44 = arith.constant 0 : i32
    %cond3A_45 = arith.cmpi ne, %convert_element_type3A_43, %cond3A_44 : i32
    scf.if %cond3A_45 {
      %get3A_46 = arith.constant 0 : index
      %get3A_47 = arith.constant 0 : index
      %get3A_48 = vector.load %arg19[%get3A_46, %get3A_47] : memref<64x128xf32, #tpu.memory_space<vmem>>, vector<64x128xf32>
      %get3A_49 = arith.constant 0 : index
      %get3A_50 = arith.constant 0 : index
      %get3A_51 = vector.load %arg20[%get3A_49, %get3A_50] : memref<64x128xf32, #tpu.memory_space<vmem>>, vector<64x128xf32>
      %max3A_52 = arith.constant 1.000000e+00 : f32
      %max3A_53 = vector.broadcast %max3A_52 : f32 to vector<64x128xf32>
      %max3A_54 = arith.maximumf %get3A_51, %max3A_53 : vector<64x128xf32>
      %div3A = arith.divf %get3A_48, %max3A_54 : vector<64x128xf32>
      %get3A_55 = arith.constant 0 : index
      %get3A_56 = arith.constant 0 : index
      %get3A_57 = vector.load %arg7[%get3A_55, %get3A_56] : memref<128x128xf32, #tpu.memory_space<vmem>>, vector<128x128xf32>
      %dot_general3A_58 = arith.constant dense<0.000000e+00> : vector<64x128xf32>
      %dot_general3A_59 = tpu.matmul %div3A, %get3A_57, %dot_general3A_58 {dimension_numbers = #tpu.dot_dimension_numbers<[1], [0], [0], [1], [0, 0, 1, 1], [], []>, transpose_lhs_hint = false} : vector<64x128xf32>, vector<128x128xf32>, vector<64x128xf32> -> vector<64x128xf32>
      %get3A_60 = arith.constant 0 : index
      %get3A_61 = arith.constant 0 : index
      %get3A_62 = vector.load %arg6[%get3A_60, %get3A_61] : memref<64x32xf32, #tpu.memory_space<vmem>>, vector<64x32xf32>
      %get3A_63 = arith.constant 0 : index
      %get3A_64 = arith.constant 0 : index
      %get3A_65 = vector.load %arg8[%get3A_63, %get3A_64] : memref<32x128xf32, #tpu.memory_space<vmem>>, vector<32x128xf32>
      %dot_general3A_66 = arith.constant dense<0.000000e+00> : vector<64x128xf32>
      %dot_general3A_67 = tpu.matmul %get3A_62, %get3A_65, %dot_general3A_66 {dimension_numbers = #tpu.dot_dimension_numbers<[1], [0], [0], [1], [0, 0, 1, 1], [], []>, transpose_lhs_hint = false} : vector<64x32xf32>, vector<32x128xf32>, vector<64x128xf32> -> vector<64x128xf32>
      %add3A_68 = arith.addf %dot_general3A_59, %dot_general3A_67 : vector<64x128xf32>
      %get3A_69 = arith.constant 0 : index
      %get3A_70 = arith.constant 0 : index
      %get3A_71 = vector.load %arg9[%get3A_69, %get3A_70] : memref<1x128xf32, #tpu.memory_space<vmem>>, vector<1x128xf32>
      %add3A_72 = vector.broadcast %get3A_71 : vector<1x128xf32> to vector<64x128xf32>
      %add3A_73 = arith.addf %add3A_68, %add3A_72 : vector<64x128xf32>
      %max3A_74 = arith.constant 0.000000e+00 : f32
      %max3A_75 = vector.broadcast %max3A_74 : f32 to vector<64x128xf32>
      %max3A_76 = arith.maximumf %add3A_73, %max3A_75 : vector<64x128xf32>
      %get3A_77 = arith.constant 0 : index
      %get3A_78 = arith.constant 0 : index
      %get3A_79 = vector.load %arg10[%get3A_77, %get3A_78] : memref<128x16xf32, #tpu.memory_space<vmem>>, vector<128x16xf32>
      %dot_general3A_80 = arith.constant dense<0.000000e+00> : vector<64x16xf32>
      %dot_general3A_81 = tpu.matmul %max3A_76, %get3A_79, %dot_general3A_80 {dimension_numbers = #tpu.dot_dimension_numbers<[1], [0], [0], [1], [0, 0, 1, 1], [], []>, transpose_lhs_hint = false} : vector<64x128xf32>, vector<128x16xf32>, vector<64x16xf32> -> vector<64x16xf32>
      %get3A_82 = arith.constant 0 : index
      %get3A_83 = arith.constant 0 : index
      %get3A_84 = vector.load %arg11[%get3A_82, %get3A_83] : memref<1x16xf32, #tpu.memory_space<vmem>>, vector<1x16xf32>
      %add3A_85 = vector.broadcast %get3A_84 : vector<1x16xf32> to vector<64x16xf32>
      %add3A_86 = arith.addf %dot_general3A_81, %add3A_85 : vector<64x16xf32>
      %swap3A_87 = arith.constant 0 : index
      %swap3A_88 = arith.constant 0 : index
      %swap3A_89 = vector.load %arg17[%swap3A_87, %swap3A_88] : memref<64x16xf32, #tpu.memory_space<vmem>>, vector<64x16xf32>
      tpu.vector_store %arg17[%swap3A_87, %swap3A_88], %add3A_86 {strides = array<i32>} : memref<64x16xf32, #tpu.memory_space<vmem>>, vector<64x16xf32>,
      %get3A_90 = arith.constant 0 : index
      %get3A_91 = arith.constant 0 : index
      %get3A_92 = vector.load %arg12[%get3A_90, %get3A_91] : memref<128x128xf32, #tpu.memory_space<vmem>>, vector<128x128xf32>
      %dot_general3A_93 = arith.constant dense<0.000000e+00> : vector<64x128xf32>
      %dot_general3A_94 = tpu.matmul %div3A, %get3A_92, %dot_general3A_93 {dimension_numbers = #tpu.dot_dimension_numbers<[1], [0], [0], [1], [0, 0, 1, 1], [], []>, transpose_lhs_hint = false} : vector<64x128xf32>, vector<128x128xf32>, vector<64x128xf32> -> vector<64x128xf32>
      %get3A_95 = arith.constant 0 : index
      %get3A_96 = arith.constant 0 : index
      %get3A_97 = vector.load %arg6[%get3A_95, %get3A_96] : memref<64x32xf32, #tpu.memory_space<vmem>>, vector<64x32xf32>
      %get3A_98 = arith.constant 0 : index
      %get3A_99 = arith.constant 0 : index
      %get3A_100 = vector.load %arg13[%get3A_98, %get3A_99] : memref<32x128xf32, #tpu.memory_space<vmem>>, vector<32x128xf32>
      %dot_general3A_101 = arith.constant dense<0.000000e+00> : vector<64x128xf32>
      %dot_general3A_102 = tpu.matmul %get3A_97, %get3A_100, %dot_general3A_101 {dimension_numbers = #tpu.dot_dimension_numbers<[1], [0], [0], [1], [0, 0, 1, 1], [], []>, transpose_lhs_hint = false} : vector<64x32xf32>, vector<32x128xf32>, vector<64x128xf32> -> vector<64x128xf32>
      %add3A_103 = arith.addf %dot_general3A_94, %dot_general3A_102 : vector<64x128xf32>
      %get3A_104 = arith.constant 0 : index
      %get3A_105 = arith.constant 0 : index
      %get3A_106 = vector.load %arg14[%get3A_104, %get3A_105] : memref<1x128xf32, #tpu.memory_space<vmem>>, vector<1x128xf32>
      %add3A_107 = vector.broadcast %get3A_106 : vector<1x128xf32> to vector<64x128xf32>
      %add3A_108 = arith.addf %add3A_103, %add3A_107 : vector<64x128xf32>
      %max3A_109 = arith.constant 0.000000e+00 : f32
      %max3A_110 = vector.broadcast %max3A_109 : f32 to vector<64x128xf32>
      %max3A_111 = arith.maximumf %add3A_108, %max3A_110 : vector<64x128xf32>
      %get3A_112 = arith.constant 0 : index
      %get3A_113 = arith.constant 0 : index
      %get3A_114 = vector.load %arg15[%get3A_112, %get3A_113] : memref<128x1xf32, #tpu.memory_space<vmem>>, vector<128x1xf32>
      %dot_general3A_115 = arith.constant dense<0.000000e+00> : vector<64x1xf32>
      %dot_general3A_116 = tpu.matmul %max3A_111, %get3A_114, %dot_general3A_115 {dimension_numbers = #tpu.dot_dimension_numbers<[1], [0], [0], [1], [0, 0, 1, 1], [], []>, transpose_lhs_hint = false} : vector<64x128xf32>, vector<128x1xf32>, vector<64x1xf32> -> vector<64x1xf32>
      %get3A_117 = arith.constant 0 : index
      %get3A_118 = arith.constant 0 : index
      %get3A_119 = vector.load %arg16[%get3A_117, %get3A_118] : memref<1x1xf32, #tpu.memory_space<vmem>>, vector<1x1xf32>
      %add3A_120 = vector.broadcast %get3A_119 : vector<1x1xf32> to vector<64x1xf32>
      %add3A_121 = arith.addf %dot_general3A_116, %add3A_120 : vector<64x1xf32>
      %swap3A_122 = arith.constant 0 : index
      %swap3A_123 = arith.constant 0 : index
      %swap3A_124 = vector.load %arg18[%swap3A_122, %swap3A_123] : memref<64x1xf32, #tpu.memory_space<vmem>>, vector<64x1xf32>
      tpu.vector_store %arg18[%swap3A_122, %swap3A_123], %add3A_121 {strides = array<i32>} : memref<64x1xf32, #tpu.memory_space<vmem>>, vector<64x1xf32>,
    } else {
    }
    return
  }
  func.func @transform_0(%arg0: i32) -> (i32, i32) {
    %c0_i32 = arith.constant 0 : i32
    %c0_i32_0 = arith.constant 0 : i32
    return %arg0, %c0_i32 : i32, i32
  }
  func.func @transform_1(%arg0: i32) -> (i32, i32) {
    %c0_i32 = arith.constant 0 : i32
    %c0_i32_0 = arith.constant 0 : i32
    return %arg0, %c0_i32 : i32, i32
  }
  func.func @transform_2(%arg0: i32) -> (i32, i32) {
    %c0_i32 = arith.constant 0 : i32
    %c0_i32_0 = arith.constant 0 : i32
    return %arg0, %c0_i32 : i32, i32
  }
  func.func @transform_3(%arg0: i32) -> (i32, i32) {
    %c0_i32 = arith.constant 0 : i32
    %c0_i32_0 = arith.constant 0 : i32
    %c0_i32_1 = arith.constant 0 : i32
    return %c0_i32, %c0_i32_0 : i32, i32
  }
  func.func @transform_4(%arg0: i32) -> (i32, i32) {
    %c0_i32 = arith.constant 0 : i32
    %c0_i32_0 = arith.constant 0 : i32
    return %c0_i32, %arg0 : i32, i32
  }
  func.func @transform_5(%arg0: i32) -> (i32, i32) {
    %c0_i32 = arith.constant 0 : i32
    %c0_i32_0 = arith.constant 0 : i32
    %c0_i32_1 = arith.constant 0 : i32
    return %c0_i32, %c0_i32_0 : i32, i32
  }
  func.func @transform_6(%arg0: i32) -> (i32, i32) {
    %c0_i32 = arith.constant 0 : i32
    %c0_i32_0 = arith.constant 0 : i32
    %c0_i32_1 = arith.constant 0 : i32
    return %c0_i32, %c0_i32_0 : i32, i32
  }
  func.func @transform_7(%arg0: i32) -> (i32, i32) {
    %c0_i32 = arith.constant 0 : i32
    %c0_i32_0 = arith.constant 0 : i32
    %c0_i32_1 = arith.constant 0 : i32
    return %c0_i32, %c0_i32_0 : i32, i32
  }
  func.func @transform_8(%arg0: i32) -> (i32, i32) {
    %c0_i32 = arith.constant 0 : i32
    %c0_i32_0 = arith.constant 0 : i32
    %c0_i32_1 = arith.constant 0 : i32
    return %c0_i32, %c0_i32_0 : i32, i32
  }
  func.func @transform_9(%arg0: i32) -> (i32, i32) {
    %c0_i32 = arith.constant 0 : i32
    %c0_i32_0 = arith.constant 0 : i32
    %c0_i32_1 = arith.constant 0 : i32
    return %c0_i32, %c0_i32_0 : i32, i32
  }
  func.func @transform_10(%arg0: i32) -> (i32, i32) {
    %c0_i32 = arith.constant 0 : i32
    %c0_i32_0 = arith.constant 0 : i32
    %c0_i32_1 = arith.constant 0 : i32
    return %c0_i32, %c0_i32_0 : i32, i32
  }
  func.func @transform_11(%arg0: i32) -> (i32, i32) {
    %c0_i32 = arith.constant 0 : i32
    %c0_i32_0 = arith.constant 0 : i32
    %c0_i32_1 = arith.constant 0 : i32
    return %c0_i32, %c0_i32_0 : i32, i32
  }
  func.func @transform_12(%arg0: i32) -> (i32, i32) {
    %c0_i32 = arith.constant 0 : i32
    %c0_i32_0 = arith.constant 0 : i32
    %c0_i32_1 = arith.constant 0 : i32
    return %c0_i32, %c0_i32_0 : i32, i32
  }
  func.func @transform_13(%arg0: i32) -> (i32, i32) {
    %c0_i32 = arith.constant 0 : i32
    %c0_i32_0 = arith.constant 0 : i32
    %c0_i32_1 = arith.constant 0 : i32
    return %c0_i32, %c0_i32_0 : i32, i32
  }
  func.func @transform_14(%arg0: i32) -> (i32, i32) {
    %c0_i32 = arith.constant 0 : i32
    %c0_i32_0 = arith.constant 0 : i32
    %c0_i32_1 = arith.constant 0 : i32
    return %c0_i32, %c0_i32_0 : i32, i32
  }
  func.func @transform_15(%arg0: i32) -> (i32, i32) {
    %c0_i32 = arith.constant 0 : i32
    %c0_i32_0 = arith.constant 0 : i32
    %c0_i32_1 = arith.constant 0 : i32
    return %c0_i32, %c0_i32_0 : i32, i32
  }
  func.func @transform_16(%arg0: i32) -> (i32, i32) {
    %c0_i32 = arith.constant 0 : i32
    %c0_i32_0 = arith.constant 0 : i32
    %c0_i32_1 = arith.constant 0 : i32
    return %c0_i32, %c0_i32_0 : i32, i32
  }
  func.func @transform_17(%arg0: i32) -> (i32, i32) {
    %c0_i32 = arith.constant 0 : i32
    %c0_i32_0 = arith.constant 0 : i32
    %c0_i32_1 = arith.constant 0 : i32
    return %c0_i32, %c0_i32_0 : i32, i32
  }
}

</mosaic_0001>

<sc_bundles>
// kernel: kernel.12.cloned.1.call-start
scs
__scs_entry_jumppad:
0x0: {  	(pc) =	sbr.rel $0x88, $3  }
0x1: {  	(tag) =	ssettag $0x0;
	lr =	simm.s32 $0x1  }
0x2: {  	[smem:$0x3F91] =	sst lr;
	_ =	strace $0xD0000000  }
0x3: {  	_ = 	snop  }
0x4: {  	_ = 	snop  }
0x5: {  	_ = 	snop  }
0x6: {  	_ = 	snop  }
0x7: {  	_ = 	snop  }
__scs_overlays_trampoline_lowered:
0x8: {  	[smem:$0x3FA0] =	sst s0  }
0x9: {  	[smem:$0x3FA1] =	sst s1  }
0xa: {  	[smem:$0x3FA2] =	sst s2  }
0xb: {  	[smem:$0x3FA3] =	sst s3  }
0xc: {  	[smem:$0x3FA4] =	sst s4  }
0xd: {  	[smem:$0x3FA5] =	sst s5  }
0xe: {  	[smem:$0x3FA6] =	sst s6  }
0xf: {  	[smem:$0x3FA7] =	sst s7  }
0x10: {  	[smem:$0x3FA8] =	sst s8  }
0x11: {  	[smem:$0x3FA9] =	sst s9;
	s0 =	simm.s32 @!p0 $0x0  }
0x12: {  	s1 =	sld [smem:$0x3F8F];
	s0 =	simm.s32 @p0 $0x1  }
0x13: {  	[smem:$0x3FAA] =	sst s0;
	s0 =	simm.s32 @!p1 $0x0  }
0x14: {  	s2 =	sld [smem:$0x3F8E];
	s0 =	simm.s32 @p1 $0x1  }
0x15: {  	[smem:$0x3FAB] =	sst s0;
	s0 =	simm.s32 @!p2 $0x0  }
0x16: {  	s3 =	sld [smem:$0x3FDB];
	s0 =	simm.s32 @p2 $0x1  }
0x17: {  	s4 =	simm.s32 $0x1BF5;
	[smem:$0x3FAD] =	sst s0  }
0x18: {  	s0 =	sld [smem:$0x3F90];
	_ =	swait.ge [sflag:s4], $0x0  }
0x19: {  	s7 =	sld [smem:$0x3F91]  }
0x1a: {  	s8 =	sadd.s32 $0xFFFFE003, lr  }
0x1b: {  	s9 =	sadd.s32 $0xFFFFFEF7, lr;
	s5 =	simm.s32 $0xFFFFFFFF;
	p2 =	slt.u32 s8, $0xFFFFF086  }
0x1c: {  	p1 =	slt.u32 s9, $0xF7A;
	s5 =	simm.s32 @!p2 $0x0  }
0x1d: {  	s5 =	simm.s32 @p1 $0x1;
	p0 =	seq.s32 s7, s2  }
0x1e: {  	s7 =	smul.u32 @!p0 $0xF7A, s2;
	p2 =	seq.s32 @!p0 s5, $0x0  }
0x1f: {  	s9 =	smul.u32 $0xF7A, s1;
	s8 =	simm.s32 @!p0 $0x1BF5;
	p2 =	por !p2, p0  }
0x20: {  	[sflag:s8] =	ssyncset.s32 @!p0 $0xFFFFF086;
	s6 =	sadd.s32 @!p0 s3, s7;
	s7 =	simm.s32 @!p0 $0x108  }
0x21: {  	s3 =	sadd.s32 s3, s9;
	s6 =	sadd.s32 @!p0 $0x88, s6;
	s7 =	simm.s32 @p2 $0x1082  }
0x22: {  	[simem:s7], [sflag:s8] =	dma.local @!p0 [hbm:s6], $0xF7A  }
0x23: {  	s9 =	sor.u32 $0xD0000000, s2;
	s6 =	simm.s32 $0x108;
	_ =	swait.ge @!p0 [sflag:s8], $0x0  }
0x24: {  	s3 =	sadd.s32 $0x88, s3;
	s6 =	simm.s32 @!p1 $0x1082;
	[sflag:s4] =	ssyncset.s32 $0xFFFFF086  }
0x25: {  	[simem:s6], [sflag:s4] =	dma.local [hbm:s3], $0xF7A  }
0x26: {  	[smem:$0x3F91] =	sst s1;
	(tag) =	ssettag s2;
	_ =	strace s9  }
0x27: {  	s1 =	sld [smem:$0x3FA1]  }
0x28: {  	s2 =	sld [smem:$0x3FA2]  }
0x29: {  	s4 =	sld [smem:$0x3FA4]  }
0x2a: {  	p0 =	seq.s32 s5, $0x0;
	s5 =	sld [smem:$0x3FA5]  }
0x2b: {  	s6 =	sld [smem:$0x3FA6]  }
0x2c: {  	s7 =	sld [smem:$0x3FA7]  }
0x2d: {  	s3 =	simm.s32 $0x108;
	s8 =	sld [smem:$0x3FA8]  }
0x2e: {  	s3 =	simm.s32 @!p0 $0x1082;
	s9 =	sld [smem:$0x3FA9]  }
0x2f: {  	lr =	sadd.s32 s0, s3;
	s0 =	sld [smem:$0x3FA0]  }
0x30: {  	s3 =	sld [smem:$0x3FA3]  }
0x31: {  	[smem:$0x3FAC] =	sst s10  }
0x32: {  	s10 =	sld [smem:$0x3FAA];
	_ =	sdelay $0x3  }
0x33: {  	p0 =	seq.s32 s10, $0x1;
	s10 =	sld [smem:$0x3FAC];
	_ =	sdelay $0x3  }
0x34: {  	[smem:$0x3FAC] =	sst s10  }
0x35: {  	s10 =	sld [smem:$0x3FAB];
	_ =	sdelay $0x3  }
0x36: {  	p1 =	seq.s32 s10, $0x1;
	s10 =	sld [smem:$0x3FAC];
	_ =	sdelay $0x3  }
0x37: {  	[smem:$0x3FAC] =	sst s10  }
0x38: {  	s10 =	sld [smem:$0x3FAD]  }
0x39: {  	_ = 	snop;
	(pc) =	sbr.ind lr, $3  }
0x3a: {  	_ = 	snop  }
0x3b: {  	_ = 	snop  }
0x3c: {  	p2 =	seq.s32 s10, $0x1;
	s10 =	sld [smem:$0x3FAC]  }
0x3d: {  	_ =	shalt  }
0x3e: {  	_ =	shalt  }
0x3f: {  	_ =	shalt  }
0x40: {  	_ =	shalt  }
0x41: {  	_ =	shalt  }
0x42: {  	_ =	shalt  }
0x43: {  	_ =	shalt  }
0x44: {  	_ =	shalt  }
0x45: {  	_ =	shalt  }
0x46: {  	_ =	shalt  }
0x47: {  	_ =	shalt  }
0x48: {  	_ =	shalt  }
0x49: {  	_ =	shalt  }
0x4a: {  	_ =	shalt  }
0x4b: {  	_ =	shalt  }
0x4c: {  	_ =	shalt  }
0x4d: {  	_ =	shalt  }
0x4e: {  	_ =	shalt  }
0x4f: {  	_ =	shalt  }
0x50: {  	_ =	shalt  }
0x51: {  	_ =	shalt  }
0x52: {  	_ =	shalt  }
0x53: {  	_ =	shalt  }
0x54: {  	_ =	shalt  }
0x55: {  	_ =	shalt  }
0x56: {  	_ =	shalt  }
0x57: {  	_ =	shalt  }
0x58: {  	_ =	shalt  }
0x59: {  	_ =	shalt  }
0x5a: {  	_ =	shalt  }
0x5b: {  	_ =	shalt  }
0x5c: {  	_ =	shalt  }
0x5d: {  	_ =	shalt  }
0x5e: {  	_ =	shalt  }
0x5f: {  	_ =	shalt  }
0x60: {  	_ =	shalt  }
0x61: {  	_ =	shalt  }
0x62: {  	_ =	shalt  }
0x63: {  	_ =	shalt  }
0x64: {  	_ =	shalt  }
0x65: {  	_ =	shalt  }
0x66: {  	_ =	shalt  }
0x67: {  	_ =	shalt  }
0x68: {  	_ =	shalt  }
0x69: {  	_ =	shalt  }
0x6a: {  	_ =	shalt  }
0x6b: {  	_ =	shalt  }
0x6c: {  	_ =	shalt  }
0x6d: {  	_ =	shalt  }
0x6e: {  	_ =	shalt  }
0x6f: {  	_ =	shalt  }
0x70: {  	_ =	shalt  }
0x71: {  	_ =	shalt  }
0x72: {  	_ =	shalt  }
0x73: {  	_ =	shalt  }
0x74: {  	_ =	shalt  }
0x75: {  	_ =	shalt  }
0x76: {  	_ =	shalt  }
0x77: {  	_ =	shalt  }
0x78: {  	_ =	shalt  }
0x79: {  	_ =	shalt  }
0x7a: {  	_ =	shalt  }
0x7b: {  	_ =	shalt  }
0x7c: {  	_ =	shalt  }
0x7d: {  	_ =	shalt  }
0x7e: {  	_ =	shalt  }
0x7f: {  	_ =	shalt  }
0x80: {  	_ =	shalt  }
0x81: {  	_ =	shalt  }
0x82: {  	_ =	shalt  }
0x83: {  	_ =	shalt  }
0x84: {  	_ =	shalt  }
0x85: {  	_ =	shalt  }
0x86: {  	_ =	shalt  }
0x87: {  	_ =	shalt  }
.Lfunc_end0:
.L_simem_size_0:
called_computation.1_lowered:
.L_overlay_start_0:
0x88: {  	s2 =	sld [smem:$0x3FD9]  }
0x89: {  	s3 =	sld [smem:$0x3FFE];
	_ =	sdelay $0x1  }
0x8a: {  	s1 =	srdreg.scid  }
0x8b: {  	s0 =	sand.u32 $0x1, s1  }
0x8c: {  	s16 =	sshll.u32 s0, $0xA;
	s2 =	sadd.s32 s3, s2  }
0x8d: {  	s2 =	sadd.s32 s2, s16  }
0x8e: {  	[smem:$0x3FB8] =	sst s2  }
0x8f: {  	_ = 	snop  }
0x90: {  	(tm) =	ssettm $0x1  }
0x91: {  	s17 =	sld [smem:$0x3FFB];
	_ =	sdelay $0x3  }
0x92: {  	_ =	strace s17  }
0x93: {  	s2 =	sld [smem:$0x3FFC];
	_ =	sdelay $0x3  }
0x94: {  	_ =	strace s2  }
0x95: {  	s2 =	sld [smem:$0x3FFD];
	_ =	sdelay $0x3  }
0x96: {  	_ =	strace s2  }
0x97: {  	_ =	strace $0x8FFFFFFF  }
0x98: {  	s18 =	sld [smem:$0x3FDB];
	_ =	sdelay $0x1  }
0x99: {  	s19 =	simm.s32 $_scs_section_size  }
0x9a: {  	s4 =	simm.s32 $_size__tile_overlayer_lowered;
	s5 =	simm.s32 $_tile_overlayer_lowered  }
0x9b: {  	s22 =	simm.s32 $0x1BFF;
	s21 =	sshll.u32 s5, $0x1;
	s2 =	sadd.s32 s19, s18  }
0x9c: {  	s6 =	simm.s32 $0x0;
	s20 =	sshll.u32 s4, $0x1;
	s4 =	sadd.s32 s21, s2  }
0x9d: {  	[timem:s6], [sflag:s22] =	dma.local [hbm:s4], s20  }
0x9e: {  	_ =	swait.ge [sflag:s22], s20  }
0x9f: {  	s3 =	ssub.s32 $0x0, s20;
	[sflag:s22] =	ssyncset.done $0x0  }
0xa0: {  	[sflag:s22] =	ssyncadd.s32 s3;
	_ =	sdelay $0x1  }
0xa1: {  	s23 =	simm.s32 $0x1B8B  }
0xa2: {  	_ =	swait.ge [sflag:s23], $0x1  }
0xa3: {  	[sflag:s23] =	ssyncset.done $0x0  }
0xa4: {  	s25 =	simm.s32 $0x1B8E;
	s24 =	sld [smem:$0x3FFE];
	[sflag:s23] =	ssyncadd.s32 $0xFFFFFFFF  }
0xa5: {  	s26 =	simm.s32 $execute0_lowered;
	[smem:$0x3FD2] =	sst s25  }
0xa6: {  	s4 =	sshll.u32 s26, $0x1;
	_ =	strace $0x80000049;
	[dreg:$0x1] =	wrdreg $0xFFFFFFFF  }
0xa7: {  	s28 =	simm.s32 $_size_execute0_lowered;
	s2 =	sadd.s32 s2, s4;
	[dreg:$0x0] =	wrdreg $0x0  }
0xa8: {  	s4 =	sshll.u32 s28, $0x1;
	[dreg:$0x2] =	wrdreg s2  }
0xa9: {  	[dreg:$0x3] =	wrdreg s4  }
0xaa: {  	[dreg:$0x4] =	wrdreg $0xC0  }
0xab: {  	_ =	task [dreg:s6], $0x5FFFF  }
0xac: {  	[dreg:$0x1] =	wrdreg $0xFFFFFFFF  }
0xad: {  	[dreg:$0x0] =	wrdreg $0x60  }
0xae: {  	[dreg:$0x2] =	wrdreg s24  }
0xaf: {  	[dreg:$0x3] =	wrdreg $0xA8000  }
0xb0: {  	[dreg:$0x4] =	wrdreg $0x148000  }
0xb1: {  	[dreg:$0x5] =	wrdreg $0x9  }
0xb2: {  	_ =	task.clear_ibuf [dreg:s6], $0x6FFFF;
	_ =	strace $0x90000049  }
0xb3: {  	s29 =	simm.s32 $0x9;
	_ =	strace $0x8000004B  }
0xb4: {  	_ =	swait.ge [sflag:s29], $0x1  }
0xb5: {  	[sflag:s29] =	ssyncadd.s32 $0xFFFFFFFF  }
0xb6: {  	_ =	strace $0x9000004B  }
0xb7: {  	_ =	sfence  }
0xb8: {  	s30 =	sld [smem:$0x0];
	_ =	sdelay $0x2  }
0xb9: {  	s31 =	sshll.u32 s1, $0xD;
	s1 =	sshrl.u32 s1, $0x2  }
0xba: {  	s3 =	sand.u32 $0x4000, s31;
	s1 =	sadd.s32 s1, s30  }
0xbb: {  	s0 =	sor.u32 s3, s0;
	s1 =	sshll.u32 s1, $0x11  }
0xbc: {  	s0 =	sor.u32 s1, s0  }
0xbd: {  	s0 =	sadd.s32 $0x8F2B, s0  }
0xbe: {  	[sflag:s0] =	ssyncadd.remote.s32 $0x1  }
0xbf: {  	_ =	sfence.sel $0xFFFF  }
0xc0: {  	[dreg:$0x0] =	wrdreg $0xFFFFFFFF;
	(pc) =	sbr.abs _section_cstart, $3  }
0xc1: {  	[dreg:$0x1] =	wrdreg $0xFFFFFFFF  }
0xc2: {  	_ =	task.clear_ibuf [dreg:s6], $0x2FFFF;
	_ =	strace $0x9FFFFFFF  }
0xc3: {  	(tm) =	ssettm $0x7FFFFFFF  }
tec
execute0_lowered:
.L_overlay_start_1:
0x0: {  	(tag) =	ssettag $0x1  }
0x1: {  	s0 =	rddreg [dreg:$0x0]  }
0x2: {  	s1 =	rddreg [dreg:$0x1]  }
0x3: {  	s3 =	rddreg [dreg:$0x2]  }
0x4: {  	s4 =	simm.s32 $0x0;
	s2 =	srdreg.scid;
	s12 =	stileid.u32  }
0x5: {  	s31 =	simm.s32 $0x1;
	s28 =	simm.s32 $0x80;
	s6 =	smul.u32 $0x14000, s12  }
0x6: {  	s30 =	simm.s32 $0x2;
	s29 =	simm.s32 $0x3;
	s8 =	smul.u32 $0x9E00, s12  }
0x7: {  	[smem:$0x7FF] =	sst s4;
	s2 =	sand.u32 $0x1, s2;
	s20 =	smul.u32 $0xA000, s12  }
0x8: {  	s9 =	sadd.s32 $0x4000, s0;
	s5 =	sadd.s32 $0x3FC00, s0;
	s23 =	smul.u32 $0x28000, s12  }
0x9: {  	s11 =	sshll.u32 s12, $0x6;
	s17 =	smul.u32 $0x13C0, s12;
	s7 =	sshll.u32 s2, $0x6  }
0xa: {  	_ =	strace $0x8000004A;
	s2 =	ssub.s32 $0x2, s2;
	s6 =	sor.u32 s7, s6  }
0xb: {  	s14 =	sor.u32 $0x1C13, s11;
	s18 =	sshrl.u32 s8, $0x3;
	s6 =	sshrl.u32 s6, $0x3  }
0xc: {  	s11 =	simm.s32 $0x0;
	s0 =	sadd.s32 s6, s0;
	s6 =	sadd.s32 s9, s18  }
0xd: {  	s19 =	sshrl.u32 s2, $0x1;
	s26 =	sadd.s32 s20, s1;
	s7 =	sadd.s32 $0x20, s6  }
0xe: {  	s8 =	sshrl.u32 s23, $0x2;
	s21 =	sadd.s32 $0x40, s6;
	[dreg:$0x4] =	wrdreg s7  }
0xf: {  	s2 =	ssub.s32 s2, s19;
	s22 =	sadd.s32 $0x60, s6;
	[dreg:$0x5] =	wrdreg s21  }
0x10: {  	s8 =	sadd.s32 s8, s3;
	s10 =	sadd.s32 $0x80, s6;
	[dreg:$0x6] =	wrdreg s22  }
0x11: {  	s15 =	sadd.s32 $0x2000, s8;
	s24 =	sadd.s32 $0xA0, s6;
	[dreg:$0x7] =	wrdreg s10  }
0x12: {  	s18 =	sadd.s32 $0x4000, s8;
	s25 =	sadd.s32 $0xC0, s6;
	[dreg:$0x8] =	wrdreg s24  }
0x13: {  	s19 =	sadd.s32 $0x6000, s8;
	s13 =	sadd.s32 $0x17C00, s0;
	[dreg:$0x9] =	wrdreg s25  }
0x14: {  	s8 =	sadd.s32 $0x8000, s8;
	s0 =	sadd.s32 $0x40000, s0;
	[dreg:$0xa] =	wrdreg s13  }
0x15: {  	s23 =	sshrl.u32 s15, $0x3;
	s7 =	sadd.s32 s20, s3;
	[dreg:$0xc] =	wrdreg s0  }
0x16: {  	s20 =	smax.u32 s2, $0x1;
	s21 =	sadd.s32 s17, s9;
	[dreg:$0xf] =	wrdreg s23  }
0x17: {  	s22 =	sshrl.u32 s26, $0x3;
	s24 =	sshrl.u32 s18, $0x3;
	[dreg:$0xb] =	wrdreg s7  }
0x18: {  	s25 =	sshrl.u32 s19, $0x3;
	s26 =	sshrl.u32 s8, $0x3;
	[dreg:$0xd] =	wrdreg s20  }
0x19: {  	s17 =	simm.s32 $0x8;
	s2 =	simm.s32 $0x10;
	[dreg:$0xe] =	wrdreg s22  }
0x1a: {  	s8 =	simm.s32 $0x12;
	s9 =	simm.s32 $0xE;
	[dreg:$0x10] =	wrdreg s24  }
0x1b: {  	s10 =	simm.s32 $0xF;
	s16 =	sadd.s32 $0xC0, s21;
	[dreg:$0x11] =	wrdreg s25  }
0x1c: {  	[dreg:$0x12] =	wrdreg s26;
	s26 =	simm.s32 $0x13;
	s7 =	simm.s32 $0x11  }
.LBB2_1:
0x1d: {  	[tilespmem:s4], [sflag:$0x1] =	stream.linear.gather [hbm4b:s6+s4], $0x100, $0x38;
	[tilespmem:$0x1E800] =	vst v63  }
0x1e: {  	s0 =	rddreg [dreg:$0x4]  }
0x1f: {  	s20 =	rddreg [dreg:$0x5]  }
0x20: {  	s13 =	simm.s32 $0x100;
	s21 =	rddreg [dreg:$0x6]  }
0x21: {  	[tilespmem:s13], [sflag:$0x2] =	stream.linear.gather [hbm4b:s0+s4], $0x100, $0x38;
	[tilespmem:$0x1E800] =	vst v63  }
0x22: {  	s15 =	simm.s32 $0x200;
	s22 =	rddreg [dreg:$0x7]  }
0x23: {  	[tilespmem:s15], [sflag:$0x3] =	stream.linear.gather [hbm4b:s20+s4], $0x100, $0x38;
	[tilespmem:$0x1E800] =	vst v63  }
0x24: {  	s12 =	simm.s32 $0x300;
	s24 =	rddreg [dreg:$0x8]  }
0x25: {  	[tilespmem:s12], [sflag:$0x4] =	stream.linear.gather [hbm4b:s21+s4], $0x100, $0x38;
	[tilespmem:$0x1E800] =	vst v63  }
0x26: {  	s23 =	simm.s32 $0x400;
	s19 =	rddreg [dreg:$0xa]  }
0x27: {  	[tilespmem:s23], [sflag:$0x5] =	stream.linear.gather [hbm4b:s22+s4], $0x100, $0x38;
	[tilespmem:$0x1E800] =	vst v63  }
0x28: {  	s25 =	simm.s32 $0x500;
	s20 =	rddreg [dreg:$0xe]  }
0x29: {  	[tilespmem:s25], [sflag:$0x6] =	stream.linear.gather [hbm4b:s24+s4], $0x100, $0x38;
	[tilespmem:$0x1E800] =	vst v63  }
0x2a: {  	s18 =	simm.s32 $0x600;
	s12 =	rddreg [dreg:$0x9]  }
0x2b: {  	[tilespmem:s18], [sflag:$0x7] =	stream.linear.gather [hbm4b:s12+s4], $0x100, $0x38;
	[tilespmem:$0x1E800] =	vst v63  }
0x2c: {  	[spmem:s20@s17], [sflag:s14] =	dma.strided [hbm:s19@s2], $0x1400, s31, $0x8   }
0x2d: {  	_ =	swait.ge [sflag:s26], $0x1400  }
0x2e: {  	[sflag:s26] =	ssyncset.done $0x0;
	s21 =	rddreg [dreg:$0xb]  }
0x2f: {  	[sflag:s26] =	ssyncadd.s32 $0xFFFFEC00;
	s12 =	sshrl.u32 s21, $0x3  }
0x30: {  	[spmem:s12], [sflag:s14] =	dma.local [hbm:s5], $0x400  }
0x31: {  	_ =	swait.ge [sflag:s26], $0x400  }
0x32: {  	[sflag:s26] =	ssyncset.done $0x0  }
0x33: {  	s22 =	rddreg [dreg:$0xf];
	[sflag:s26] =	ssyncadd.s32 $0xFFFFFC00  }
0x34: {  	[spmem:s22], [sflag:s14] =	dma.local [hbm:s5], $0x400  }
0x35: {  	_ =	swait.ge [sflag:s26], $0x400  }
0x36: {  	[sflag:s26] =	ssyncset.done $0x0  }
0x37: {  	s23 =	rddreg [dreg:$0x10];
	[sflag:s26] =	ssyncadd.s32 $0xFFFFFC00  }
0x38: {  	[spmem:s23], [sflag:s14] =	dma.local [hbm:s5], $0x400  }
0x39: {  	_ =	swait.ge [sflag:s26], $0x400  }
0x3a: {  	[sflag:s26] =	ssyncset.done $0x0  }
0x3b: {  	s24 =	rddreg [dreg:$0x11];
	[sflag:s26] =	ssyncadd.s32 $0xFFFFFC00  }
0x3c: {  	[spmem:s24], [sflag:s14] =	dma.local [hbm:s5], $0x400  }
0x3d: {  	_ =	swait.ge [sflag:s26], $0x400  }
0x3e: {  	[sflag:s26] =	ssyncset.done $0x0  }
0x3f: {  	s25 =	rddreg [dreg:$0x12];
	[sflag:s26] =	ssyncadd.s32 $0xFFFFFC00  }
0x40: {  	[spmem:s25], [sflag:s14] =	dma.local [hbm:s5], $0x400  }
0x41: {  	_ =	swait.ge [sflag:s26], $0x400  }
0x42: {  	[sflag:s26] =	ssyncset.done $0x0  }
0x43: {  	[sflag:s26] =	ssyncadd.s32 $0xFFFFFC00  }
0x44: {  	[bflag:$0x0] =	sbarrier.arrive $0xFFFF  }
0x45: {  	_ =	swait.ge [sflag:s31], $0x100  }
0x46: {  	[sflag:s31] =	ssyncset.done $0x0  }
0x47: {  	s17 =	simm.s32 $0x800;
	[sflag:s31] =	ssyncadd.s32 $0xFFFFFF00  }
0x48: {  	[tilespmem:s17], [sflag:$0x9] =	stream.indirect.gather [spmem:s1], $0x40, s4, s28, $0xb8;
	[tilespmem:$0x1E800] =	vst v63  }
0x49: {  	_ =	swait.ge [sflag:s30], $0x100  }
0x4a: {  	[sflag:s30] =	ssyncset.done $0x0  }
0x4b: {  	p0 =	por $0x0, $0x0;
	s18 =	simm.s32 $0x2800;
	[sflag:s30] =	ssyncadd.s32 $0xFFFFFF00  }
0x4c: {  	[tilespmem:s18], [sflag:$0xA] =	stream.indirect.gather [spmem:s1], $0x40, s13, s28, $0xb8;
	[tilespmem:$0x1E800] =	vst v63  }
0x4d: {  	p1 =	por @!p0 $0x1, $0x1;
	_ =	swait.ge [sflag:s29], $0x100  }
0x4e: {  	s19 =	simm.s32 $0x4800;
	s20 =	simm.s32 $0x3;
	[sflag:s29] =	ssyncset.done $0x0  }
0x4f: {  	s21 =	sand.u32 $0xFF, s20;
	s13 =	sand.u32 $0x7, s20;
	[sflag:s29] =	ssyncadd.s32 $0xFFFFFF00  }
0x50: {  	[tilespmem:s19], [sflag:$0xB] =	stream.indirect.gather [spmem:s1], $0x40, s15, s28, $0xb8;
	[tilespmem:$0x1E800] =	vst v63  }
0x51: {  	p2 =	por @!p0 $0x1, $0x1;
	s17 =	sadd.s32 @!p0 $0x1, s13;
	s15 =	smul.u32 $0xCD, s21  }
0x52: {  	p1 =	por p1, p0;
	s22 =	smul.u32 $0xCD, s4;
	_ =	swait.ge @!p0 [sflag:s17], $0x100  }
0x53: {  	p2 =	por p2, p0;
	s15 =	sshrl.u32 s15, $0xA;
	[sflag:s17] =	ssyncset.done @!p0 $0x0  }
0x54: {  	s15 =	smul.u32 $0x5, s15;
	[sflag:s17] =	ssyncadd.s32 @!p0 $0xFFFFFF00;
	s17 =	sshrl.u32 s22, $0xA  }
0x55: {  	s24 =	sand.u32 $0x700, s4;
	s18 =	simm.s32 @!p1 $0x6;
	s17 =	sand.u32 $0x3F, s17  }
0x56: {  	s13 =	sshll.u32 @!p0 s13, $0x8;
	s15 =	ssub.s32 $0x3, s15;
	s17 =	smul.u32 $0x5, s17  }
0x57: {  	s18 =	sand.u32 @!p1 $0x7, s18;
	s21 =	simm.s32 @!p0 $0x80;
	s15 =	sand.u32 $0xFF, s15  }
0x58: {  	s19 =	sadd.s32 @!p2 $0xE, s15;
	s20 =	sshll.u32 @!p0 s15, $0xD;
	s17 =	ssub.s32 $0x0, s17  }
0x59: {  	s15 =	sadd.s32 @!p0 $0x9, s15;
	_ =	swait.ge @!p2 [sflag:s19], $0x2000;
	s23 =	sand.u32 $0xFF, s17  }
0x5a: {  	[sflag:s19] =	ssyncset.done @!p2 $0x0;
	s25 =	sshll.u32 s23, $0xD;
	s17 =	sadd.s32 $0x9, s23  }
0x5b: {  	[sflag:s19] =	ssyncadd.s32 @!p2 $0xFFFFE000;
	s19 =	sor.u32 @!p0 $0x800, s20;
	s20 =	sor.u32 $0x800, s25  }
0x5c: {  	[tilespmem:s19], [sflag:s15] =	stream.indirect.gather @!p0 [spmem:s1], $0x40, s13, s21, $0xb8;
	[tilespmem:$0x1E800] =	vst v63  }
0x5d: {  	s15 =	sshll.u32 @!p1 s18, $0x8;
	s18 =	sadd.s32 @!p1 $0x1, s18;
	s19 =	simm.s32 @!p1 $0x0  }
0x5e: {  	[tilespmem:s15], [sflag:s18] =	stream.linear.gather @!p1 [hbm4b:s16+s19], $0x100, $0x38;
	[tilespmem:$0x1E800] =	vst v63  }
0x5f: {  	s13 =	simm.s32 $0x1;
	s21 =	sor.u32 $0x80, s24;
	s15 =	simm.s32 $0x100  }
0x60: {  	s19 =	sadd.s32 $0xE, s23;
	s18 =	smov.u32 s16;
	_ =	swait.ge [sflag:s17], $0x2000  }
.LBB2_2:
0x61: {  	[sflag:s17] =	ssyncset.done $0x0  }
0x62: {  	s18 =	sadd.s32 $0x20, s18;
	s22 =	smov.u32 s13;
	s13 =	sadd.s32 $0x1, s13  }
0x63: {  	s23 =	sadd.s32 $0x3, s22;
	p0 =	sne.s32 s13, $0x9E;
	[sflag:s17] =	ssyncadd.s32 $0xFFFFE000  }
0x64: {  	[spmem:s3] =	stream.indirect.scatter.add.f32 [tilespmem:s20], [sflag:s19], $0x40, s21, s28, $0xb8;
	[tilespmem:$0x1E800] =	vst v63  }
0x65: {  	p1 =	sgt.u32 s22, $0x9A;
	s17 =	sand.u32 $0x7, s23;
	s19 =	sand.u32 $0xFF, s23  }
0x66: {  	s21 =	sadd.s32 @!p1 $0xFFFFFFFF, s22;
	s19 =	smul.u32 $0xCD, s19;
	s20 =	sadd.s32 @!p1 $0x1, s17  }
0x67: {  	s17 =	sshll.u32 @!p1 s17, $0x8;
	p2 =	sgt.u32 @!p1 s21, $0x96;
	_ =	swait.ge @!p1 [sflag:s20], $0x100  }
0x68: {  	p2 =	por p2, p1;
	s19 =	sshrl.u32 s19, $0xA;
	[sflag:s20] =	ssyncset.done @!p1 $0x0  }
0x69: {  	s19 =	smul.u32 $0x5, s19;
	[sflag:s20] =	ssyncadd.s32 @!p1 $0xFFFFFF00;
	s20 =	sadd.s32 @!p2 $0x6, s22  }
0x6a: {  	s20 =	sand.u32 @!p2 $0x7, s20  }
0x6b: {  	p3 =	slt.u32 @!p1 s22, $0x2;
	s21 =	smul.u32 $0xCD, s22;
	s19 =	ssub.s32 s23, s19  }
0x6c: {  	p3 =	por p3, p1;
	s19 =	sand.u32 $0xFF, s19;
	s23 =	sshll.u32 @!p2 s20, $0x8  }
0x6d: {  	s21 =	sshrl.u32 s21, $0xA;
	s24 =	sadd.s32 @!p3 $0xE, s19;
	s25 =	sshll.u32 @!p1 s19, $0xD  }
0x6e: {  	s21 =	sand.u32 $0x3F, s21;
	s20 =	sadd.s32 @!p2 $0x1, s20;
	_ =	swait.ge @!p3 [sflag:s24], $0x2000  }
0x6f: {  	s0 =	simm.s32 @!p1 $0x80;
	s21 =	smul.u32 $0x5, s21;
	[sflag:s24] =	ssyncset.done @!p3 $0x0  }
0x70: {  	s19 =	sadd.s32 @!p1 $0x9, s19;
	[sflag:s24] =	ssyncadd.s32 @!p3 $0xFFFFE000;
	s24 =	sor.u32 @!p1 $0x800, s25  }
0x71: {  	[tilespmem:s24], [sflag:s19] =	stream.indirect.gather @!p1 [spmem:s1], $0x40, s17, s0, $0xb8;
	[tilespmem:$0x1E800] =	vst v63  }
.Ltmp0:
0x72: {  	s0 =	ssub.s32 s22, s21;
	s17 =	simm.s32 @!p2 $0x0;
	(pc) =	sbr.rel @p0 .LBB2_2-.Ltmp0, $4  }
0x73: {  	[tilespmem:s23], [sflag:s20] =	stream.linear.gather @!p2 [hbm4b:s18+s17], $0x100, $0x38;
	[tilespmem:$0x1E800] =	vst v63  }
0x74: {  	s21 =	sand.u32 $0x700, s15;
	s15 =	sadd.s32 $0x100, s15;
	s0 =	sand.u32 $0xFF, s0  }
0x75: {  	s20 =	sshll.u32 s0, $0xD;
	s17 =	sadd.s32 $0x9, s0;
	s19 =	sadd.s32 $0xE, s0  }
0x76: {  	s21 =	sor.u32 $0x80, s21;
	s20 =	sor.u32 $0x800, s20;
	_ =	swait.ge [sflag:s17], $0x2000  }
0x77: {  	[sflag:s17] =	ssyncset.done $0x0  }
0x78: {  	[sflag:s17] =	ssyncadd.s32 $0xFFFFE000  }
0x79: {  	[spmem:s3] =	stream.indirect.scatter.add.f32 [tilespmem:s20], [sflag:s19], $0x40, s21, s28, $0xb8;
	[tilespmem:$0x1E800] =	vst v63  }
0x7a: {  	_ =	swait.ge [sflag:s7], $0x2000  }
0x7b: {  	[sflag:s7] =	ssyncset.done $0x0  }
0x7c: {  	[sflag:s7] =	ssyncadd.s32 $0xFFFFE000  }
0x7d: {  	_ =	swait.ge [sflag:s8], $0x2000  }
0x7e: {  	[sflag:s8] =	ssyncset.done $0x0  }
0x7f: {  	[sflag:s8] =	ssyncadd.s32 $0xFFFFE000  }
0x80: {  	_ =	swait.ge [sflag:s9], $0x2000  }
0x81: {  	[sflag:s9] =	ssyncset.done $0x0  }
0x82: {  	[sflag:s9] =	ssyncadd.s32 $0xFFFFE000  }
0x83: {  	_ =	swait.ge [sflag:s10], $0x2000  }
0x84: {  	[sflag:s10] =	ssyncset.done $0x0  }
0x85: {  	[sflag:s10] =	ssyncadd.s32 $0xFFFFE000  }
0x86: {  	_ =	swait.ge [sflag:s2], $0x2000  }
0x87: {  	[sflag:s2] =	ssyncset.done $0x0  }
0x88: {  	[sflag:s2] =	ssyncadd.s32 $0xFFFFE000  }
0x89: {  	[bflag:$0x0] =	sbarrier.arrive $0xFFFF  }
0x8a: {  	s17 =	simm.s32 $0x8;
	s0 =	rddreg [dreg:$0xc]  }
0x8b: {  	[hbm:s0@s2], [sflag:s14] =	dma.strided [spmem:s12@s17], $0x1400, s31, $0x8   }
0x8c: {  	_ =	swait.ge [sflag:s26], $0x1400  }
0x8d: {  	s11 =	sadd.s32 $0x1, s11;
	s25 =	rddreg [dreg:$0xd]  }
0x8e: {  	p0 =	sne.s32 s11, s25  }
.Ltmp1:
0x8f: {  	_ = 	snop;
	(pc) =	sbr.rel @p0 .LBB2_1-.Ltmp1, $3  }
0x90: {  	_ =	sdelay $0x1  }
0x91: {  	[sflag:s26] =	ssyncset.done $0x0  }
0x92: {  	[sflag:s26] =	ssyncadd.s32 $0xFFFFEC00  }
0x93: {  	_ =	sfence.sel $0x180000  }
0x94: {  	[bflag:$0x0] =	sbarrier.arrive $0xFFFF  }
0x95: {  	_ =	strace $0x9000004A  }
0x96: {  	s0 =	stileid.u32;
	[bflag:$0x2] =	sbarrier.arrive $0xFFFF  }
0x97: {  	p0 =	sne.s32 s0, $0x0;
	s0 =	rddreg [dreg:$0x3]  }
0x98: {  	s0 =	sadd.s32 @!p0 $0x100000, s0  }
0x99: {  	[sflag:s0] =	ssyncadd.tile.s32 @!p0 $0x1;
	_ =	shalt  }
.Lfunc_end2:
_tile_overlayer_lowered:
.L_overlay_start_2:
0x9a: {  	(tag) =	ssettag $0x2  }
0x9b: {  	s0 =	rddreg [dreg:$0x0];
	s2 =	stileid.u32  }
0x9c: {  	s1 =	rddreg [dreg:$0x1];
	p0 =	sne.s32 s2, $0x0  }
0x9d: {  	s3 =	rddreg [dreg:$0x2];
	[bflag:$0x3] =	sbarrier.arrive $0xFFFF;
	s2 =	simm.s32 @!p0 $0x1C13  }
0x9e: {  	[timem:s3], [sflag:s2] =	dma.local @!p0 [hbm:s0], s1  }
0x9f: {  	s0 =	simm.s32 @!p0 $0x13  }
0xa0: {  	_ =	swait.ge @!p0 [sflag:s0], s1  }
0xa1: {  	s1 =	ssub.s32 @!p0 $0x0, s1;
	[sflag:s0] =	ssyncset.done @!p0 $0x0  }
0xa2: {  	[sflag:s0] =	ssyncadd.s32 @!p0 s1  }
0xa3: {  	[bflag:$0x3] =	sbarrier.arrive $0xFFFF  }
0xa4: {  	_ =	shalt  }

// kernel: kernel.15.cloned.1.call-start
scs
__scs_entry_jumppad:
0x0: {  	(pc) =	sbr.rel $0x88, $3  }
0x1: {  	(tag) =	ssettag $0x0;
	lr =	simm.s32 $0x1  }
0x2: {  	[smem:$0x3F91] =	sst lr;
	_ =	strace $0xD0000000  }
0x3: {  	_ = 	snop  }
0x4: {  	_ = 	snop  }
0x5: {  	_ = 	snop  }
0x6: {  	_ = 	snop  }
0x7: {  	_ = 	snop  }
__scs_overlays_trampoline_lowered:
0x8: {  	[smem:$0x3FA0] =	sst s0  }
0x9: {  	[smem:$0x3FA1] =	sst s1  }
0xa: {  	[smem:$0x3FA2] =	sst s2  }
0xb: {  	[smem:$0x3FA3] =	sst s3  }
0xc: {  	[smem:$0x3FA4] =	sst s4  }
0xd: {  	[smem:$0x3FA5] =	sst s5  }
0xe: {  	[smem:$0x3FA6] =	sst s6  }
0xf: {  	[smem:$0x3FA7] =	sst s7  }
0x10: {  	[smem:$0x3FA8] =	sst s8  }
0x11: {  	[smem:$0x3FA9] =	sst s9;
	s0 =	simm.s32 @!p0 $0x0  }
0x12: {  	s1 =	sld [smem:$0x3F8F];
	s0 =	simm.s32 @p0 $0x1  }
0x13: {  	[smem:$0x3FAA] =	sst s0;
	s0 =	simm.s32 @!p1 $0x0  }
0x14: {  	s2 =	sld [smem:$0x3F8E];
	s0 =	simm.s32 @p1 $0x1  }
0x15: {  	[smem:$0x3FAB] =	sst s0;
	s0 =	simm.s32 @!p2 $0x0  }
0x16: {  	s3 =	sld [smem:$0x3FDB];
	s0 =	simm.s32 @p2 $0x1  }
0x17: {  	s4 =	simm.s32 $0x1BF5;
	[smem:$0x3FAD] =	sst s0  }
0x18: {  	s0 =	sld [smem:$0x3F90];
	_ =	swait.ge [sflag:s4], $0x0  }
0x19: {  	s7 =	sld [smem:$0x3F91]  }
0x1a: {  	s8 =	sadd.s32 $0xFFFFE003, lr  }
0x1b: {  	s9 =	sadd.s32 $0xFFFFFEF7, lr;
	s5 =	simm.s32 $0xFFFFFFFF;
	p2 =	slt.u32 s8, $0xFFFFF086  }
0x1c: {  	p1 =	slt.u32 s9, $0xF7A;
	s5 =	simm.s32 @!p2 $0x0  }
0x1d: {  	s5 =	simm.s32 @p1 $0x1;
	p0 =	seq.s32 s7, s2  }
0x1e: {  	s7 =	smul.u32 @!p0 $0xF7A, s2;
	p2 =	seq.s32 @!p0 s5, $0x0  }
0x1f: {  	s9 =	smul.u32 $0xF7A, s1;
	s8 =	simm.s32 @!p0 $0x1BF5;
	p2 =	por !p2, p0  }
0x20: {  	[sflag:s8] =	ssyncset.s32 @!p0 $0xFFFFF086;
	s6 =	sadd.s32 @!p0 s3, s7;
	s7 =	simm.s32 @!p0 $0x108  }
0x21: {  	s3 =	sadd.s32 s3, s9;
	s6 =	sadd.s32 @!p0 $0x88, s6;
	s7 =	simm.s32 @p2 $0x1082  }
0x22: {  	[simem:s7], [sflag:s8] =	dma.local @!p0 [hbm:s6], $0xF7A  }
0x23: {  	s9 =	sor.u32 $0xD0000000, s2;
	s6 =	simm.s32 $0x108;
	_ =	swait.ge @!p0 [sflag:s8], $0x0  }
0x24: {  	s3 =	sadd.s32 $0x88, s3;
	s6 =	simm.s32 @!p1 $0x1082;
	[sflag:s4] =	ssyncset.s32 $0xFFFFF086  }
0x25: {  	[simem:s6], [sflag:s4] =	dma.local [hbm:s3], $0xF7A  }
0x26: {  	[smem:$0x3F91] =	sst s1;
	(tag) =	ssettag s2;
	_ =	strace s9  }
0x27: {  	s1 =	sld [smem:$0x3FA1]  }
0x28: {  	s2 =	sld [smem:$0x3FA2]  }
0x29: {  	s4 =	sld [smem:$0x3FA4]  }
0x2a: {  	p0 =	seq.s32 s5, $0x0;
	s5 =	sld [smem:$0x3FA5]  }
0x2b: {  	s6 =	sld [smem:$0x3FA6]  }
0x2c: {  	s7 =	sld [smem:$0x3FA7]  }
0x2d: {  	s3 =	simm.s32 $0x108;
	s8 =	sld [smem:$0x3FA8]  }
0x2e: {  	s3 =	simm.s32 @!p0 $0x1082;
	s9 =	sld [smem:$0x3FA9]  }
0x2f: {  	lr =	sadd.s32 s0, s3;
	s0 =	sld [smem:$0x3FA0]  }
0x30: {  	s3 =	sld [smem:$0x3FA3]  }
0x31: {  	[smem:$0x3FAC] =	sst s10  }
0x32: {  	s10 =	sld [smem:$0x3FAA];
	_ =	sdelay $0x3  }
0x33: {  	p0 =	seq.s32 s10, $0x1;
	s10 =	sld [smem:$0x3FAC];
	_ =	sdelay $0x3  }
0x34: {  	[smem:$0x3FAC] =	sst s10  }
0x35: {  	s10 =	sld [smem:$0x3FAB];
	_ =	sdelay $0x3  }
0x36: {  	p1 =	seq.s32 s10, $0x1;
	s10 =	sld [smem:$0x3FAC];
	_ =	sdelay $0x3  }
0x37: {  	[smem:$0x3FAC] =	sst s10  }
0x38: {  	s10 =	sld [smem:$0x3FAD]  }
0x39: {  	_ = 	snop;
	(pc) =	sbr.ind lr, $3  }
0x3a: {  	_ = 	snop  }
0x3b: {  	_ = 	snop  }
0x3c: {  	p2 =	seq.s32 s10, $0x1;
	s10 =	sld [smem:$0x3FAC]  }
0x3d: {  	_ =	shalt  }
0x3e: {  	_ =	shalt  }
0x3f: {  	_ =	shalt  }
0x40: {  	_ =	shalt  }
0x41: {  	_ =	shalt  }
0x42: {  	_ =	shalt  }
0x43: {  	_ =	shalt  }
0x44: {  	_ =	shalt  }
0x45: {  	_ =	shalt  }
0x46: {  	_ =	shalt  }
0x47: {  	_ =	shalt  }
0x48: {  	_ =	shalt  }
0x49: {  	_ =	shalt  }
0x4a: {  	_ =	shalt  }
0x4b: {  	_ =	shalt  }
0x4c: {  	_ =	shalt  }
0x4d: {  	_ =	shalt  }
0x4e: {  	_ =	shalt  }
0x4f: {  	_ =	shalt  }
0x50: {  	_ =	shalt  }
0x51: {  	_ =	shalt  }
0x52: {  	_ =	shalt  }
0x53: {  	_ =	shalt  }
0x54: {  	_ =	shalt  }
0x55: {  	_ =	shalt  }
0x56: {  	_ =	shalt  }
0x57: {  	_ =	shalt  }
0x58: {  	_ =	shalt  }
0x59: {  	_ =	shalt  }
0x5a: {  	_ =	shalt  }
0x5b: {  	_ =	shalt  }
0x5c: {  	_ =	shalt  }
0x5d: {  	_ =	shalt  }
0x5e: {  	_ =	shalt  }
0x5f: {  	_ =	shalt  }
0x60: {  	_ =	shalt  }
0x61: {  	_ =	shalt  }
0x62: {  	_ =	shalt  }
0x63: {  	_ =	shalt  }
0x64: {  	_ =	shalt  }
0x65: {  	_ =	shalt  }
0x66: {  	_ =	shalt  }
0x67: {  	_ =	shalt  }
0x68: {  	_ =	shalt  }
0x69: {  	_ =	shalt  }
0x6a: {  	_ =	shalt  }
0x6b: {  	_ =	shalt  }
0x6c: {  	_ =	shalt  }
0x6d: {  	_ =	shalt  }
0x6e: {  	_ =	shalt  }
0x6f: {  	_ =	shalt  }
0x70: {  	_ =	shalt  }
0x71: {  	_ =	shalt  }
0x72: {  	_ =	shalt  }
0x73: {  	_ =	shalt  }
0x74: {  	_ =	shalt  }
0x75: {  	_ =	shalt  }
0x76: {  	_ =	shalt  }
0x77: {  	_ =	shalt  }
0x78: {  	_ =	shalt  }
0x79: {  	_ =	shalt  }
0x7a: {  	_ =	shalt  }
0x7b: {  	_ =	shalt  }
0x7c: {  	_ =	shalt  }
0x7d: {  	_ =	shalt  }
0x7e: {  	_ =	shalt  }
0x7f: {  	_ =	shalt  }
0x80: {  	_ =	shalt  }
0x81: {  	_ =	shalt  }
0x82: {  	_ =	shalt  }
0x83: {  	_ =	shalt  }
0x84: {  	_ =	shalt  }
0x85: {  	_ =	shalt  }
0x86: {  	_ =	shalt  }
0x87: {  	_ =	shalt  }
.Lfunc_end0:
.L_simem_size_0:
called_computation.2_lowered:
.L_overlay_start_0:
0x88: {  	s2 =	sld [smem:$0x3FD9]  }
0x89: {  	s3 =	sld [smem:$0x3FFE];
	_ =	sdelay $0x1  }
0x8a: {  	s1 =	srdreg.scid  }
0x8b: {  	s0 =	sand.u32 $0x1, s1  }
0x8c: {  	s16 =	sshll.u32 s0, $0xA;
	s2 =	sadd.s32 s3, s2  }
0x8d: {  	s2 =	sadd.s32 s2, s16  }
0x8e: {  	[smem:$0x3FB8] =	sst s2  }
0x8f: {  	_ = 	snop  }
0x90: {  	(tm) =	ssettm $0x1  }
0x91: {  	s17 =	sld [smem:$0x3FFB];
	_ =	sdelay $0x3  }
0x92: {  	_ =	strace s17  }
0x93: {  	s2 =	sld [smem:$0x3FFC];
	_ =	sdelay $0x3  }
0x94: {  	_ =	strace s2  }
0x95: {  	s2 =	sld [smem:$0x3FFD];
	_ =	sdelay $0x3  }
0x96: {  	_ =	strace s2  }
0x97: {  	_ =	strace $0x8FFFFFFF  }
0x98: {  	s18 =	sld [smem:$0x3FDB];
	_ =	sdelay $0x1  }
0x99: {  	s19 =	simm.s32 $_scs_section_size  }
0x9a: {  	s4 =	simm.s32 $_size__tile_overlayer_lowered;
	s5 =	simm.s32 $_tile_overlayer_lowered  }
0x9b: {  	s22 =	simm.s32 $0x1BFF;
	s21 =	sshll.u32 s5, $0x1;
	s2 =	sadd.s32 s19, s18  }
0x9c: {  	s6 =	simm.s32 $0x0;
	s20 =	sshll.u32 s4, $0x1;
	s4 =	sadd.s32 s21, s2  }
0x9d: {  	[timem:s6], [sflag:s22] =	dma.local [hbm:s4], s20  }
0x9e: {  	_ =	swait.ge [sflag:s22], s20  }
0x9f: {  	s3 =	ssub.s32 $0x0, s20;
	[sflag:s22] =	ssyncset.done $0x0  }
0xa0: {  	[sflag:s22] =	ssyncadd.s32 s3;
	_ =	sdelay $0x1  }
0xa1: {  	s23 =	simm.s32 $0x1B8B  }
0xa2: {  	_ =	swait.ge [sflag:s23], $0x1  }
0xa3: {  	[sflag:s23] =	ssyncset.done $0x0  }
0xa4: {  	s25 =	simm.s32 $0x1B8E;
	s24 =	sld [smem:$0x3FFE];
	[sflag:s23] =	ssyncadd.s32 $0xFFFFFFFF  }
0xa5: {  	s26 =	simm.s32 $execute0_lowered;
	[smem:$0x3FD2] =	sst s25  }
0xa6: {  	s4 =	sshll.u32 s26, $0x1;
	_ =	strace $0x8000004C;
	[dreg:$0x1] =	wrdreg $0xFFFFFFFF  }
0xa7: {  	s28 =	simm.s32 $_size_execute0_lowered;
	s2 =	sadd.s32 s2, s4;
	[dreg:$0x0] =	wrdreg $0x0  }
0xa8: {  	s4 =	sshll.u32 s28, $0x1;
	[dreg:$0x2] =	wrdreg s2  }
0xa9: {  	[dreg:$0x3] =	wrdreg s4  }
0xaa: {  	[dreg:$0x4] =	wrdreg $0xC0  }
0xab: {  	_ =	task [dreg:s6], $0x5FFFF  }
0xac: {  	[dreg:$0x1] =	wrdreg $0xFFFFFFFF  }
0xad: {  	[dreg:$0x0] =	wrdreg $0x60  }
0xae: {  	[dreg:$0x2] =	wrdreg s24  }
0xaf: {  	[dreg:$0x3] =	wrdreg $0xA8000  }
0xb0: {  	[dreg:$0x4] =	wrdreg $0x148000  }
0xb1: {  	[dreg:$0x5] =	wrdreg $0x9  }
0xb2: {  	_ =	task.clear_ibuf [dreg:s6], $0x6FFFF;
	_ =	strace $0x9000004C  }
0xb3: {  	s29 =	simm.s32 $0x9;
	_ =	strace $0x8000004E  }
0xb4: {  	_ =	swait.ge [sflag:s29], $0x1  }
0xb5: {  	[sflag:s29] =	ssyncadd.s32 $0xFFFFFFFF  }
0xb6: {  	_ =	strace $0x9000004E  }
0xb7: {  	_ =	sfence  }
0xb8: {  	s30 =	sld [smem:$0x0];
	_ =	sdelay $0x2  }
0xb9: {  	s31 =	sshll.u32 s1, $0xD;
	s1 =	sshrl.u32 s1, $0x2  }
0xba: {  	s3 =	sand.u32 $0x4000, s31;
	s1 =	sadd.s32 s1, s30  }
0xbb: {  	s0 =	sor.u32 s3, s0;
	s1 =	sshll.u32 s1, $0x11  }
0xbc: {  	s0 =	sor.u32 s1, s0  }
0xbd: {  	s0 =	sadd.s32 $0x8F2B, s0  }
0xbe: {  	[sflag:s0] =	ssyncadd.remote.s32 $0x1  }
0xbf: {  	_ =	sfence.sel $0xFFFF  }
0xc0: {  	[dreg:$0x0] =	wrdreg $0xFFFFFFFF;
	(pc) =	sbr.abs _section_cstart, $3  }
0xc1: {  	[dreg:$0x1] =	wrdreg $0xFFFFFFFF  }
0xc2: {  	_ =	task.clear_ibuf [dreg:s6], $0x2FFFF;
	_ =	strace $0x9FFFFFFF  }
0xc3: {  	(tm) =	ssettm $0x7FFFFFFF  }
tec
execute0_lowered:
.L_overlay_start_1:
0x0: {  	(tag) =	ssettag $0x1  }
0x1: {  	s0 =	rddreg [dreg:$0x0]  }
0x2: {  	s1 =	rddreg [dreg:$0x1]  }
0x3: {  	s3 =	rddreg [dreg:$0x2]  }
0x4: {  	s4 =	simm.s32 $0x0;
	s2 =	srdreg.scid;
	s12 =	stileid.u32  }
0x5: {  	s31 =	simm.s32 $0x1;
	s28 =	simm.s32 $0x80;
	s6 =	smul.u32 $0x14000, s12  }
0x6: {  	s30 =	simm.s32 $0x2;
	s29 =	simm.s32 $0x3;
	s8 =	smul.u32 $0x9E00, s12  }
0x7: {  	[smem:$0x7FF] =	sst s4;
	s2 =	sand.u32 $0x1, s2;
	s20 =	smul.u32 $0xA000, s12  }
0x8: {  	s9 =	sadd.s32 $0x4000, s0;
	s5 =	sadd.s32 $0x3FC00, s0;
	s23 =	smul.u32 $0x28000, s12  }
0x9: {  	s11 =	sshll.u32 s12, $0x6;
	s17 =	smul.u32 $0x13C0, s12;
	s7 =	sshll.u32 s2, $0x6  }
0xa: {  	_ =	strace $0x8000004D;
	s2 =	ssub.s32 $0x2, s2;
	s6 =	sor.u32 s7, s6  }
0xb: {  	s14 =	sor.u32 $0x1C13, s11;
	s18 =	sshrl.u32 s8, $0x3;
	s6 =	sshrl.u32 s6, $0x3  }
0xc: {  	s11 =	simm.s32 $0x0;
	s0 =	sadd.s32 s6, s0;
	s6 =	sadd.s32 s9, s18  }
0xd: {  	s19 =	sshrl.u32 s2, $0x1;
	s26 =	sadd.s32 s20, s1;
	s7 =	sadd.s32 $0x20, s6  }
0xe: {  	s8 =	sshrl.u32 s23, $0x2;
	s21 =	sadd.s32 $0x40, s6;
	[dreg:$0x4] =	wrdreg s7  }
0xf: {  	s2 =	ssub.s32 s2, s19;
	s22 =	sadd.s32 $0x60, s6;
	[dreg:$0x5] =	wrdreg s21  }
0x10: {  	s8 =	sadd.s32 s8, s3;
	s10 =	sadd.s32 $0x80, s6;
	[dreg:$0x6] =	wrdreg s22  }
0x11: {  	s15 =	sadd.s32 $0x2000, s8;
	s24 =	sadd.s32 $0xA0, s6;
	[dreg:$0x7] =	wrdreg s10  }
0x12: {  	s18 =	sadd.s32 $0x4000, s8;
	s25 =	sadd.s32 $0xC0, s6;
	[dreg:$0x8] =	wrdreg s24  }
0x13: {  	s19 =	sadd.s32 $0x6000, s8;
	s13 =	sadd.s32 $0x17C00, s0;
	[dreg:$0x9] =	wrdreg s25  }
0x14: {  	s8 =	sadd.s32 $0x8000, s8;
	s0 =	sadd.s32 $0x40000, s0;
	[dreg:$0xa] =	wrdreg s13  }
0x15: {  	s23 =	sshrl.u32 s15, $0x3;
	s7 =	sadd.s32 s20, s3;
	[dreg:$0xc] =	wrdreg s0  }
0x16: {  	s20 =	smax.u32 s2, $0x1;
	s21 =	sadd.s32 s17, s9;
	[dreg:$0xf] =	wrdreg s23  }
0x17: {  	s22 =	sshrl.u32 s26, $0x3;
	s24 =	sshrl.u32 s18, $0x3;
	[dreg:$0xb] =	wrdreg s7  }
0x18: {  	s25 =	sshrl.u32 s19, $0x3;
	s26 =	sshrl.u32 s8, $0x3;
	[dreg:$0xd] =	wrdreg s20  }
0x19: {  	s17 =	simm.s32 $0x8;
	s2 =	simm.s32 $0x10;
	[dreg:$0xe] =	wrdreg s22  }
0x1a: {  	s8 =	simm.s32 $0x12;
	s9 =	simm.s32 $0xE;
	[dreg:$0x10] =	wrdreg s24  }
0x1b: {  	s10 =	simm.s32 $0xF;
	s16 =	sadd.s32 $0xC0, s21;
	[dreg:$0x11] =	wrdreg s25  }
0x1c: {  	[dreg:$0x12] =	wrdreg s26;
	s26 =	simm.s32 $0x13;
	s7 =	simm.s32 $0x11  }
.LBB2_1:
0x1d: {  	[tilespmem:s4], [sflag:$0x1] =	stream.linear.gather [hbm4b:s6+s4], $0x100, $0x38;
	[tilespmem:$0x1E800] =	vst v63  }
0x1e: {  	s0 =	rddreg [dreg:$0x4]  }
0x1f: {  	s20 =	rddreg [dreg:$0x5]  }
0x20: {  	s13 =	simm.s32 $0x100;
	s21 =	rddreg [dreg:$0x6]  }
0x21: {  	[tilespmem:s13], [sflag:$0x2] =	stream.linear.gather [hbm4b:s0+s4], $0x100, $0x38;
	[tilespmem:$0x1E800] =	vst v63  }
0x22: {  	s15 =	simm.s32 $0x200;
	s22 =	rddreg [dreg:$0x7]  }
0x23: {  	[tilespmem:s15], [sflag:$0x3] =	stream.linear.gather [hbm4b:s20+s4], $0x100, $0x38;
	[tilespmem:$0x1E800] =	vst v63  }
0x24: {  	s12 =	simm.s32 $0x300;
	s24 =	rddreg [dreg:$0x8]  }
0x25: {  	[tilespmem:s12], [sflag:$0x4] =	stream.linear.gather [hbm4b:s21+s4], $0x100, $0x38;
	[tilespmem:$0x1E800] =	vst v63  }
0x26: {  	s23 =	simm.s32 $0x400;
	s19 =	rddreg [dreg:$0xa]  }
0x27: {  	[tilespmem:s23], [sflag:$0x5] =	stream.linear.gather [hbm4b:s22+s4], $0x100, $0x38;
	[tilespmem:$0x1E800] =	vst v63  }
0x28: {  	s25 =	simm.s32 $0x500;
	s20 =	rddreg [dreg:$0xe]  }
0x29: {  	[tilespmem:s25], [sflag:$0x6] =	stream.linear.gather [hbm4b:s24+s4], $0x100, $0x38;
	[tilespmem:$0x1E800] =	vst v63  }
0x2a: {  	s18 =	simm.s32 $0x600;
	s12 =	rddreg [dreg:$0x9]  }
0x2b: {  	[tilespmem:s18], [sflag:$0x7] =	stream.linear.gather [hbm4b:s12+s4], $0x100, $0x38;
	[tilespmem:$0x1E800] =	vst v63  }
0x2c: {  	[spmem:s20@s17], [sflag:s14] =	dma.strided [hbm:s19@s2], $0x1400, s31, $0x8   }
0x2d: {  	_ =	swait.ge [sflag:s26], $0x1400  }
0x2e: {  	[sflag:s26] =	ssyncset.done $0x0;
	s21 =	rddreg [dreg:$0xb]  }
0x2f: {  	[sflag:s26] =	ssyncadd.s32 $0xFFFFEC00;
	s12 =	sshrl.u32 s21, $0x3  }
0x30: {  	[spmem:s12], [sflag:s14] =	dma.local [hbm:s5], $0x400  }
0x31: {  	_ =	swait.ge [sflag:s26], $0x400  }
0x32: {  	[sflag:s26] =	ssyncset.done $0x0  }
0x33: {  	s22 =	rddreg [dreg:$0xf];
	[sflag:s26] =	ssyncadd.s32 $0xFFFFFC00  }
0x34: {  	[spmem:s22], [sflag:s14] =	dma.local [hbm:s5], $0x400  }
0x35: {  	_ =	swait.ge [sflag:s26], $0x400  }
0x36: {  	[sflag:s26] =	ssyncset.done $0x0  }
0x37: {  	s23 =	rddreg [dreg:$0x10];
	[sflag:s26] =	ssyncadd.s32 $0xFFFFFC00  }
0x38: {  	[spmem:s23], [sflag:s14] =	dma.local [hbm:s5], $0x400  }
0x39: {  	_ =	swait.ge [sflag:s26], $0x400  }
0x3a: {  	[sflag:s26] =	ssyncset.done $0x0  }
0x3b: {  	s24 =	rddreg [dreg:$0x11];
	[sflag:s26] =	ssyncadd.s32 $0xFFFFFC00  }
0x3c: {  	[spmem:s24], [sflag:s14] =	dma.local [hbm:s5], $0x400  }
0x3d: {  	_ =	swait.ge [sflag:s26], $0x400  }
0x3e: {  	[sflag:s26] =	ssyncset.done $0x0  }
0x3f: {  	s25 =	rddreg [dreg:$0x12];
	[sflag:s26] =	ssyncadd.s32 $0xFFFFFC00  }
0x40: {  	[spmem:s25], [sflag:s14] =	dma.local [hbm:s5], $0x400  }
0x41: {  	_ =	swait.ge [sflag:s26], $0x400  }
0x42: {  	[sflag:s26] =	ssyncset.done $0x0  }
0x43: {  	[sflag:s26] =	ssyncadd.s32 $0xFFFFFC00  }
0x44: {  	[bflag:$0x0] =	sbarrier.arrive $0xFFFF  }
0x45: {  	_ =	swait.ge [sflag:s31], $0x100  }
0x46: {  	[sflag:s31] =	ssyncset.done $0x0  }
0x47: {  	s17 =	simm.s32 $0x800;
	[sflag:s31] =	ssyncadd.s32 $0xFFFFFF00  }
0x48: {  	[tilespmem:s17], [sflag:$0x9] =	stream.indirect.gather [spmem:s1], $0x40, s4, s28, $0xb8;
	[tilespmem:$0x1E800] =	vst v63  }
0x49: {  	_ =	swait.ge [sflag:s30], $0x100  }
0x4a: {  	[sflag:s30] =	ssyncset.done $0x0  }
0x4b: {  	p0 =	por $0x0, $0x0;
	s18 =	simm.s32 $0x2800;
	[sflag:s30] =	ssyncadd.s32 $0xFFFFFF00  }
0x4c: {  	[tilespmem:s18], [sflag:$0xA] =	stream.indirect.gather [spmem:s1], $0x40, s13, s28, $0xb8;
	[tilespmem:$0x1E800] =	vst v63  }
0x4d: {  	p1 =	por @!p0 $0x1, $0x1;
	_ =	swait.ge [sflag:s29], $0x100  }
0x4e: {  	s19 =	simm.s32 $0x4800;
	s20 =	simm.s32 $0x3;
	[sflag:s29] =	ssyncset.done $0x0  }
0x4f: {  	s21 =	sand.u32 $0xFF, s20;
	s13 =	sand.u32 $0x7, s20;
	[sflag:s29] =	ssyncadd.s32 $0xFFFFFF00  }
0x50: {  	[tilespmem:s19], [sflag:$0xB] =	stream.indirect.gather [spmem:s1], $0x40, s15, s28, $0xb8;
	[tilespmem:$0x1E800] =	vst v63  }
0x51: {  	p2 =	por @!p0 $0x1, $0x1;
	s17 =	sadd.s32 @!p0 $0x1, s13;
	s15 =	smul.u32 $0xCD, s21  }
0x52: {  	p1 =	por p1, p0;
	s22 =	smul.u32 $0xCD, s4;
	_ =	swait.ge @!p0 [sflag:s17], $0x100  }
0x53: {  	p2 =	por p2, p0;
	s15 =	sshrl.u32 s15, $0xA;
	[sflag:s17] =	ssyncset.done @!p0 $0x0  }
0x54: {  	s15 =	smul.u32 $0x5, s15;
	[sflag:s17] =	ssyncadd.s32 @!p0 $0xFFFFFF00;
	s17 =	sshrl.u32 s22, $0xA  }
0x55: {  	s24 =	sand.u32 $0x700, s4;
	s18 =	simm.s32 @!p1 $0x6;
	s17 =	sand.u32 $0x3F, s17  }
0x56: {  	s13 =	sshll.u32 @!p0 s13, $0x8;
	s15 =	ssub.s32 $0x3, s15;
	s17 =	smul.u32 $0x5, s17  }
0x57: {  	s18 =	sand.u32 @!p1 $0x7, s18;
	s21 =	simm.s32 @!p0 $0x80;
	s15 =	sand.u32 $0xFF, s15  }
0x58: {  	s19 =	sadd.s32 @!p2 $0xE, s15;
	s20 =	sshll.u32 @!p0 s15, $0xD;
	s17 =	ssub.s32 $0x0, s17  }
0x59: {  	s15 =	sadd.s32 @!p0 $0x9, s15;
	_ =	swait.ge @!p2 [sflag:s19], $0x2000;
	s23 =	sand.u32 $0xFF, s17  }
0x5a: {  	[sflag:s19] =	ssyncset.done @!p2 $0x0;
	s25 =	sshll.u32 s23, $0xD;
	s17 =	sadd.s32 $0x9, s23  }
0x5b: {  	[sflag:s19] =	ssyncadd.s32 @!p2 $0xFFFFE000;
	s19 =	sor.u32 @!p0 $0x800, s20;
	s20 =	sor.u32 $0x800, s25  }
0x5c: {  	[tilespmem:s19], [sflag:s15] =	stream.indirect.gather @!p0 [spmem:s1], $0x40, s13, s21, $0xb8;
	[tilespmem:$0x1E800] =	vst v63  }
0x5d: {  	s15 =	sshll.u32 @!p1 s18, $0x8;
	s18 =	sadd.s32 @!p1 $0x1, s18;
	s19 =	simm.s32 @!p1 $0x0  }
0x5e: {  	[tilespmem:s15], [sflag:s18] =	stream.linear.gather @!p1 [hbm4b:s16+s19], $0x100, $0x38;
	[tilespmem:$0x1E800] =	vst v63  }
0x5f: {  	s13 =	simm.s32 $0x1;
	s21 =	sor.u32 $0x80, s24;
	s15 =	simm.s32 $0x100  }
0x60: {  	s19 =	sadd.s32 $0xE, s23;
	s18 =	smov.u32 s16;
	_ =	swait.ge [sflag:s17], $0x2000  }
.LBB2_2:
0x61: {  	[sflag:s17] =	ssyncset.done $0x0  }
0x62: {  	s18 =	sadd.s32 $0x20, s18;
	s22 =	smov.u32 s13;
	s13 =	sadd.s32 $0x1, s13  }
0x63: {  	s23 =	sadd.s32 $0x3, s22;
	p0 =	sne.s32 s13, $0x9E;
	[sflag:s17] =	ssyncadd.s32 $0xFFFFE000  }
0x64: {  	[spmem:s3] =	stream.indirect.scatter.add.f32 [tilespmem:s20], [sflag:s19], $0x40, s21, s28, $0xb8;
	[tilespmem:$0x1E800] =	vst v63  }
0x65: {  	p1 =	sgt.u32 s22, $0x9A;
	s17 =	sand.u32 $0x7, s23;
	s19 =	sand.u32 $0xFF, s23  }
0x66: {  	s21 =	sadd.s32 @!p1 $0xFFFFFFFF, s22;
	s19 =	smul.u32 $0xCD, s19;
	s20 =	sadd.s32 @!p1 $0x1, s17  }
0x67: {  	s17 =	sshll.u32 @!p1 s17, $0x8;
	p2 =	sgt.u32 @!p1 s21, $0x96;
	_ =	swait.ge @!p1 [sflag:s20], $0x100  }
0x68: {  	p2 =	por p2, p1;
	s19 =	sshrl.u32 s19, $0xA;
	[sflag:s20] =	ssyncset.done @!p1 $0x0  }
0x69: {  	s19 =	smul.u32 $0x5, s19;
	[sflag:s20] =	ssyncadd.s32 @!p1 $0xFFFFFF00;
	s20 =	sadd.s32 @!p2 $0x6, s22  }
0x6a: {  	s20 =	sand.u32 @!p2 $0x7, s20  }
0x6b: {  	p3 =	slt.u32 @!p1 s22, $0x2;
	s21 =	smul.u32 $0xCD, s22;
	s19 =	ssub.s32 s23, s19  }
0x6c: {  	p3 =	por p3, p1;
	s19 =	sand.u32 $0xFF, s19;
	s23 =	sshll.u32 @!p2 s20, $0x8  }
0x6d: {  	s21 =	sshrl.u32 s21, $0xA;
	s24 =	sadd.s32 @!p3 $0xE, s19;
	s25 =	sshll.u32 @!p1 s19, $0xD  }
0x6e: {  	s21 =	sand.u32 $0x3F, s21;
	s20 =	sadd.s32 @!p2 $0x1, s20;
	_ =	swait.ge @!p3 [sflag:s24], $0x2000  }
0x6f: {  	s0 =	simm.s32 @!p1 $0x80;
	s21 =	smul.u32 $0x5, s21;
	[sflag:s24] =	ssyncset.done @!p3 $0x0  }
0x70: {  	s19 =	sadd.s32 @!p1 $0x9, s19;
	[sflag:s24] =	ssyncadd.s32 @!p3 $0xFFFFE000;
	s24 =	sor.u32 @!p1 $0x800, s25  }
0x71: {  	[tilespmem:s24], [sflag:s19] =	stream.indirect.gather @!p1 [spmem:s1], $0x40, s17, s0, $0xb8;
	[tilespmem:$0x1E800] =	vst v63  }
.Ltmp0:
0x72: {  	s0 =	ssub.s32 s22, s21;
	s17 =	simm.s32 @!p2 $0x0;
	(pc) =	sbr.rel @p0 .LBB2_2-.Ltmp0, $4  }
0x73: {  	[tilespmem:s23], [sflag:s20] =	stream.linear.gather @!p2 [hbm4b:s18+s17], $0x100, $0x38;
	[tilespmem:$0x1E800] =	vst v63  }
0x74: {  	s21 =	sand.u32 $0x700, s15;
	s15 =	sadd.s32 $0x100, s15;
	s0 =	sand.u32 $0xFF, s0  }
0x75: {  	s20 =	sshll.u32 s0, $0xD;
	s17 =	sadd.s32 $0x9, s0;
	s19 =	sadd.s32 $0xE, s0  }
0x76: {  	s21 =	sor.u32 $0x80, s21;
	s20 =	sor.u32 $0x800, s20;
	_ =	swait.ge [sflag:s17], $0x2000  }
0x77: {  	[sflag:s17] =	ssyncset.done $0x0  }
0x78: {  	[sflag:s17] =	ssyncadd.s32 $0xFFFFE000  }
0x79: {  	[spmem:s3] =	stream.indirect.scatter.add.f32 [tilespmem:s20], [sflag:s19], $0x40, s21, s28, $0xb8;
	[tilespmem:$0x1E800] =	vst v63  }
0x7a: {  	_ =	swait.ge [sflag:s7], $0x2000  }
0x7b: {  	[sflag:s7] =	ssyncset.done $0x0  }
0x7c: {  	[sflag:s7] =	ssyncadd.s32 $0xFFFFE000  }
0x7d: {  	_ =	swait.ge [sflag:s8], $0x2000  }
0x7e: {  	[sflag:s8] =	ssyncset.done $0x0  }
0x7f: {  	[sflag:s8] =	ssyncadd.s32 $0xFFFFE000  }
0x80: {  	_ =	swait.ge [sflag:s9], $0x2000  }
0x81: {  	[sflag:s9] =	ssyncset.done $0x0  }
0x82: {  	[sflag:s9] =	ssyncadd.s32 $0xFFFFE000  }
0x83: {  	_ =	swait.ge [sflag:s10], $0x2000  }
0x84: {  	[sflag:s10] =	ssyncset.done $0x0  }
0x85: {  	[sflag:s10] =	ssyncadd.s32 $0xFFFFE000  }
0x86: {  	_ =	swait.ge [sflag:s2], $0x2000  }
0x87: {  	[sflag:s2] =	ssyncset.done $0x0  }
0x88: {  	[sflag:s2] =	ssyncadd.s32 $0xFFFFE000  }
0x89: {  	[bflag:$0x0] =	sbarrier.arrive $0xFFFF  }
0x8a: {  	s17 =	simm.s32 $0x8;
	s0 =	rddreg [dreg:$0xc]  }
0x8b: {  	[hbm:s0@s2], [sflag:s14] =	dma.strided [spmem:s12@s17], $0x1400, s31, $0x8   }
0x8c: {  	_ =	swait.ge [sflag:s26], $0x1400  }
0x8d: {  	s11 =	sadd.s32 $0x1, s11;
	s25 =	rddreg [dreg:$0xd]  }
0x8e: {  	p0 =	sne.s32 s11, s25  }
.Ltmp1:
0x8f: {  	_ = 	snop;
	(pc) =	sbr.rel @p0 .LBB2_1-.Ltmp1, $3  }
0x90: {  	_ =	sdelay $0x1  }
0x91: {  	[sflag:s26] =	ssyncset.done $0x0  }
0x92: {  	[sflag:s26] =	ssyncadd.s32 $0xFFFFEC00  }
0x93: {  	_ =	sfence.sel $0x180000  }
0x94: {  	[bflag:$0x0] =	sbarrier.arrive $0xFFFF  }
0x95: {  	_ =	strace $0x9000004D  }
0x96: {  	s0 =	stileid.u32;
	[bflag:$0x2] =	sbarrier.arrive $0xFFFF  }
0x97: {  	p0 =	sne.s32 s0, $0x0;
	s0 =	rddreg [dreg:$0x3]  }
0x98: {  	s0 =	sadd.s32 @!p0 $0x100000, s0  }
0x99: {  	[sflag:s0] =	ssyncadd.tile.s32 @!p0 $0x1;
	_ =	shalt  }
.Lfunc_end2:
_tile_overlayer_lowered:
.L_overlay_start_2:
0x9a: {  	(tag) =	ssettag $0x2  }
0x9b: {  	s0 =	rddreg [dreg:$0x0];
	s2 =	stileid.u32  }
0x9c: {  	s1 =	rddreg [dreg:$0x1];
	p0 =	sne.s32 s2, $0x0  }
0x9d: {  	s3 =	rddreg [dreg:$0x2];
	[bflag:$0x3] =	sbarrier.arrive $0xFFFF;
	s2 =	simm.s32 @!p0 $0x1C13  }
0x9e: {  	[timem:s3], [sflag:s2] =	dma.local @!p0 [hbm:s0], s1  }
0x9f: {  	s0 =	simm.s32 @!p0 $0x13  }
0xa0: {  	_ =	swait.ge @!p0 [sflag:s0], s1  }
0xa1: {  	s1 =	ssub.s32 @!p0 $0x0, s1;
	[sflag:s0] =	ssyncset.done @!p0 $0x0  }
0xa2: {  	[sflag:s0] =	ssyncadd.s32 @!p0 s1  }
0xa3: {  	[bflag:$0x3] =	sbarrier.arrive $0xFFFF  }
0xa4: {  	_ =	shalt  }

// kernel: kernel.9.cloned.1.call-start
scs
__scs_entry_jumppad:
0x0: {  	(pc) =	sbr.rel $0x88, $3  }
0x1: {  	(tag) =	ssettag $0x0;
	lr =	simm.s32 $0x1  }
0x2: {  	[smem:$0x3F91] =	sst lr;
	_ =	strace $0xD0000000  }
0x3: {  	_ = 	snop  }
0x4: {  	_ = 	snop  }
0x5: {  	_ = 	snop  }
0x6: {  	_ = 	snop  }
0x7: {  	_ = 	snop  }
__scs_overlays_trampoline_lowered:
0x8: {  	[smem:$0x3FA0] =	sst s0  }
0x9: {  	[smem:$0x3FA1] =	sst s1  }
0xa: {  	[smem:$0x3FA2] =	sst s2  }
0xb: {  	[smem:$0x3FA3] =	sst s3  }
0xc: {  	[smem:$0x3FA4] =	sst s4  }
0xd: {  	[smem:$0x3FA5] =	sst s5  }
0xe: {  	[smem:$0x3FA6] =	sst s6  }
0xf: {  	[smem:$0x3FA7] =	sst s7  }
0x10: {  	[smem:$0x3FA8] =	sst s8  }
0x11: {  	[smem:$0x3FA9] =	sst s9;
	s0 =	simm.s32 @!p0 $0x0  }
0x12: {  	s1 =	sld [smem:$0x3F8F];
	s0 =	simm.s32 @p0 $0x1  }
0x13: {  	[smem:$0x3FAA] =	sst s0;
	s0 =	simm.s32 @!p1 $0x0  }
0x14: {  	s2 =	sld [smem:$0x3F8E];
	s0 =	simm.s32 @p1 $0x1  }
0x15: {  	[smem:$0x3FAB] =	sst s0;
	s0 =	simm.s32 @!p2 $0x0  }
0x16: {  	s3 =	sld [smem:$0x3FDB];
	s0 =	simm.s32 @p2 $0x1  }
0x17: {  	s4 =	simm.s32 $0x1BF5;
	[smem:$0x3FAD] =	sst s0  }
0x18: {  	s0 =	sld [smem:$0x3F90];
	_ =	swait.ge [sflag:s4], $0x0  }
0x19: {  	s7 =	sld [smem:$0x3F91]  }
0x1a: {  	s8 =	sadd.s32 $0xFFFFE003, lr  }
0x1b: {  	s9 =	sadd.s32 $0xFFFFFEF7, lr;
	s5 =	simm.s32 $0xFFFFFFFF;
	p2 =	slt.u32 s8, $0xFFFFF086  }
0x1c: {  	p1 =	slt.u32 s9, $0xF7A;
	s5 =	simm.s32 @!p2 $0x0  }
0x1d: {  	s5 =	simm.s32 @p1 $0x1;
	p0 =	seq.s32 s7, s2  }
0x1e: {  	s7 =	smul.u32 @!p0 $0xF7A, s2;
	p2 =	seq.s32 @!p0 s5, $0x0  }
0x1f: {  	s9 =	smul.u32 $0xF7A, s1;
	s8 =	simm.s32 @!p0 $0x1BF5;
	p2 =	por !p2, p0  }
0x20: {  	[sflag:s8] =	ssyncset.s32 @!p0 $0xFFFFF086;
	s6 =	sadd.s32 @!p0 s3, s7;
	s7 =	simm.s32 @!p0 $0x108  }
0x21: {  	s3 =	sadd.s32 s3, s9;
	s6 =	sadd.s32 @!p0 $0x88, s6;
	s7 =	simm.s32 @p2 $0x1082  }
0x22: {  	[simem:s7], [sflag:s8] =	dma.local @!p0 [hbm:s6], $0xF7A  }
0x23: {  	s9 =	sor.u32 $0xD0000000, s2;
	s6 =	simm.s32 $0x108;
	_ =	swait.ge @!p0 [sflag:s8], $0x0  }
0x24: {  	s3 =	sadd.s32 $0x88, s3;
	s6 =	simm.s32 @!p1 $0x1082;
	[sflag:s4] =	ssyncset.s32 $0xFFFFF086  }
0x25: {  	[simem:s6], [sflag:s4] =	dma.local [hbm:s3], $0xF7A  }
0x26: {  	[smem:$0x3F91] =	sst s1;
	(tag) =	ssettag s2;
	_ =	strace s9  }
0x27: {  	s1 =	sld [smem:$0x3FA1]  }
0x28: {  	s2 =	sld [smem:$0x3FA2]  }
0x29: {  	s4 =	sld [smem:$0x3FA4]  }
0x2a: {  	p0 =	seq.s32 s5, $0x0;
	s5 =	sld [smem:$0x3FA5]  }
0x2b: {  	s6 =	sld [smem:$0x3FA6]  }
0x2c: {  	s7 =	sld [smem:$0x3FA7]  }
0x2d: {  	s3 =	simm.s32 $0x108;
	s8 =	sld [smem:$0x3FA8]  }
0x2e: {  	s3 =	simm.s32 @!p0 $0x1082;
	s9 =	sld [smem:$0x3FA9]  }
0x2f: {  	lr =	sadd.s32 s0, s3;
	s0 =	sld [smem:$0x3FA0]  }
0x30: {  	s3 =	sld [smem:$0x3FA3]  }
0x31: {  	[smem:$0x3FAC] =	sst s10  }
0x32: {  	s10 =	sld [smem:$0x3FAA];
	_ =	sdelay $0x3  }
0x33: {  	p0 =	seq.s32 s10, $0x1;
	s10 =	sld [smem:$0x3FAC];
	_ =	sdelay $0x3  }
0x34: {  	[smem:$0x3FAC] =	sst s10  }
0x35: {  	s10 =	sld [smem:$0x3FAB];
	_ =	sdelay $0x3  }
0x36: {  	p1 =	seq.s32 s10, $0x1;
	s10 =	sld [smem:$0x3FAC];
	_ =	sdelay $0x3  }
0x37: {  	[smem:$0x3FAC] =	sst s10  }
0x38: {  	s10 =	sld [smem:$0x3FAD]  }
0x39: {  	_ = 	snop;
	(pc) =	sbr.ind lr, $3  }
0x3a: {  	_ = 	snop  }
0x3b: {  	_ = 	snop  }
0x3c: {  	p2 =	seq.s32 s10, $0x1;
	s10 =	sld [smem:$0x3FAC]  }
0x3d: {  	_ =	shalt  }
0x3e: {  	_ =	shalt  }
0x3f: {  	_ =	shalt  }
0x40: {  	_ =	shalt  }
0x41: {  	_ =	shalt  }
0x42: {  	_ =	shalt  }
0x43: {  	_ =	shalt  }
0x44: {  	_ =	shalt  }
0x45: {  	_ =	shalt  }
0x46: {  	_ =	shalt  }
0x47: {  	_ =	shalt  }
0x48: {  	_ =	shalt  }
0x49: {  	_ =	shalt  }
0x4a: {  	_ =	shalt  }
0x4b: {  	_ =	shalt  }
0x4c: {  	_ =	shalt  }
0x4d: {  	_ =	shalt  }
0x4e: {  	_ =	shalt  }
0x4f: {  	_ =	shalt  }
0x50: {  	_ =	shalt  }
0x51: {  	_ =	shalt  }
0x52: {  	_ =	shalt  }
0x53: {  	_ =	shalt  }
0x54: {  	_ =	shalt  }
0x55: {  	_ =	shalt  }
0x56: {  	_ =	shalt  }
0x57: {  	_ =	shalt  }
0x58: {  	_ =	shalt  }
0x59: {  	_ =	shalt  }
0x5a: {  	_ =	shalt  }
0x5b: {  	_ =	shalt  }
0x5c: {  	_ =	shalt  }
0x5d: {  	_ =	shalt  }
0x5e: {  	_ =	shalt  }
0x5f: {  	_ =	shalt  }
0x60: {  	_ =	shalt  }
0x61: {  	_ =	shalt  }
0x62: {  	_ =	shalt  }
0x63: {  	_ =	shalt  }
0x64: {  	_ =	shalt  }
0x65: {  	_ =	shalt  }
0x66: {  	_ =	shalt  }
0x67: {  	_ =	shalt  }
0x68: {  	_ =	shalt  }
0x69: {  	_ =	shalt  }
0x6a: {  	_ =	shalt  }
0x6b: {  	_ =	shalt  }
0x6c: {  	_ =	shalt  }
0x6d: {  	_ =	shalt  }
0x6e: {  	_ =	shalt  }
0x6f: {  	_ =	shalt  }
0x70: {  	_ =	shalt  }
0x71: {  	_ =	shalt  }
0x72: {  	_ =	shalt  }
0x73: {  	_ =	shalt  }
0x74: {  	_ =	shalt  }
0x75: {  	_ =	shalt  }
0x76: {  	_ =	shalt  }
0x77: {  	_ =	shalt  }
0x78: {  	_ =	shalt  }
0x79: {  	_ =	shalt  }
0x7a: {  	_ =	shalt  }
0x7b: {  	_ =	shalt  }
0x7c: {  	_ =	shalt  }
0x7d: {  	_ =	shalt  }
0x7e: {  	_ =	shalt  }
0x7f: {  	_ =	shalt  }
0x80: {  	_ =	shalt  }
0x81: {  	_ =	shalt  }
0x82: {  	_ =	shalt  }
0x83: {  	_ =	shalt  }
0x84: {  	_ =	shalt  }
0x85: {  	_ =	shalt  }
0x86: {  	_ =	shalt  }
0x87: {  	_ =	shalt  }
.Lfunc_end0:
.L_simem_size_0:
called_computation_lowered:
.L_overlay_start_0:
0x88: {  	s2 =	sld [smem:$0x3FD9]  }
0x89: {  	s3 =	sld [smem:$0x3FFE];
	_ =	sdelay $0x1  }
0x8a: {  	s1 =	srdreg.scid  }
0x8b: {  	s0 =	sand.u32 $0x1, s1  }
0x8c: {  	s14 =	sshll.u32 s0, $0xA;
	s2 =	sadd.s32 s3, s2  }
0x8d: {  	s2 =	sadd.s32 s2, s14  }
0x8e: {  	[smem:$0x3FB8] =	sst s2  }
0x8f: {  	_ = 	snop  }
0x90: {  	s2 =	sld [smem:$0x3FD0];
	_ =	sdelay $0x2  }
0x91: {  	s15 =	simm.s32 $0xA;
	s4 =	simm.s32 $0x10  }
0x92: {  	[smem:s4], [sflag:s15] =	dma.local [hbm:s2], $0x1  }
0x93: {  	_ =	swait.eq [sflag:s15], $0x1  }
0x94: {  	[sflag:s15] =	ssyncset.done $0x0  }
0x95: {  	s16 =	sld [smem:$0x10];
	[sflag:s15] =	ssyncadd.s32 $0xFFFFFFFF  }
0x96: {  	s17 =	sld [smem:$0x11];
	(tm) =	ssettm $0x1  }
0x97: {  	s18 =	sld [smem:$0x3FFB];
	_ =	sdelay $0x3  }
0x98: {  	_ =	strace s18  }
0x99: {  	s4 =	sld [smem:$0x3FFC];
	_ =	sdelay $0x3  }
0x9a: {  	_ =	strace s4  }
0x9b: {  	s4 =	sld [smem:$0x3FFD];
	_ =	sdelay $0x3  }
0x9c: {  	_ =	strace s4  }
0x9d: {  	_ =	strace $0x8FFFFFFF  }
0x9e: {  	s19 =	sld [smem:$0x3FDB];
	_ =	sdelay $0x1  }
0x9f: {  	s5 =	simm.s32 $_scs_section_size  }
0xa0: {  	s6 =	simm.s32 $_size__tile_overlayer_lowered;
	s7 =	simm.s32 $_tile_overlayer_lowered  }
0xa1: {  	s22 =	simm.s32 $0x1BFF;
	s21 =	sshll.u32 s7, $0x1;
	s4 =	sadd.s32 s5, s19  }
0xa2: {  	s8 =	simm.s32 $0x0;
	s20 =	sshll.u32 s6, $0x1;
	s6 =	sadd.s32 s21, s4  }
0xa3: {  	[timem:s8], [sflag:s22] =	dma.local [hbm:s6], s20  }
0xa4: {  	_ =	swait.ge [sflag:s22], s20  }
0xa5: {  	s5 =	ssub.s32 $0x0, s20;
	[sflag:s22] =	ssyncset.done $0x0  }
0xa6: {  	[sflag:s22] =	ssyncadd.s32 s5;
	_ =	sdelay $0x1  }
0xa7: {  	s23 =	simm.s32 $0x1B8B  }
0xa8: {  	_ =	swait.ge [sflag:s23], $0x1  }
0xa9: {  	[sflag:s23] =	ssyncset.done $0x0  }
0xaa: {  	s25 =	simm.s32 $0x1B8E;
	s24 =	sld [smem:$0x3FFE];
	[sflag:s23] =	ssyncadd.s32 $0xFFFFFFFF  }
0xab: {  	s26 =	simm.s32 $execute0_lowered;
	[smem:$0x3FD2] =	sst s25  }
0xac: {  	s6 =	sshll.u32 s26, $0x1;
	_ =	strace $0x80000046;
	[dreg:$0x1] =	wrdreg $0xFFFFFFFF  }
0xad: {  	s28 =	simm.s32 $_size_execute0_lowered;
	s4 =	sadd.s32 s4, s6;
	[dreg:$0x0] =	wrdreg $0x0  }
0xae: {  	s6 =	sshll.u32 s28, $0x1;
	[dreg:$0x2] =	wrdreg s4  }
0xaf: {  	[dreg:$0x3] =	wrdreg s6  }
0xb0: {  	[dreg:$0x4] =	wrdreg $0xC0  }
0xb1: {  	_ =	task [dreg:s8], $0x5FFFF  }
0xb2: {  	[dreg:$0x1] =	wrdreg $0xFFFFFFFF  }
0xb3: {  	[dreg:$0x0] =	wrdreg $0x60  }
0xb4: {  	[dreg:$0x2] =	wrdreg s24  }
0xb5: {  	[dreg:$0x3] =	wrdreg s17  }
0xb6: {  	[dreg:$0x4] =	wrdreg s16  }
0xb7: {  	[dreg:$0x5] =	wrdreg $0x4F800  }
0xb8: {  	[dreg:$0x6] =	wrdreg $0x9  }
0xb9: {  	_ =	task.clear_ibuf [dreg:s8], $0x7FFFF;
	_ =	strace $0x90000046  }
0xba: {  	s29 =	simm.s32 $0x9;
	_ =	strace $0x80000048  }
0xbb: {  	_ =	swait.ge [sflag:s29], $0x1  }
0xbc: {  	[sflag:s29] =	ssyncadd.s32 $0xFFFFFFFF  }
0xbd: {  	_ =	strace $0x90000048  }
0xbe: {  	_ =	sfence  }
0xbf: {  	s30 =	sld [smem:$0x0];
	_ =	sdelay $0x2  }
0xc0: {  	s31 =	sshll.u32 s1, $0xD;
	s1 =	sshrl.u32 s1, $0x2  }
0xc1: {  	s3 =	sand.u32 $0x4000, s31;
	s1 =	sadd.s32 s1, s30  }
0xc2: {  	s0 =	sor.u32 s3, s0;
	s1 =	sshll.u32 s1, $0x11  }
0xc3: {  	s0 =	sor.u32 s1, s0  }
0xc4: {  	s0 =	sadd.s32 $0x8F2B, s0  }
0xc5: {  	[sflag:s0] =	ssyncadd.remote.s32 $0x1  }
0xc6: {  	_ =	sfence.sel $0xFFFF  }
0xc7: {  	[dreg:$0x0] =	wrdreg $0xFFFFFFFF;
	(pc) =	sbr.abs _section_cstart, $3  }
0xc8: {  	[dreg:$0x1] =	wrdreg $0xFFFFFFFF  }
0xc9: {  	_ =	task.clear_ibuf [dreg:s8], $0x2FFFF;
	_ =	strace $0x9FFFFFFF  }
0xca: {  	(tm) =	ssettm $0x7FFFFFFF  }
0xcb: {  	_ =	shalt  }
tec
execute0_lowered:
.L_overlay_start_1:
0x0: {  	(tag) =	ssettag $0x1  }
0x1: {  	s6 =	rddreg [dreg:$0x0]  }
0x2: {  	s1 =	rddreg [dreg:$0x1]  }
0x3: {  	s3 =	rddreg [dreg:$0x2];
	s2 =	srdreg.scid  }
0x4: {  	s0 =	stileid.u32;
	s4 =	rddreg [dreg:$0x3];
	s5 =	simm.s32 $0x0  }
0x5: {  	s12 =	simm.s32 $0x4F00;
	s13 =	simm.s32 $0x80;
	s14 =	simm.s32 $0x1  }
0x6: {  	s15 =	simm.s32 $0x20;
	s16 =	simm.s32 $0x10;
	s8 =	smul.u32 $0x9E00, s0  }
0x7: {  	s7 =	sand.u32 $0x1, s2;
	s2 =	rddreg [dreg:$0x4];
	s10 =	smul.u32 $0x500, s0  }
0x8: {  	s17 =	simm.s32 $0x0;
	[smem:$0x7FF] =	sst s5;
	s29 =	smul.u32 $0xA00, s0  }
0x9: {  	s9 =	smul.u32 $0x4F00, s7;
	s28 =	sshll.u32 s7, $0x7;
	s7 =	ssub.s32 $0x2, s7  }
0xa: {  	s31 =	sshll.u32 s0, $0x6;
	_ =	strace $0x80000047;
	s30 =	sshrl.u32 s7, $0x1  }
0xb: {  	s8 =	sadd.s32 s9, s8;
	s9 =	sor.u32 s28, s10;
	s10 =	sshrl.u32 s29, $0x2  }
0xc: {  	s11 =	ssub.s32 s7, s30;
	s8 =	sshrl.u32 s8, $0x3;
	s9 =	sshrl.u32 s9, $0x3  }
0xd: {  	s10 =	sadd.s32 s10, s4;
	s8 =	sadd.s32 s8, s6;
	s9 =	sadd.s32 s9, s6  }
0xe: {  	s6 =	sor.u32 $0x1C02, s31;
	s10 =	sshrl.u32 s10, $0x3;
	s7 =	sadd.s32 $0x4000, s8  }
0xf: {  	s8 =	sadd.s32 $0x17C00, s9;
	s9 =	smax.u32 s11, $0x1;
	s11 =	simm.s32 $0x2  }
.LBB2_1:
0x10: {  	[spmem:s10], [sflag:s6] =	dma.local [hbm:s3], $0x50  }
0x11: {  	_ =	swait.ge [sflag:s11], $0x50  }
0x12: {  	[sflag:s11] =	ssyncset.done $0x0  }
0x13: {  	[sflag:s11] =	ssyncadd.s32 $0xFFFFFFB0  }
0x14: {  	[tilespmem:s12], [sflag:$0x2] =	stream.linear.gather [hbm4b:s1+s5], $0x80, $0x38;
	[tilespmem:$0x5200] =	vst v63  }
0x15: {  	_ =	swait.ge [sflag:s11], $0x80  }
0x16: {  	[sflag:s11] =	ssyncset.done $0x0  }
0x17: {  	[sflag:s11] =	ssyncadd.s32 $0xFFFFFF80  }
0x18: {  	[tilespmem:s5], [sflag:$0x2] =	stream.linear.gather [hbm4b:s7+s5], $0x4F00, $0x38;
	[tilespmem:$0x5200] =	vst v63  }
0x19: {  	_ =	swait.ge [sflag:s11], $0x4F00  }
0x1a: {  	[sflag:s11] =	ssyncset.done $0x0  }
0x1b: {  	[sflag:s11] =	ssyncadd.s32 $0xFFFFB100  }
0x1c: {  	s18 =	simm.s32 $0x200;
	[bflag:$0x0] =	sbarrier.arrive $0xFFFF  }
.LBB2_2:
0x1d: {  	p0 =	sne.s32 s18, $0x13A00  }
.Ltmp0:
0x1e: {  	_ = 	snop;
	(pc) =	sbr.rel @p0 .LBB2_2-.Ltmp0, $3  }
0x1f: {  	_ =	sdelay $0x1  }
0x20: {  	s19 =	sshra.s32 s18, $0x2;
	s18 =	sadd.s32 $0x400, s18  }
0x21: {  	[spmem:s4] =	stream.indirect.scatter.add.f32 [tilespmem:s12], [sflag:$0x1], $0x1, s19, s13, $0xb8;
	[tilespmem:$0x5200] =	vst v63  }
0x22: {  	_ =	swait.ge [sflag:s14], $0x80  }
0x23: {  	s18 =	simm.s32 $0x4E;
	[sflag:s14] =	ssyncset.done $0x0  }
.LBB2_4:
0x24: {  	p0 =	sne.s32 s18, $0x1;
	s18 =	sadd.s32 $0xFFFFFFFF, s18;
	[sflag:s14] =	ssyncadd.s32 $0xFFFFFF80  }
.Ltmp1:
0x25: {  	(pc) =	sbr.rel @p0 .LBB2_4-.Ltmp1, $3  }
0x26: {  	_ =	sdelay $0x1  }
0x27: {  	_ =	swait.ge [sflag:s14], $0x80  }
0x28: {  	[sflag:s14] =	ssyncset.done $0x0  }
0x29: {  	s17 =	sadd.s32 $0x1, s17  }
0x2a: {  	[sflag:s14] =	ssyncadd.s32 $0xFFFFFF80;
	p0 =	sne.s32 s17, s9  }
.Ltmp2:
0x2b: {  	[bflag:$0x0] =	sbarrier.arrive $0xFFFF;
	(pc) =	sbr.rel @p0 .LBB2_1-.Ltmp2, $4  }
0x2c: {  	[hbm:s8@s15], [sflag:s6] =	dma.strided [spmem:s10@s16], $0x50, s14, $0x10   }
0x2d: {  	_ =	swait.ge [sflag:s11], $0x50  }
0x2e: {  	[sflag:s11] =	ssyncset.done $0x0  }
0x2f: {  	[sflag:s11] =	ssyncadd.s32 $0xFFFFFFB0  }
0x30: {  	_ =	sfence.sel $0x180000  }
0x31: {  	[bflag:$0x0] =	sbarrier.arrive $0xFFFF  }
0x32: {  	p0 =	sne.s32 s0, $0x0;
	_ =	strace $0x90000047  }
0x33: {  	s0 =	sadd.s32 @!p0 $0x100000, s2;
	[bflag:$0x2] =	sbarrier.arrive $0xFFFF  }
0x34: {  	[sflag:s0] =	ssyncadd.tile.s32 @!p0 $0x1;
	_ =	shalt  }
.Lfunc_end2:
_tile_overlayer_lowered:
.L_overlay_start_2:
0x35: {  	(tag) =	ssettag $0x2  }
0x36: {  	s0 =	rddreg [dreg:$0x0];
	s2 =	stileid.u32  }
0x37: {  	s1 =	rddreg [dreg:$0x1];
	p0 =	sne.s32 s2, $0x0  }
0x38: {  	s3 =	rddreg [dreg:$0x2];
	[bflag:$0x3] =	sbarrier.arrive $0xFFFF;
	s2 =	simm.s32 @!p0 $0x1C02  }
0x39: {  	[timem:s3], [sflag:s2] =	dma.local @!p0 [hbm:s0], s1  }
0x3a: {  	s0 =	simm.s32 @!p0 $0x2  }
0x3b: {  	_ =	swait.ge @!p0 [sflag:s0], s1  }
0x3c: {  	s1 =	ssub.s32 @!p0 $0x0, s1;
	[sflag:s0] =	ssyncset.done @!p0 $0x0  }
0x3d: {  	[sflag:s0] =	ssyncadd.s32 @!p0 s1  }
0x3e: {  	[bflag:$0x3] =	sbarrier.arrive $0xFFFF  }
0x3f: {  	_ =	shalt  }

</sc_bundles>
